<compile_context>
chip_gen: v7x
topology: tpu7x:2x2x1
jax: 0.10.2.dev20260603
libtpu: 0.0.44.dev20260713+nightly
codegen_flags: <defaults>
</compile_context>

<pallas_src>
import functools

import jax
import jax.numpy as jnp
from jax import lax
from jax.experimental import pallas as pl
from jax.experimental.pallas import tpu as pltpu
from jax.experimental.pallas import tpu_sc as plsc

H = 16
NC = 2
NS = 16
NW = NC * NS
LANES = 128
ROWS_PER_CHUNK = 5
CHUNK = LANES * ROWS_PER_CHUNK
PIECE = 16000


def _blk(W):
    return jnp.kron(jnp.eye(8, dtype=jnp.float32), W.astype(jnp.float32))


def _blkb(b):
    return jnp.tile(b.astype(jnp.float32), 8).reshape(1, 8 * b.shape[0])


def _node_pre_body(cx, vx, wce, bce, wve, bve, wcs, wv2c, wvs,
                   s_c, hv2c, s_v):
    f32 = jnp.float32
    h_c0 = jnp.maximum(
        jnp.dot(cx[...], wce[...], preferred_element_type=f32) + bce[...], 0.0)
    h_v = jnp.maximum(
        jnp.dot(vx[...], wve[...], preferred_element_type=f32) + bve[...], 0.0)
    s_c[...] = jnp.dot(h_c0, wcs[...], preferred_element_type=f32)
    hv2c[...] = jnp.dot(h_v, wv2c[...], preferred_element_type=f32)
    s_v[...] = jnp.dot(h_v, wvs[...], preferred_element_type=f32)


def _node_pre(cons_x, var_x, W_ce, b_ce, W_ve, b_ve, W_cself, W_v2c, W_vself):
    n_cons = cons_x.shape[0]
    n_vars = var_x.shape[0]
    dc, dv = cons_x.shape[1], var_x.shape[1]
    nc8, nv8 = n_cons // 8, n_vars // 8
    out_shape = [
        jax.ShapeDtypeStruct((nc8, 8 * H), jnp.float32),
        jax.ShapeDtypeStruct((nv8, 8 * H), jnp.float32),
        jax.ShapeDtypeStruct((nv8, 8 * H), jnp.float32),
    ]
    return pl.pallas_call(_node_pre_body, out_shape=out_shape)(
        cons_x.reshape(nc8, 8 * dc), var_x.reshape(nv8, 8 * dv),
        _blk(W_ce), _blkb(b_ce), _blk(W_ve), _blkb(b_ve),
        _blk(W_cself), _blk(W_v2c), _blk(W_vself))


def _edge_pre_body(ea_t, wee, bee, wout, out8):
    f32 = jnp.float32
    dn = (((0,), (0,)), ((), ()))
    h_p = jnp.maximum(
        lax.dot_general(ea_t[...], wee[...], dn, preferred_element_type=f32)
        + bee[...], 0.0)
    o_p = jnp.dot(h_p, wout[...], preferred_element_type=f32)
    g = pl.program_id(0)
    for s in range(8):
        @pl.when(g % 8 == s)
        def _():
            out8[:, s * H:(s + 1) * H] = o_p


def _edge_pre_one(edge_attr, W_ee, b_ee, W_out):
    E, DE = edge_attr.shape
    assert E % PIECE == 0 and (E // 8) % PIECE == 0
    grid = (E // PIECE,)
    full = lambda shape: pl.BlockSpec(shape, lambda g: (0, 0))
    return pl.pallas_call(
        _edge_pre_body,
        grid=grid,
        in_specs=[
            pl.BlockSpec((DE, PIECE), lambda g: (0, g)),
            full((DE, H)), full((1, H)), full((H, H)),
        ],
        out_specs=pl.BlockSpec((PIECE, 8 * H), lambda g: (g // 8, 0)),
        out_shape=jax.ShapeDtypeStruct((E // 8, 8 * H), jnp.float32),
    )(edge_attr.T, W_ee, b_ee.reshape(1, H), W_out)


def _sc_message_pass(table, eidx3, gdim, elin, n_rows):
    E = eidx3.shape[1] * LANES
    n_chunks = E // CHUNK
    per_w = -(-n_chunks // NW)
    n_pad = -(-n_rows // (NS * 8)) * (NS * 8)
    rows_per_tile = n_pad // NS
    sdim = 1 - gdim

    @functools.partial(
        pl.kernel,
        out_type=jax.ShapeDtypeStruct((NC, n_pad, H), jnp.float32),
        mesh=plsc.VectorSubcoreMesh(core_axis_name="c", subcore_axis_name="s",
                                    num_cores=NC, num_subcores=NS),
        compiler_params=pltpu.CompilerParams(use_tc_tiling_on_sc=False,
                                             needs_layout_passes=False),
        scratch_types=[
            pltpu.VMEM((ROWS_PER_CHUNK, LANES), jnp.int32),
            pltpu.VMEM((ROWS_PER_CHUNK, LANES), jnp.int32),
            pltpu.VMEM((CHUNK, H), jnp.float32),
            pltpu.VMEM((CHUNK, H), jnp.float32),
            pltpu.VMEM_SHARED((n_pad, H), jnp.float32),
            pltpu.SemaphoreType.DMA,
        ],
    )
    def k(table_hbm, eidx_hbm, elin_hbm, out_hbm,
          gi_v, si_v, rows_v, el_v, acc_sh, sem):
        cid = lax.axis_index("c")
        sid = lax.axis_index("s")
        wid = sid * NC + cid

        def zrow(i, c):
            rows_v[i] = jnp.zeros((H,), jnp.float32)
            return c
        lax.fori_loop(0, CHUNK, zrow, 0)
        zbase = sid * rows_per_tile
        nfull = rows_per_tile // CHUNK
        for z in range(nfull):
            pltpu.sync_copy(rows_v, acc_sh.at[pl.ds(zbase + z * CHUNK, CHUNK)])
        rem = rows_per_tile - nfull * CHUNK
        if rem:
            pltpu.sync_copy(rows_v.at[pl.ds(0, rem)],
                            acc_sh.at[pl.ds(zbase + nfull * CHUNK, rem)])
        plsc.subcore_barrier()

        def chunk_body(t, c):
            ck = t * NW + wid

            @pl.when(ck < n_chunks)
            def _():
                roff = ck * ROWS_PER_CHUNK
                pltpu.sync_copy(eidx_hbm.at[gdim, pl.ds(roff, ROWS_PER_CHUNK)],
                                gi_v)
                pltpu.sync_copy(eidx_hbm.at[sdim, pl.ds(roff, ROWS_PER_CHUNK)],
                                si_v)
                cpp = PIECE // CHUNK
                g = ck // cpp
                row0 = (g // 8) * PIECE + (ck % cpp) * CHUNK
                lane0 = (g % 8) * H
                pltpu.sync_copy(
                    elin_hbm.at[pl.ds(row0, CHUNK), pl.ds(lane0, H)], el_v)
                descs = [
                    pltpu.async_copy(table_hbm.at[gi_v.at[j]],
                                     rows_v.at[pl.ds(j * LANES, LANES)], sem)
                    for j in range(ROWS_PER_CHUNK)
                ]
                for d in descs:
                    d.wait()

                def fuse(r, cc):
                    for kk in range(8):
                        e = r * 8 + kk
                        rows_v[e] = jnp.maximum(rows_v[e] + el_v[e], 0.0)
                    return cc
                lax.fori_loop(0, CHUNK // 8, fuse, 0)
                for j in range(ROWS_PER_CHUNK):
                    pltpu.sync_copy(rows_v.at[pl.ds(j * LANES, LANES)],
                                    acc_sh.at[si_v.at[j]], add=True)
            return c
        lax.fori_loop(0, per_w, chunk_body, 0)

        plsc.subcore_barrier()
        pltpu.sync_copy(acc_sh.at[pl.ds(zbase, rows_per_tile)],
                        out_hbm.at[cid].at[pl.ds(zbase, rows_per_tile)])

    return k(table, eidx3, elin)


def _combine_c_body(n8, sc, agg, bc, wc2v, hc2v, sum_c):
    h_c = jnp.maximum(sc[...] + agg[0, :n8] + agg[1, :n8] + bc[...], 0.0)
    hc2v[...] = jnp.dot(h_c, wc2v[...], preferred_element_type=jnp.float32)
    sum_c[...] = jnp.sum(h_c, axis=0, keepdims=True)


def _combine_c(s_c8, agg_c8, b_c, W_c2v):
    n8 = s_c8.shape[0]
    return pl.pallas_call(
        functools.partial(_combine_c_body, n8),
        out_shape=[jax.ShapeDtypeStruct((n8, 8 * H), jnp.float32),
                   jax.ShapeDtypeStruct((1, 8 * H), jnp.float32)],
    )(s_c8, agg_c8, _blkb(b_c), _blk(W_c2v))


def _combine_v_body(n8, sv, agg, bv, sum_v):
    h_v = jnp.maximum(sv[...] + agg[0, :n8] + agg[1, :n8] + bv[...], 0.0)
    sum_v[...] = jnp.sum(h_v, axis=0, keepdims=True)


def _combine_v(s_v8, agg_v8, b_v):
    n8 = s_v8.shape[0]
    return pl.pallas_call(
        functools.partial(_combine_v_body, n8),
        out_shape=jax.ShapeDtypeStruct((1, 8 * H), jnp.float32),
    )(s_v8, agg_v8, _blkb(b_v))


def kernel(cons_x, edge_index, edge_attr, var_x, W_ce, b_ce, W_ve, b_ve,
           W_ee, b_ee, W_v2c, W_e2c, W_cself, b_c, W_c2v, W_e2v, W_vself,
           b_v, W_head, b_head):
    n_cons = cons_x.shape[0]
    n_vars = var_x.shape[0]
    E = edge_attr.shape[0]
    assert E % CHUNK == 0 and n_cons % NS == 0 and n_vars % NS == 0

    eidx3 = edge_index.astype(jnp.int32).reshape(2, E // LANES, LANES)

    s_c8, hv2c8, s_v8 = _node_pre(cons_x, var_x, W_ce, b_ce, W_ve, b_ve,
                                  W_cself, W_v2c, W_vself)
    ec = _edge_pre_one(edge_attr, W_ee, b_ee, W_e2c)
    ev = _edge_pre_one(edge_attr, W_ee, b_ee, W_e2v)

    agg_c = _sc_message_pass(hv2c8.reshape(n_vars, H), eidx3, 1, ec, n_cons)
    agg_c8 = agg_c.reshape(NC, agg_c.shape[1] // 8, 8 * H)
    hc2v8, sum_c = _combine_c(s_c8, agg_c8, b_c, W_c2v)

    agg_v = _sc_message_pass(hc2v8.reshape(n_cons, H), eidx3, 0, ev, n_vars)
    agg_v8 = agg_v.reshape(NC, agg_v.shape[1] // 8, 8 * H)
    sum_v = _combine_v(s_v8, agg_v8, b_v)

    z = (sum_c.reshape(8, H).sum(0) + sum_v.reshape(8, H).sum(0)) \
        / jnp.float32(n_cons + n_vars)
    return z @ W_head + b_head

# --- scband reference (transcript-rebuilt; emitter-appended) ---
"""Pipeline reference for scband-pair-classifier-60610578481390 (READ-ONLY COPY).

The authoritative reference and input builder live on the scoring server;
editing this copy changes nothing except your own understanding.
"""

import jax, jax.numpy as jnp
import numpy as np

H = 16
N_CONS = 50000
N_VARS = 50000
E = 3200000
D_CONS = 4
D_VAR = 6
D_EDGE = 4


def _glorot(k, shape):
    s = jnp.sqrt(2.0 / (shape[0] + shape[1]))
    return jax.random.normal(k, shape, dtype=jnp.float32) * s


def setup_inputs(seed: int = 0) -> dict:
    key = jax.random.key(seed)
    ks = jax.random.split(key, 20)
    inp = {}
    inp["cons_x"] = jax.random.normal(ks[0], (N_CONS, D_CONS), dtype=jnp.float32)
    inp["edge_index"] = jax.random.randint(ks[1], (2, E), 0, N_CONS, dtype=jnp.int64)
    inp["edge_attr"] = jax.random.normal(ks[2], (E, D_EDGE), dtype=jnp.float32)
    inp["var_x"] = jax.random.normal(ks[3], (N_VARS, D_VAR), dtype=jnp.float32)
    # learned parameters of HierarchicalOPTFM backbone (bipartite half-convolutions) + head
    inp["W_ce"] = _glorot(ks[4], (D_CONS, H)); inp["b_ce"] = jnp.zeros((H,), jnp.float32)
    inp["W_ve"] = _glorot(ks[5], (D_VAR, H)); inp["b_ve"] = jnp.zeros((H,), jnp.float32)
    inp["W_ee"] = _glorot(ks[6], (D_EDGE, H)); inp["b_ee"] = jnp.zeros((H,), jnp.float32)
    inp["W_v2c"] = _glorot(ks[7], (H, H))
    inp["W_e2c"] = _glorot(ks[8], (H, H))
    inp["W_cself"] = _glorot(ks[9], (H, H)); inp["b_c"] = jnp.zeros((H,), jnp.float32)
    inp["W_c2v"] = _glorot(ks[10], (H, H))
    inp["W_e2v"] = _glorot(ks[11], (H, H))
    inp["W_vself"] = _glorot(ks[12], (H, H)); inp["b_v"] = jnp.zeros((H,), jnp.float32)
    inp["W_head"] = _glorot(ks[13], (H, 2)); inp["b_head"] = jnp.zeros((2,), jnp.float32)
    return inp


def reference(cons_x, edge_index, edge_attr, var_x, W_ce, b_ce, W_ve, b_ve, W_ee, b_ee, W_v2c, W_e2c, W_cself, b_c, W_c2v, W_e2v, W_vself, b_v, W_head, b_head):
    cidx = edge_index[0]
    vidx = edge_index[1]
    # input encoders
    h_c = jax.nn.relu(cons_x @ W_ce + b_ce)
    h_v = jax.nn.relu(var_x @ W_ve + b_ve)
    h_e = jax.nn.relu(edge_attr @ W_ee + b_ee)
    # half-convolution: variable -> constraint
    msg_c = jax.nn.relu(jnp.take(h_v, vidx, axis=0) @ W_v2c + h_e @ W_e2c)
    agg_c = jax.ops.segment_sum(msg_c, cidx, num_segments=N_CONS)
    h_c = jax.nn.relu(h_c @ W_cself + agg_c + b_c)
    # half-convolution: constraint -> variable
    msg_v = jax.nn.relu(jnp.take(h_c, cidx, axis=0) @ W_c2v + h_e @ W_e2v)
    agg_v = jax.ops.segment_sum(msg_v, vidx, num_segments=N_VARS)
    h_v = jax.nn.relu(h_v @ W_vself + agg_v + b_v)
    # mean pooling over all node embeddings -> graph embedding
    z = jnp.mean(jnp.concatenate([h_c, h_v], axis=0), axis=0)
    # 2-class linear head
    return z @ W_head + b_head

if __name__ == "__main__":
    import jax
    _d = setup_inputs()
    print(jax.jit(kernel)(*tuple(_d.values())))

</pallas_src>

<mosaic_0001>
#map = affine_map<(d0, d1) -> (0, 0)>
#map1 = affine_map<(d0, d1) -> (0, 0, 0)>
module attributes {stable_mosaic.version = 14 : i64} {
  func.func @k(%arg0: i32, %arg1: i32, %arg2: memref<50000x16xf32, #tpu.memory_space<hbm>>, %arg3: memref<2x25000x128xi32, #tpu.memory_space<hbm>>, %arg4: memref<400000x128xf32, #tpu.memory_space<hbm>>, %arg5: memref<2x50048x16xf32, #tpu.memory_space<hbm>>, %arg6: memref<5x128xi32, #tpu.memory_space<vmem>>, %arg7: memref<5x128xi32, #tpu.memory_space<vmem>>, %arg8: memref<640x16xf32, #tpu.memory_space<vmem>>, %arg9: memref<640x16xf32, #tpu.memory_space<vmem>>, %arg10: memref<50048x16xf32, #tpu.memory_space<vmem_shared>>, %arg11: memref<!tpu.dma_semaphore, #tpu.memory_space<semaphore_mem>>) attributes {dimension_semantics = [#tpu.dimension_semantics<core_parallel>, #tpu.dimension_semantics<subcore_parallel>], iteration_bounds = array<i64: 2, 16>, scalar_prefetch = 0 : i64, scratch_operands = 6 : i64, tpu.core_type = #tpu.core_type<sc_vector_subcore>, window_params = [{transform_indices = #map}, {transform_indices = #map1}, {transform_indices = #map}, {transform_indices = #map1}]} {
    %mul3A = arith.constant 2 : i32
    %mul3A_0 = arith.muli %arg1, %mul3A : i32
    %add3A = arith.addi %mul3A_0, %arg0 : i32
    %scan3A = arith.constant 0 : i32
    %scan3A_1 = arith.constant 0 : i32
    %scan3A_2 = arith.constant 640 : i32
    %scan3A_3 = arith.addi %scan3A_1, %scan3A_2 : i32
    %scan3A_4 = arith.constant 1 : i32
    scf.for %scan3A_25 = %scan3A_1 to %scan3A_3 step %scan3A_4  : i32 {
      %broadcast_in_dim3A = arith.constant 0.000000e+00 : f32
      %broadcast_in_dim3A_26 = vector.broadcast %broadcast_in_dim3A : f32 to vector<16xf32>
      %swap3A = arith.index_cast %scan3A_25 : i32 to index
      %swap3A_27 = arith.constant 0 : index
      %swap3A_28 = tpu.vector_load %arg8[%swap3A, %swap3A_27] {strides = array<i32>} : memref<640x16xf32, #tpu.memory_space<vmem>>, vector<16xf32>,
      tpu.vector_store %arg8[%swap3A, %swap3A_27], %broadcast_in_dim3A_26 {strides = array<i32>} : memref<640x16xf32, #tpu.memory_space<vmem>>, vector<16xf32>,
    }
    %scan3A_5 = arith.constant 640 : i32
    %mul3A_6 = arith.constant 3128 : i32
    %mul3A_7 = arith.muli %arg1, %mul3A_6 : i32
    %add3A_8 = arith.constant 0 : i32
    %add3A_9 = arith.addi %mul3A_7, %add3A_8 : i32
    "tpu.region"() ({
      %run_scoped3A = tpu.sem_alloc : memref<!tpu.dma_semaphore, #tpu.memory_space<semaphore_mem>>
      %dma_start3A = arith.constant 0 : i32
      %dma_start3A_25 = tpu.memref_slice %arg10[%add3A_9, %dma_start3A] : memref<50048x16xf32, #tpu.memory_space<vmem_shared>> -> memref<640x16xf32, #tpu.memory_space<vmem_shared>>
      %dma_start3A_26 = arith.constant 0 : i32
      %dma_start3A_27 = tpu.memref_slice %arg10[%add3A_9, %dma_start3A_26] : memref<50048x16xf32, #tpu.memory_space<vmem_shared>> -> memref<640x16xf32, #tpu.memory_space<vmem_shared>>
      tpu.enqueue_dma source(%arg8 : memref<640x16xf32, #tpu.memory_space<vmem>>) target(%dma_start3A_27 : memref<640x16xf32, #tpu.memory_space<vmem_shared>>) target_semaphore(%run_scoped3A : memref<!tpu.dma_semaphore, #tpu.memory_space<semaphore_mem>>)
      %dma_wait3A = arith.constant 0 : i32
      %dma_wait3A_28 = tpu.memref_slice %arg10[%add3A_9, %dma_wait3A] : memref<50048x16xf32, #tpu.memory_space<vmem_shared>> -> memref<640x16xf32, #tpu.memory_space<vmem_shared>>
      %dma_wait3A_29 = arith.constant 0 : i32
      %dma_wait3A_30 = tpu.memref_slice %arg10[%add3A_9, %dma_wait3A_29] : memref<50048x16xf32, #tpu.memory_space<vmem_shared>> -> memref<640x16xf32, #tpu.memory_space<vmem_shared>>
      tpu.wait_dma2 semaphore(%run_scoped3A : memref<!tpu.dma_semaphore, #tpu.memory_space<semaphore_mem>>) src(%arg8 : memref<640x16xf32, #tpu.memory_space<vmem>>) dst(%dma_wait3A_30 : memref<640x16xf32, #tpu.memory_space<vmem_shared>>)
      tpu.yield
    }) : () -> ()
    %add3A_10 = arith.constant 640 : i32
    %add3A_11 = arith.addi %mul3A_7, %add3A_10 : i32
    "tpu.region"() ({
      %run_scoped3A = tpu.sem_alloc : memref<!tpu.dma_semaphore, #tpu.memory_space<semaphore_mem>>
      %dma_start3A = arith.constant 0 : i32
      %dma_start3A_25 = tpu.memref_slice %arg10[%add3A_11, %dma_start3A] : memref<50048x16xf32, #tpu.memory_space<vmem_shared>> -> memref<640x16xf32, #tpu.memory_space<vmem_shared>>
      %dma_start3A_26 = arith.constant 0 : i32
      %dma_start3A_27 = tpu.memref_slice %arg10[%add3A_11, %dma_start3A_26] : memref<50048x16xf32, #tpu.memory_space<vmem_shared>> -> memref<640x16xf32, #tpu.memory_space<vmem_shared>>
      tpu.enqueue_dma source(%arg8 : memref<640x16xf32, #tpu.memory_space<vmem>>) target(%dma_start3A_27 : memref<640x16xf32, #tpu.memory_space<vmem_shared>>) target_semaphore(%run_scoped3A : memref<!tpu.dma_semaphore, #tpu.memory_space<semaphore_mem>>)
      %dma_wait3A = arith.constant 0 : i32
      %dma_wait3A_28 = tpu.memref_slice %arg10[%add3A_11, %dma_wait3A] : memref<50048x16xf32, #tpu.memory_space<vmem_shared>> -> memref<640x16xf32, #tpu.memory_space<vmem_shared>>
      %dma_wait3A_29 = arith.constant 0 : i32
      %dma_wait3A_30 = tpu.memref_slice %arg10[%add3A_11, %dma_wait3A_29] : memref<50048x16xf32, #tpu.memory_space<vmem_shared>> -> memref<640x16xf32, #tpu.memory_space<vmem_shared>>
      tpu.wait_dma2 semaphore(%run_scoped3A : memref<!tpu.dma_semaphore, #tpu.memory_space<semaphore_mem>>) src(%arg8 : memref<640x16xf32, #tpu.memory_space<vmem>>) dst(%dma_wait3A_30 : memref<640x16xf32, #tpu.memory_space<vmem_shared>>)
      tpu.yield
    }) : () -> ()
    %add3A_12 = arith.constant 1280 : i32
    %add3A_13 = arith.addi %mul3A_7, %add3A_12 : i32
    "tpu.region"() ({
      %run_scoped3A = tpu.sem_alloc : memref<!tpu.dma_semaphore, #tpu.memory_space<semaphore_mem>>
      %dma_start3A = arith.constant 0 : i32
      %dma_start3A_25 = tpu.memref_slice %arg10[%add3A_13, %dma_start3A] : memref<50048x16xf32, #tpu.memory_space<vmem_shared>> -> memref<640x16xf32, #tpu.memory_space<vmem_shared>>
      %dma_start3A_26 = arith.constant 0 : i32
      %dma_start3A_27 = tpu.memref_slice %arg10[%add3A_13, %dma_start3A_26] : memref<50048x16xf32, #tpu.memory_space<vmem_shared>> -> memref<640x16xf32, #tpu.memory_space<vmem_shared>>
      tpu.enqueue_dma source(%arg8 : memref<640x16xf32, #tpu.memory_space<vmem>>) target(%dma_start3A_27 : memref<640x16xf32, #tpu.memory_space<vmem_shared>>) target_semaphore(%run_scoped3A : memref<!tpu.dma_semaphore, #tpu.memory_space<semaphore_mem>>)
      %dma_wait3A = arith.constant 0 : i32
      %dma_wait3A_28 = tpu.memref_slice %arg10[%add3A_13, %dma_wait3A] : memref<50048x16xf32, #tpu.memory_space<vmem_shared>> -> memref<640x16xf32, #tpu.memory_space<vmem_shared>>
      %dma_wait3A_29 = arith.constant 0 : i32
      %dma_wait3A_30 = tpu.memref_slice %arg10[%add3A_13, %dma_wait3A_29] : memref<50048x16xf32, #tpu.memory_space<vmem_shared>> -> memref<640x16xf32, #tpu.memory_space<vmem_shared>>
      tpu.wait_dma2 semaphore(%run_scoped3A : memref<!tpu.dma_semaphore, #tpu.memory_space<semaphore_mem>>) src(%arg8 : memref<640x16xf32, #tpu.memory_space<vmem>>) dst(%dma_wait3A_30 : memref<640x16xf32, #tpu.memory_space<vmem_shared>>)
      tpu.yield
    }) : () -> ()
    %add3A_14 = arith.constant 1920 : i32
    %add3A_15 = arith.addi %mul3A_7, %add3A_14 : i32
    "tpu.region"() ({
      %run_scoped3A = tpu.sem_alloc : memref<!tpu.dma_semaphore, #tpu.memory_space<semaphore_mem>>
      %dma_start3A = arith.constant 0 : i32
      %dma_start3A_25 = tpu.memref_slice %arg10[%add3A_15, %dma_start3A] : memref<50048x16xf32, #tpu.memory_space<vmem_shared>> -> memref<640x16xf32, #tpu.memory_space<vmem_shared>>
      %dma_start3A_26 = arith.constant 0 : i32
      %dma_start3A_27 = tpu.memref_slice %arg10[%add3A_15, %dma_start3A_26] : memref<50048x16xf32, #tpu.memory_space<vmem_shared>> -> memref<640x16xf32, #tpu.memory_space<vmem_shared>>
      tpu.enqueue_dma source(%arg8 : memref<640x16xf32, #tpu.memory_space<vmem>>) target(%dma_start3A_27 : memref<640x16xf32, #tpu.memory_space<vmem_shared>>) target_semaphore(%run_scoped3A : memref<!tpu.dma_semaphore, #tpu.memory_space<semaphore_mem>>)
      %dma_wait3A = arith.constant 0 : i32
      %dma_wait3A_28 = tpu.memref_slice %arg10[%add3A_15, %dma_wait3A] : memref<50048x16xf32, #tpu.memory_space<vmem_shared>> -> memref<640x16xf32, #tpu.memory_space<vmem_shared>>
      %dma_wait3A_29 = arith.constant 0 : i32
      %dma_wait3A_30 = tpu.memref_slice %arg10[%add3A_15, %dma_wait3A_29] : memref<50048x16xf32, #tpu.memory_space<vmem_shared>> -> memref<640x16xf32, #tpu.memory_space<vmem_shared>>
      tpu.wait_dma2 semaphore(%run_scoped3A : memref<!tpu.dma_semaphore, #tpu.memory_space<semaphore_mem>>) src(%arg8 : memref<640x16xf32, #tpu.memory_space<vmem>>) dst(%dma_wait3A_30 : memref<640x16xf32, #tpu.memory_space<vmem_shared>>)
      tpu.yield
    }) : () -> ()
    %add3A_16 = arith.constant 2560 : i32
    %add3A_17 = arith.addi %mul3A_7, %add3A_16 : i32
    "tpu.region"() ({
      %run_scoped3A = tpu.sem_alloc : memref<!tpu.dma_semaphore, #tpu.memory_space<semaphore_mem>>
      %dma_start3A = arith.constant 0 : i32
      %dma_start3A_25 = arith.constant 0 : i32
      %dma_start3A_26 = tpu.memref_slice %arg8[%dma_start3A, %dma_start3A_25] : memref<640x16xf32, #tpu.memory_space<vmem>> -> memref<568x16xf32, #tpu.memory_space<vmem>>
      %dma_start3A_27 = arith.constant 0 : i32
      %dma_start3A_28 = tpu.memref_slice %arg10[%add3A_17, %dma_start3A_27] : memref<50048x16xf32, #tpu.memory_space<vmem_shared>> -> memref<568x16xf32, #tpu.memory_space<vmem_shared>>
      %dma_start3A_29 = arith.constant 0 : i32
      %dma_start3A_30 = tpu.memref_slice %arg10[%add3A_17, %dma_start3A_29] : memref<50048x16xf32, #tpu.memory_space<vmem_shared>> -> memref<568x16xf32, #tpu.memory_space<vmem_shared>>
      %dma_start3A_31 = arith.constant 0 : i32
      %dma_start3A_32 = arith.constant 0 : i32
      %dma_start3A_33 = tpu.memref_slice %arg8[%dma_start3A_31, %dma_start3A_32] : memref<640x16xf32, #tpu.memory_space<vmem>> -> memref<568x16xf32, #tpu.memory_space<vmem>>
      tpu.enqueue_dma source(%dma_start3A_33 : memref<568x16xf32, #tpu.memory_space<vmem>>) target(%dma_start3A_30 : memref<568x16xf32, #tpu.memory_space<vmem_shared>>) target_semaphore(%run_scoped3A : memref<!tpu.dma_semaphore, #tpu.memory_space<semaphore_mem>>)
      %dma_wait3A = arith.constant 0 : i32
      %dma_wait3A_34 = arith.constant 0 : i32
      %dma_wait3A_35 = tpu.memref_slice %arg8[%dma_wait3A, %dma_wait3A_34] : memref<640x16xf32, #tpu.memory_space<vmem>> -> memref<568x16xf32, #tpu.memory_space<vmem>>
      %dma_wait3A_36 = arith.constant 0 : i32
      %dma_wait3A_37 = tpu.memref_slice %arg10[%add3A_17, %dma_wait3A_36] : memref<50048x16xf32, #tpu.memory_space<vmem_shared>> -> memref<568x16xf32, #tpu.memory_space<vmem_shared>>
      %dma_wait3A_38 = arith.constant 0 : i32
      %dma_wait3A_39 = tpu.memref_slice %arg10[%add3A_17, %dma_wait3A_38] : memref<50048x16xf32, #tpu.memory_space<vmem_shared>> -> memref<568x16xf32, #tpu.memory_space<vmem_shared>>
      %dma_wait3A_40 = arith.constant 0 : i32
      %dma_wait3A_41 = arith.constant 0 : i32
      %dma_wait3A_42 = tpu.memref_slice %arg8[%dma_wait3A_40, %dma_wait3A_41] : memref<640x16xf32, #tpu.memory_space<vmem>> -> memref<568x16xf32, #tpu.memory_space<vmem>>
      tpu.wait_dma2 semaphore(%run_scoped3A : memref<!tpu.dma_semaphore, #tpu.memory_space<semaphore_mem>>) src(%dma_wait3A_42 : memref<568x16xf32, #tpu.memory_space<vmem>>) dst(%dma_wait3A_39 : memref<568x16xf32, #tpu.memory_space<vmem_shared>>)
      tpu.yield
    }) : () -> ()
    %barrier3A = arith.constant 0 : index
    tpu.barrier barrier_id(%barrier3A)
    %scan3A_18 = arith.constant 0 : i32
    %scan3A_19 = arith.constant 0 : i32
    %scan3A_20 = arith.constant 157 : i32
    %scan3A_21 = arith.addi %scan3A_19, %scan3A_20 : i32
    %scan3A_22 = arith.constant 1 : i32
    scf.for %scan3A_25 = %scan3A_19 to %scan3A_21 step %scan3A_22  : i32 {
      %mul3A_26 = arith.constant 32 : i32
      %mul3A_27 = arith.muli %scan3A_25, %mul3A_26 : i32
      %add3A_28 = arith.addi %mul3A_27, %add3A : i32
      %lt3A = arith.constant 5000 : i32
      %lt3A_29 = arith.cmpi slt, %add3A_28, %lt3A : i32
      %convert_element_type3A = arith.extui %lt3A_29 : i1 to i32
      %cond3A = arith.constant 0 : i32
      %cond3A_30 = arith.cmpi ne, %convert_element_type3A, %cond3A : i32
      scf.if %cond3A_30 {
        %mul3A_31 = arith.constant 5 : i32
        %mul3A_32 = arith.muli %add3A_28, %mul3A_31 : i32
        %run_scoped3A = arith.constant 0 : i32
        "tpu.region"() ({
          %run_scoped3A_221 = tpu.sem_alloc : memref<!tpu.dma_semaphore, #tpu.memory_space<semaphore_mem>>
          %dma_start3A_222 = arith.constant 0 : i32
          %dma_start3A_223 = tpu.memref_slice %arg3[%run_scoped3A, %mul3A_32, %dma_start3A_222] : memref<2x25000x128xi32, #tpu.memory_space<hbm>> -> memref<1x5x128xi32, #tpu.memory_space<hbm>>
          %dma_start3A_224 = tpu.memref_squeeze %dma_start3A_223 : memref<1x5x128xi32, #tpu.memory_space<hbm>> -> memref<5x128xi32, #tpu.memory_space<hbm>>
          %dma_start3A_225 = arith.constant 0 : i32
          %dma_start3A_226 = tpu.memref_slice %arg3[%run_scoped3A, %mul3A_32, %dma_start3A_225] : memref<2x25000x128xi32, #tpu.memory_space<hbm>> -> memref<1x5x128xi32, #tpu.memory_space<hbm>>
          %dma_start3A_227 = tpu.memref_squeeze %dma_start3A_226 : memref<1x5x128xi32, #tpu.memory_space<hbm>> -> memref<5x128xi32, #tpu.memory_space<hbm>>
          tpu.enqueue_dma source(%dma_start3A_227 : memref<5x128xi32, #tpu.memory_space<hbm>>) target(%arg6 : memref<5x128xi32, #tpu.memory_space<vmem>>) target_semaphore(%run_scoped3A_221 : memref<!tpu.dma_semaphore, #tpu.memory_space<semaphore_mem>>)
          %dma_wait3A_228 = arith.constant 0 : i32
          %dma_wait3A_229 = tpu.memref_slice %arg3[%run_scoped3A, %mul3A_32, %dma_wait3A_228] : memref<2x25000x128xi32, #tpu.memory_space<hbm>> -> memref<1x5x128xi32, #tpu.memory_space<hbm>>
          %dma_wait3A_230 = tpu.memref_squeeze %dma_wait3A_229 : memref<1x5x128xi32, #tpu.memory_space<hbm>> -> memref<5x128xi32, #tpu.memory_space<hbm>>
          %dma_wait3A_231 = arith.constant 0 : i32
          %dma_wait3A_232 = tpu.memref_slice %arg3[%run_scoped3A, %mul3A_32, %dma_wait3A_231] : memref<2x25000x128xi32, #tpu.memory_space<hbm>> -> memref<1x5x128xi32, #tpu.memory_space<hbm>>
          %dma_wait3A_233 = tpu.memref_squeeze %dma_wait3A_232 : memref<1x5x128xi32, #tpu.memory_space<hbm>> -> memref<5x128xi32, #tpu.memory_space<hbm>>
          tpu.wait_dma2 semaphore(%run_scoped3A_221 : memref<!tpu.dma_semaphore, #tpu.memory_space<semaphore_mem>>) src(%dma_wait3A_233 : memref<5x128xi32, #tpu.memory_space<hbm>>) dst(%arg6 : memref<5x128xi32, #tpu.memory_space<vmem>>)
          tpu.yield
        }) : () -> ()
        %run_scoped3A_33 = arith.constant 1 : i32
        "tpu.region"() ({
          %run_scoped3A_221 = tpu.sem_alloc : memref<!tpu.dma_semaphore, #tpu.memory_space<semaphore_mem>>
          %dma_start3A_222 = arith.constant 0 : i32
          %dma_start3A_223 = tpu.memref_slice %arg3[%run_scoped3A_33, %mul3A_32, %dma_start3A_222] : memref<2x25000x128xi32, #tpu.memory_space<hbm>> -> memref<1x5x128xi32, #tpu.memory_space<hbm>>
          %dma_start3A_224 = tpu.memref_squeeze %dma_start3A_223 : memref<1x5x128xi32, #tpu.memory_space<hbm>> -> memref<5x128xi32, #tpu.memory_space<hbm>>
          %dma_start3A_225 = arith.constant 0 : i32
          %dma_start3A_226 = tpu.memref_slice %arg3[%run_scoped3A_33, %mul3A_32, %dma_start3A_225] : memref<2x25000x128xi32, #tpu.memory_space<hbm>> -> memref<1x5x128xi32, #tpu.memory_space<hbm>>
          %dma_start3A_227 = tpu.memref_squeeze %dma_start3A_226 : memref<1x5x128xi32, #tpu.memory_space<hbm>> -> memref<5x128xi32, #tpu.memory_space<hbm>>
          tpu.enqueue_dma source(%dma_start3A_227 : memref<5x128xi32, #tpu.memory_space<hbm>>) target(%arg7 : memref<5x128xi32, #tpu.memory_space<vmem>>) target_semaphore(%run_scoped3A_221 : memref<!tpu.dma_semaphore, #tpu.memory_space<semaphore_mem>>)
          %dma_wait3A_228 = arith.constant 0 : i32
          %dma_wait3A_229 = tpu.memref_slice %arg3[%run_scoped3A_33, %mul3A_32, %dma_wait3A_228] : memref<2x25000x128xi32, #tpu.memory_space<hbm>> -> memref<1x5x128xi32, #tpu.memory_space<hbm>>
          %dma_wait3A_230 = tpu.memref_squeeze %dma_wait3A_229 : memref<1x5x128xi32, #tpu.memory_space<hbm>> -> memref<5x128xi32, #tpu.memory_space<hbm>>
          %dma_wait3A_231 = arith.constant 0 : i32
          %dma_wait3A_232 = tpu.memref_slice %arg3[%run_scoped3A_33, %mul3A_32, %dma_wait3A_231] : memref<2x25000x128xi32, #tpu.memory_space<hbm>> -> memref<1x5x128xi32, #tpu.memory_space<hbm>>
          %dma_wait3A_233 = tpu.memref_squeeze %dma_wait3A_232 : memref<1x5x128xi32, #tpu.memory_space<hbm>> -> memref<5x128xi32, #tpu.memory_space<hbm>>
          tpu.wait_dma2 semaphore(%run_scoped3A_221 : memref<!tpu.dma_semaphore, #tpu.memory_space<semaphore_mem>>) src(%dma_wait3A_233 : memref<5x128xi32, #tpu.memory_space<hbm>>) dst(%arg7 : memref<5x128xi32, #tpu.memory_space<vmem>>)
          tpu.yield
        }) : () -> ()
        %jit3A = arith.constant 25 : i32
        %div3A = arith.divsi %add3A_28, %jit3A : i32
        %sign3A = arith.constant 0 : i32
        %sign3A_34 = arith.cmpi sgt, %add3A_28, %sign3A : i32
        %sign3A_35 = arith.extui %sign3A_34 : i1 to i32
        %sign3A_36 = arith.constant 0 : i32
        %sign3A_37 = arith.cmpi slt, %add3A_28, %sign3A_36 : i32
        %sign3A_38 = arith.extui %sign3A_37 : i1 to i32
        %sign3A_39 = arith.subi %sign3A_35, %sign3A_38 : i32
        %sign3A_40 = arith.constant 0 : i32
        %sign3A_41 = arith.cmpi sgt, %jit3A, %sign3A_40 : i32
        %sign3A_42 = arith.extui %sign3A_41 : i1 to i32
        %sign3A_43 = arith.constant 0 : i32
        %sign3A_44 = arith.cmpi slt, %jit3A, %sign3A_43 : i32
        %sign3A_45 = arith.extui %sign3A_44 : i1 to i32
        %sign3A_46 = arith.subi %sign3A_42, %sign3A_45 : i32
        %ne3A = arith.cmpi ne, %sign3A_39, %sign3A_46 : i32
        %rem3A = arith.remsi %add3A_28, %jit3A : i32
        %ne3A_47 = arith.constant 0 : i32
        %ne3A_48 = arith.cmpi ne, %rem3A, %ne3A_47 : i32
        %and3A = arith.andi %ne3A, %ne3A_48 : i1
        %sub3A = arith.constant 1 : i32
        %sub3A_49 = arith.subi %div3A, %sub3A : i32
        %select_n3A = arith.select %and3A, %sub3A_49, %div3A : i32
        %jit3A_50 = arith.constant 8 : i32
        %div3A_51 = arith.divsi %select_n3A, %jit3A_50 : i32
        %sign3A_52 = arith.constant 0 : i32
        %sign3A_53 = arith.cmpi sgt, %select_n3A, %sign3A_52 : i32
        %sign3A_54 = arith.extui %sign3A_53 : i1 to i32
        %sign3A_55 = arith.constant 0 : i32
        %sign3A_56 = arith.cmpi slt, %select_n3A, %sign3A_55 : i32
        %sign3A_57 = arith.extui %sign3A_56 : i1 to i32
        %sign3A_58 = arith.subi %sign3A_54, %sign3A_57 : i32
        %sign3A_59 = arith.constant 0 : i32
        %sign3A_60 = arith.cmpi sgt, %jit3A_50, %sign3A_59 : i32
        %sign3A_61 = arith.extui %sign3A_60 : i1 to i32
        %sign3A_62 = arith.constant 0 : i32
        %sign3A_63 = arith.cmpi slt, %jit3A_50, %sign3A_62 : i32
        %sign3A_64 = arith.extui %sign3A_63 : i1 to i32
        %sign3A_65 = arith.subi %sign3A_61, %sign3A_64 : i32
        %ne3A_66 = arith.cmpi ne, %sign3A_58, %sign3A_65 : i32
        %rem3A_67 = arith.remsi %select_n3A, %jit3A_50 : i32
        %ne3A_68 = arith.constant 0 : i32
        %ne3A_69 = arith.cmpi ne, %rem3A_67, %ne3A_68 : i32
        %and3A_70 = arith.andi %ne3A_66, %ne3A_69 : i1
        %sub3A_71 = arith.constant 1 : i32
        %sub3A_72 = arith.subi %div3A_51, %sub3A_71 : i32
        %select_n3A_73 = arith.select %and3A_70, %sub3A_72, %div3A_51 : i32
        %mul3A_74 = arith.constant 16000 : i32
        %mul3A_75 = arith.muli %select_n3A_73, %mul3A_74 : i32
        %jit3A_76 = arith.constant 25 : i32
        %eq3A = arith.constant 0 : i32
        %eq3A_77 = arith.cmpi eq, %jit3A_76, %eq3A : i32
        %jit3A_78 = arith.constant 1 : i32
        %select_n3A_79 = arith.select %eq3A_77, %jit3A_78, %jit3A_76 : i32
        %rem3A_80 = arith.remsi %add3A_28, %select_n3A_79 : i32
        %ne3A_81 = arith.constant 0 : i32
        %ne3A_82 = arith.cmpi ne, %rem3A_80, %ne3A_81 : i32
        %lt3A_83 = arith.constant 0 : i32
        %lt3A_84 = arith.cmpi slt, %rem3A_80, %lt3A_83 : i32
        %lt3A_85 = arith.constant 0 : i32
        %lt3A_86 = arith.cmpi slt, %select_n3A_79, %lt3A_85 : i32
        %ne3A_87 = arith.xori %lt3A_84, %lt3A_86 : i1
        %and3A_88 = arith.andi %ne3A_87, %ne3A_82 : i1
        %add3A_89 = arith.addi %rem3A_80, %select_n3A_79 : i32
        %select_n3A_90 = arith.select %and3A_88, %add3A_89, %rem3A_80 : i32
        %mul3A_91 = arith.constant 640 : i32
        %mul3A_92 = arith.muli %select_n3A_90, %mul3A_91 : i32
        %add3A_93 = arith.addi %mul3A_75, %mul3A_92 : i32
        %jit3A_94 = arith.constant 8 : i32
        %eq3A_95 = arith.constant 0 : i32
        %eq3A_96 = arith.cmpi eq, %jit3A_94, %eq3A_95 : i32
        %jit3A_97 = arith.constant 1 : i32
        %select_n3A_98 = arith.select %eq3A_96, %jit3A_97, %jit3A_94 : i32
        %rem3A_99 = arith.remsi %select_n3A, %select_n3A_98 : i32
        %ne3A_100 = arith.constant 0 : i32
        %ne3A_101 = arith.cmpi ne, %rem3A_99, %ne3A_100 : i32
        %lt3A_102 = arith.constant 0 : i32
        %lt3A_103 = arith.cmpi slt, %rem3A_99, %lt3A_102 : i32
        %lt3A_104 = arith.constant 0 : i32
        %lt3A_105 = arith.cmpi slt, %select_n3A_98, %lt3A_104 : i32
        %ne3A_106 = arith.xori %lt3A_103, %lt3A_105 : i1
        %and3A_107 = arith.andi %ne3A_106, %ne3A_101 : i1
        %add3A_108 = arith.addi %rem3A_99, %select_n3A_98 : i32
        %select_n3A_109 = arith.select %and3A_107, %add3A_108, %rem3A_99 : i32
        %mul3A_110 = arith.constant 16 : i32
        %mul3A_111 = arith.muli %select_n3A_109, %mul3A_110 : i32
        "tpu.region"() ({
          %run_scoped3A_221 = tpu.sem_alloc : memref<!tpu.dma_semaphore, #tpu.memory_space<semaphore_mem>>
          %dma_start3A_222 = tpu.memref_slice %arg4[%add3A_93, %mul3A_111] : memref<400000x128xf32, #tpu.memory_space<hbm>> -> memref<640x16xf32, #tpu.memory_space<hbm>>
          %dma_start3A_223 = tpu.memref_slice %arg4[%add3A_93, %mul3A_111] : memref<400000x128xf32, #tpu.memory_space<hbm>> -> memref<640x16xf32, #tpu.memory_space<hbm>>
          tpu.enqueue_dma source(%dma_start3A_223 : memref<640x16xf32, #tpu.memory_space<hbm>>) target(%arg9 : memref<640x16xf32, #tpu.memory_space<vmem>>) target_semaphore(%run_scoped3A_221 : memref<!tpu.dma_semaphore, #tpu.memory_space<semaphore_mem>>)
          %dma_wait3A_224 = tpu.memref_slice %arg4[%add3A_93, %mul3A_111] : memref<400000x128xf32, #tpu.memory_space<hbm>> -> memref<640x16xf32, #tpu.memory_space<hbm>>
          %dma_wait3A_225 = tpu.memref_slice %arg4[%add3A_93, %mul3A_111] : memref<400000x128xf32, #tpu.memory_space<hbm>> -> memref<640x16xf32, #tpu.memory_space<hbm>>
          tpu.wait_dma2 semaphore(%run_scoped3A_221 : memref<!tpu.dma_semaphore, #tpu.memory_space<semaphore_mem>>) src(%dma_wait3A_225 : memref<640x16xf32, #tpu.memory_space<hbm>>) dst(%arg9 : memref<640x16xf32, #tpu.memory_space<vmem>>)
          tpu.yield
        }) : () -> ()
        %dma_start3A = arith.constant 0 : i32
        %dma_start3A_112 = arith.constant 0 : i32
        %dma_start3A_113 = arith.constant 0 : i32
        %dma_start3A_114 = tpu.memref_slice %arg8[%dma_start3A_112, %dma_start3A_113] : memref<640x16xf32, #tpu.memory_space<vmem>> -> memref<128x16xf32, #tpu.memory_space<vmem>>
        %dma_start3A_115 = arith.constant 0 : i32
        %dma_start3A_116 = tpu.memref_slice %arg6[%dma_start3A, %dma_start3A_115] : memref<5x128xi32, #tpu.memory_space<vmem>> -> memref<1x128xi32, #tpu.memory_space<vmem>>
        %dma_start3A_117 = tpu.memref_squeeze %dma_start3A_116 : memref<1x128xi32, #tpu.memory_space<vmem>> -> memref<128xi32, #tpu.memory_space<vmem>>
        %dma_start3A_118 = arith.constant 0 : i32
        %dma_start3A_119 = arith.constant 0 : i32
        %dma_start3A_120 = tpu.memref_slice %arg2[%dma_start3A_118, %dma_start3A_119] : memref<50000x16xf32, #tpu.memory_space<hbm>> -> memref<50000x16xf32, #tpu.memory_space<hbm>>
        tpu.enqueue_indirect_dma source(%dma_start3A_120 : memref<50000x16xf32, #tpu.memory_space<hbm>>) target(%dma_start3A_114 : memref<128x16xf32, #tpu.memory_space<vmem>>) offsets(%dma_start3A_117 : memref<128xi32, #tpu.memory_space<vmem>>) semaphore(%arg11 : memref<!tpu.dma_semaphore, #tpu.memory_space<semaphore_mem>>)
        %dma_start3A_121 = arith.constant 1 : i32
        %dma_start3A_122 = arith.constant 128 : i32
        %dma_start3A_123 = arith.constant 0 : i32
        %dma_start3A_124 = tpu.memref_slice %arg8[%dma_start3A_122, %dma_start3A_123] : memref<640x16xf32, #tpu.memory_space<vmem>> -> memref<128x16xf32, #tpu.memory_space<vmem>>
        %dma_start3A_125 = arith.constant 0 : i32
        %dma_start3A_126 = tpu.memref_slice %arg6[%dma_start3A_121, %dma_start3A_125] : memref<5x128xi32, #tpu.memory_space<vmem>> -> memref<1x128xi32, #tpu.memory_space<vmem>>
        %dma_start3A_127 = tpu.memref_squeeze %dma_start3A_126 : memref<1x128xi32, #tpu.memory_space<vmem>> -> memref<128xi32, #tpu.memory_space<vmem>>
        %dma_start3A_128 = arith.constant 0 : i32
        %dma_start3A_129 = arith.constant 0 : i32
        %dma_start3A_130 = tpu.memref_slice %arg2[%dma_start3A_128, %dma_start3A_129] : memref<50000x16xf32, #tpu.memory_space<hbm>> -> memref<50000x16xf32, #tpu.memory_space<hbm>>
        tpu.enqueue_indirect_dma source(%dma_start3A_130 : memref<50000x16xf32, #tpu.memory_space<hbm>>) target(%dma_start3A_124 : memref<128x16xf32, #tpu.memory_space<vmem>>) offsets(%dma_start3A_127 : memref<128xi32, #tpu.memory_space<vmem>>) semaphore(%arg11 : memref<!tpu.dma_semaphore, #tpu.memory_space<semaphore_mem>>)
        %dma_start3A_131 = arith.constant 2 : i32
        %dma_start3A_132 = arith.constant 256 : i32
        %dma_start3A_133 = arith.constant 0 : i32
        %dma_start3A_134 = tpu.memref_slice %arg8[%dma_start3A_132, %dma_start3A_133] : memref<640x16xf32, #tpu.memory_space<vmem>> -> memref<128x16xf32, #tpu.memory_space<vmem>>
        %dma_start3A_135 = arith.constant 0 : i32
        %dma_start3A_136 = tpu.memref_slice %arg6[%dma_start3A_131, %dma_start3A_135] : memref<5x128xi32, #tpu.memory_space<vmem>> -> memref<1x128xi32, #tpu.memory_space<vmem>>
        %dma_start3A_137 = tpu.memref_squeeze %dma_start3A_136 : memref<1x128xi32, #tpu.memory_space<vmem>> -> memref<128xi32, #tpu.memory_space<vmem>>
        %dma_start3A_138 = arith.constant 0 : i32
        %dma_start3A_139 = arith.constant 0 : i32
        %dma_start3A_140 = tpu.memref_slice %arg2[%dma_start3A_138, %dma_start3A_139] : memref<50000x16xf32, #tpu.memory_space<hbm>> -> memref<50000x16xf32, #tpu.memory_space<hbm>>
        tpu.enqueue_indirect_dma source(%dma_start3A_140 : memref<50000x16xf32, #tpu.memory_space<hbm>>) target(%dma_start3A_134 : memref<128x16xf32, #tpu.memory_space<vmem>>) offsets(%dma_start3A_137 : memref<128xi32, #tpu.memory_space<vmem>>) semaphore(%arg11 : memref<!tpu.dma_semaphore, #tpu.memory_space<semaphore_mem>>)
        %dma_start3A_141 = arith.constant 3 : i32
        %dma_start3A_142 = arith.constant 384 : i32
        %dma_start3A_143 = arith.constant 0 : i32
        %dma_start3A_144 = tpu.memref_slice %arg8[%dma_start3A_142, %dma_start3A_143] : memref<640x16xf32, #tpu.memory_space<vmem>> -> memref<128x16xf32, #tpu.memory_space<vmem>>
        %dma_start3A_145 = arith.constant 0 : i32
        %dma_start3A_146 = tpu.memref_slice %arg6[%dma_start3A_141, %dma_start3A_145] : memref<5x128xi32, #tpu.memory_space<vmem>> -> memref<1x128xi32, #tpu.memory_space<vmem>>
        %dma_start3A_147 = tpu.memref_squeeze %dma_start3A_146 : memref<1x128xi32, #tpu.memory_space<vmem>> -> memref<128xi32, #tpu.memory_space<vmem>>
        %dma_start3A_148 = arith.constant 0 : i32
        %dma_start3A_149 = arith.constant 0 : i32
        %dma_start3A_150 = tpu.memref_slice %arg2[%dma_start3A_148, %dma_start3A_149] : memref<50000x16xf32, #tpu.memory_space<hbm>> -> memref<50000x16xf32, #tpu.memory_space<hbm>>
        tpu.enqueue_indirect_dma source(%dma_start3A_150 : memref<50000x16xf32, #tpu.memory_space<hbm>>) target(%dma_start3A_144 : memref<128x16xf32, #tpu.memory_space<vmem>>) offsets(%dma_start3A_147 : memref<128xi32, #tpu.memory_space<vmem>>) semaphore(%arg11 : memref<!tpu.dma_semaphore, #tpu.memory_space<semaphore_mem>>)
        %dma_start3A_151 = arith.constant 4 : i32
        %dma_start3A_152 = arith.constant 512 : i32
        %dma_start3A_153 = arith.constant 0 : i32
        %dma_start3A_154 = tpu.memref_slice %arg8[%dma_start3A_152, %dma_start3A_153] : memref<640x16xf32, #tpu.memory_space<vmem>> -> memref<128x16xf32, #tpu.memory_space<vmem>>
        %dma_start3A_155 = arith.constant 0 : i32
        %dma_start3A_156 = tpu.memref_slice %arg6[%dma_start3A_151, %dma_start3A_155] : memref<5x128xi32, #tpu.memory_space<vmem>> -> memref<1x128xi32, #tpu.memory_space<vmem>>
        %dma_start3A_157 = tpu.memref_squeeze %dma_start3A_156 : memref<1x128xi32, #tpu.memory_space<vmem>> -> memref<128xi32, #tpu.memory_space<vmem>>
        %dma_start3A_158 = arith.constant 0 : i32
        %dma_start3A_159 = arith.constant 0 : i32
        %dma_start3A_160 = tpu.memref_slice %arg2[%dma_start3A_158, %dma_start3A_159] : memref<50000x16xf32, #tpu.memory_space<hbm>> -> memref<50000x16xf32, #tpu.memory_space<hbm>>
        tpu.enqueue_indirect_dma source(%dma_start3A_160 : memref<50000x16xf32, #tpu.memory_space<hbm>>) target(%dma_start3A_154 : memref<128x16xf32, #tpu.memory_space<vmem>>) offsets(%dma_start3A_157 : memref<128xi32, #tpu.memory_space<vmem>>) semaphore(%arg11 : memref<!tpu.dma_semaphore, #tpu.memory_space<semaphore_mem>>)
        %dma_wait3A = arith.constant 0 : i32
        %dma_wait3A_161 = arith.constant 0 : i32
        %dma_wait3A_162 = arith.constant 0 : i32
        %dma_wait3A_163 = tpu.memref_slice %arg8[%dma_wait3A_161, %dma_wait3A_162] : memref<640x16xf32, #tpu.memory_space<vmem>> -> memref<128x16xf32, #tpu.memory_space<vmem>>
        %dma_wait3A_164 = arith.constant 0 : i32
        %dma_wait3A_165 = tpu.memref_slice %arg6[%dma_wait3A, %dma_wait3A_164] : memref<5x128xi32, #tpu.memory_space<vmem>> -> memref<1x128xi32, #tpu.memory_space<vmem>>
        %dma_wait3A_166 = tpu.memref_squeeze %dma_wait3A_165 : memref<1x128xi32, #tpu.memory_space<vmem>> -> memref<128xi32, #tpu.memory_space<vmem>>
        %dma_wait3A_167 = arith.constant 0 : i32
        %dma_wait3A_168 = arith.constant 0 : i32
        %dma_wait3A_169 = tpu.memref_slice %arg2[%dma_wait3A_167, %dma_wait3A_168] : memref<50000x16xf32, #tpu.memory_space<hbm>> -> memref<50000x16xf32, #tpu.memory_space<hbm>>
        tpu.wait_indirect_dma semaphore(%arg11 : memref<!tpu.dma_semaphore, #tpu.memory_space<semaphore_mem>>) src(%dma_wait3A_169 : memref<50000x16xf32, #tpu.memory_space<hbm>>) dst(%dma_wait3A_163 : memref<128x16xf32, #tpu.memory_space<vmem>>)
        %dma_wait3A_170 = arith.constant 1 : i32
        %dma_wait3A_171 = arith.constant 128 : i32
        %dma_wait3A_172 = arith.constant 0 : i32
        %dma_wait3A_173 = tpu.memref_slice %arg8[%dma_wait3A_171, %dma_wait3A_172] : memref<640x16xf32, #tpu.memory_space<vmem>> -> memref<128x16xf32, #tpu.memory_space<vmem>>
        %dma_wait3A_174 = arith.constant 0 : i32
        %dma_wait3A_175 = tpu.memref_slice %arg6[%dma_wait3A_170, %dma_wait3A_174] : memref<5x128xi32, #tpu.memory_space<vmem>> -> memref<1x128xi32, #tpu.memory_space<vmem>>
        %dma_wait3A_176 = tpu.memref_squeeze %dma_wait3A_175 : memref<1x128xi32, #tpu.memory_space<vmem>> -> memref<128xi32, #tpu.memory_space<vmem>>
        %dma_wait3A_177 = arith.constant 0 : i32
        %dma_wait3A_178 = arith.constant 0 : i32
        %dma_wait3A_179 = tpu.memref_slice %arg2[%dma_wait3A_177, %dma_wait3A_178] : memref<50000x16xf32, #tpu.memory_space<hbm>> -> memref<50000x16xf32, #tpu.memory_space<hbm>>
        tpu.wait_indirect_dma semaphore(%arg11 : memref<!tpu.dma_semaphore, #tpu.memory_space<semaphore_mem>>) src(%dma_wait3A_179 : memref<50000x16xf32, #tpu.memory_space<hbm>>) dst(%dma_wait3A_173 : memref<128x16xf32, #tpu.memory_space<vmem>>)
        %dma_wait3A_180 = arith.constant 2 : i32
        %dma_wait3A_181 = arith.constant 256 : i32
        %dma_wait3A_182 = arith.constant 0 : i32
        %dma_wait3A_183 = tpu.memref_slice %arg8[%dma_wait3A_181, %dma_wait3A_182] : memref<640x16xf32, #tpu.memory_space<vmem>> -> memref<128x16xf32, #tpu.memory_space<vmem>>
        %dma_wait3A_184 = arith.constant 0 : i32
        %dma_wait3A_185 = tpu.memref_slice %arg6[%dma_wait3A_180, %dma_wait3A_184] : memref<5x128xi32, #tpu.memory_space<vmem>> -> memref<1x128xi32, #tpu.memory_space<vmem>>
        %dma_wait3A_186 = tpu.memref_squeeze %dma_wait3A_185 : memref<1x128xi32, #tpu.memory_space<vmem>> -> memref<128xi32, #tpu.memory_space<vmem>>
        %dma_wait3A_187 = arith.constant 0 : i32
        %dma_wait3A_188 = arith.constant 0 : i32
        %dma_wait3A_189 = tpu.memref_slice %arg2[%dma_wait3A_187, %dma_wait3A_188] : memref<50000x16xf32, #tpu.memory_space<hbm>> -> memref<50000x16xf32, #tpu.memory_space<hbm>>
        tpu.wait_indirect_dma semaphore(%arg11 : memref<!tpu.dma_semaphore, #tpu.memory_space<semaphore_mem>>) src(%dma_wait3A_189 : memref<50000x16xf32, #tpu.memory_space<hbm>>) dst(%dma_wait3A_183 : memref<128x16xf32, #tpu.memory_space<vmem>>)
        %dma_wait3A_190 = arith.constant 3 : i32
        %dma_wait3A_191 = arith.constant 384 : i32
        %dma_wait3A_192 = arith.constant 0 : i32
        %dma_wait3A_193 = tpu.memref_slice %arg8[%dma_wait3A_191, %dma_wait3A_192] : memref<640x16xf32, #tpu.memory_space<vmem>> -> memref<128x16xf32, #tpu.memory_space<vmem>>
        %dma_wait3A_194 = arith.constant 0 : i32
        %dma_wait3A_195 = tpu.memref_slice %arg6[%dma_wait3A_190, %dma_wait3A_194] : memref<5x128xi32, #tpu.memory_space<vmem>> -> memref<1x128xi32, #tpu.memory_space<vmem>>
        %dma_wait3A_196 = tpu.memref_squeeze %dma_wait3A_195 : memref<1x128xi32, #tpu.memory_space<vmem>> -> memref<128xi32, #tpu.memory_space<vmem>>
        %dma_wait3A_197 = arith.constant 0 : i32
        %dma_wait3A_198 = arith.constant 0 : i32
        %dma_wait3A_199 = tpu.memref_slice %arg2[%dma_wait3A_197, %dma_wait3A_198] : memref<50000x16xf32, #tpu.memory_space<hbm>> -> memref<50000x16xf32, #tpu.memory_space<hbm>>
        tpu.wait_indirect_dma semaphore(%arg11 : memref<!tpu.dma_semaphore, #tpu.memory_space<semaphore_mem>>) src(%dma_wait3A_199 : memref<50000x16xf32, #tpu.memory_space<hbm>>) dst(%dma_wait3A_193 : memref<128x16xf32, #tpu.memory_space<vmem>>)
        %dma_wait3A_200 = arith.constant 4 : i32
        %dma_wait3A_201 = arith.constant 512 : i32
        %dma_wait3A_202 = arith.constant 0 : i32
        %dma_wait3A_203 = tpu.memref_slice %arg8[%dma_wait3A_201, %dma_wait3A_202] : memref<640x16xf32, #tpu.memory_space<vmem>> -> memref<128x16xf32, #tpu.memory_space<vmem>>
        %dma_wait3A_204 = arith.constant 0 : i32
        %dma_wait3A_205 = tpu.memref_slice %arg6[%dma_wait3A_200, %dma_wait3A_204] : memref<5x128xi32, #tpu.memory_space<vmem>> -> memref<1x128xi32, #tpu.memory_space<vmem>>
        %dma_wait3A_206 = tpu.memref_squeeze %dma_wait3A_205 : memref<1x128xi32, #tpu.memory_space<vmem>> -> memref<128xi32, #tpu.memory_space<vmem>>
        %dma_wait3A_207 = arith.constant 0 : i32
        %dma_wait3A_208 = arith.constant 0 : i32
        %dma_wait3A_209 = tpu.memref_slice %arg2[%dma_wait3A_207, %dma_wait3A_208] : memref<50000x16xf32, #tpu.memory_space<hbm>> -> memref<50000x16xf32, #tpu.memory_space<hbm>>
        tpu.wait_indirect_dma semaphore(%arg11 : memref<!tpu.dma_semaphore, #tpu.memory_space<semaphore_mem>>) src(%dma_wait3A_209 : memref<50000x16xf32, #tpu.memory_space<hbm>>) dst(%dma_wait3A_203 : memref<128x16xf32, #tpu.memory_space<vmem>>)
        %scan3A_210 = arith.constant 0 : i32
        %scan3A_211 = arith.constant 0 : i32
        %scan3A_212 = arith.constant 80 : i32
        %scan3A_213 = arith.addi %scan3A_211, %scan3A_212 : i32
        %scan3A_214 = arith.constant 1 : i32
        scf.for %scan3A_221 = %scan3A_211 to %scan3A_213 step %scan3A_214  : i32 {
          %mul3A_222 = arith.constant 8 : i32
          %mul3A_223 = arith.muli %scan3A_221, %mul3A_222 : i32
          %add3A_224 = arith.constant 0 : i32
          %add3A_225 = arith.addi %mul3A_223, %add3A_224 : i32
          %get3A = arith.index_cast %add3A_225 : i32 to index
          %get3A_226 = arith.constant 0 : index
          %get3A_227 = tpu.vector_load %arg8[%get3A, %get3A_226] {strides = array<i32>} : memref<640x16xf32, #tpu.memory_space<vmem>>, vector<16xf32>,
          %get3A_228 = arith.index_cast %add3A_225 : i32 to index
          %get3A_229 = arith.constant 0 : index
          %get3A_230 = tpu.vector_load %arg9[%get3A_228, %get3A_229] {strides = array<i32>} : memref<640x16xf32, #tpu.memory_space<vmem>>, vector<16xf32>,
          %add3A_231 = arith.addf %get3A_227, %get3A_230 : vector<16xf32>
          %max3A = arith.constant 0.000000e+00 : f32
          %max3A_232 = vector.broadcast %max3A : f32 to vector<16xf32>
          %max3A_233 = arith.maximumf %add3A_231, %max3A_232 : vector<16xf32>
          %swap3A = arith.index_cast %add3A_225 : i32 to index
          %swap3A_234 = arith.constant 0 : index
          %swap3A_235 = tpu.vector_load %arg8[%swap3A, %swap3A_234] {strides = array<i32>} : memref<640x16xf32, #tpu.memory_space<vmem>>, vector<16xf32>,
          tpu.vector_store %arg8[%swap3A, %swap3A_234], %max3A_233 {strides = array<i32>} : memref<640x16xf32, #tpu.memory_space<vmem>>, vector<16xf32>,
          %mul3A_236 = arith.constant 8 : i32
          %mul3A_237 = arith.muli %scan3A_221, %mul3A_236 : i32
          %add3A_238 = arith.constant 1 : i32
          %add3A_239 = arith.addi %mul3A_237, %add3A_238 : i32
          %get3A_240 = arith.index_cast %add3A_239 : i32 to index
          %get3A_241 = arith.constant 0 : index
          %get3A_242 = tpu.vector_load %arg8[%get3A_240, %get3A_241] {strides = array<i32>} : memref<640x16xf32, #tpu.memory_space<vmem>>, vector<16xf32>,
          %get3A_243 = arith.index_cast %add3A_239 : i32 to index
          %get3A_244 = arith.constant 0 : index
          %get3A_245 = tpu.vector_load %arg9[%get3A_243, %get3A_244] {strides = array<i32>} : memref<640x16xf32, #tpu.memory_space<vmem>>, vector<16xf32>,
          %add3A_246 = arith.addf %get3A_242, %get3A_245 : vector<16xf32>
          %max3A_247 = arith.constant 0.000000e+00 : f32
          %max3A_248 = vector.broadcast %max3A_247 : f32 to vector<16xf32>
          %max3A_249 = arith.maximumf %add3A_246, %max3A_248 : vector<16xf32>
          %swap3A_250 = arith.index_cast %add3A_239 : i32 to index
          %swap3A_251 = arith.constant 0 : index
          %swap3A_252 = tpu.vector_load %arg8[%swap3A_250, %swap3A_251] {strides = array<i32>} : memref<640x16xf32, #tpu.memory_space<vmem>>, vector<16xf32>,
          tpu.vector_store %arg8[%swap3A_250, %swap3A_251], %max3A_249 {strides = array<i32>} : memref<640x16xf32, #tpu.memory_space<vmem>>, vector<16xf32>,
          %mul3A_253 = arith.constant 8 : i32
          %mul3A_254 = arith.muli %scan3A_221, %mul3A_253 : i32
          %add3A_255 = arith.constant 2 : i32
          %add3A_256 = arith.addi %mul3A_254, %add3A_255 : i32
          %get3A_257 = arith.index_cast %add3A_256 : i32 to index
          %get3A_258 = arith.constant 0 : index
          %get3A_259 = tpu.vector_load %arg8[%get3A_257, %get3A_258] {strides = array<i32>} : memref<640x16xf32, #tpu.memory_space<vmem>>, vector<16xf32>,
          %get3A_260 = arith.index_cast %add3A_256 : i32 to index
          %get3A_261 = arith.constant 0 : index
          %get3A_262 = tpu.vector_load %arg9[%get3A_260, %get3A_261] {strides = array<i32>} : memref<640x16xf32, #tpu.memory_space<vmem>>, vector<16xf32>,
          %add3A_263 = arith.addf %get3A_259, %get3A_262 : vector<16xf32>
          %max3A_264 = arith.constant 0.000000e+00 : f32
          %max3A_265 = vector.broadcast %max3A_264 : f32 to vector<16xf32>
          %max3A_266 = arith.maximumf %add3A_263, %max3A_265 : vector<16xf32>
          %swap3A_267 = arith.index_cast %add3A_256 : i32 to index
          %swap3A_268 = arith.constant 0 : index
          %swap3A_269 = tpu.vector_load %arg8[%swap3A_267, %swap3A_268] {strides = array<i32>} : memref<640x16xf32, #tpu.memory_space<vmem>>, vector<16xf32>,
          tpu.vector_store %arg8[%swap3A_267, %swap3A_268], %max3A_266 {strides = array<i32>} : memref<640x16xf32, #tpu.memory_space<vmem>>, vector<16xf32>,
          %mul3A_270 = arith.constant 8 : i32
          %mul3A_271 = arith.muli %scan3A_221, %mul3A_270 : i32
          %add3A_272 = arith.constant 3 : i32
          %add3A_273 = arith.addi %mul3A_271, %add3A_272 : i32
          %get3A_274 = arith.index_cast %add3A_273 : i32 to index
          %get3A_275 = arith.constant 0 : index
          %get3A_276 = tpu.vector_load %arg8[%get3A_274, %get3A_275] {strides = array<i32>} : memref<640x16xf32, #tpu.memory_space<vmem>>, vector<16xf32>,
          %get3A_277 = arith.index_cast %add3A_273 : i32 to index
          %get3A_278 = arith.constant 0 : index
          %get3A_279 = tpu.vector_load %arg9[%get3A_277, %get3A_278] {strides = array<i32>} : memref<640x16xf32, #tpu.memory_space<vmem>>, vector<16xf32>,
          %add3A_280 = arith.addf %get3A_276, %get3A_279 : vector<16xf32>
          %max3A_281 = arith.constant 0.000000e+00 : f32
          %max3A_282 = vector.broadcast %max3A_281 : f32 to vector<16xf32>
          %max3A_283 = arith.maximumf %add3A_280, %max3A_282 : vector<16xf32>
          %swap3A_284 = arith.index_cast %add3A_273 : i32 to index
          %swap3A_285 = arith.constant 0 : index
          %swap3A_286 = tpu.vector_load %arg8[%swap3A_284, %swap3A_285] {strides = array<i32>} : memref<640x16xf32, #tpu.memory_space<vmem>>, vector<16xf32>,
          tpu.vector_store %arg8[%swap3A_284, %swap3A_285], %max3A_283 {strides = array<i32>} : memref<640x16xf32, #tpu.memory_space<vmem>>, vector<16xf32>,
          %mul3A_287 = arith.constant 8 : i32
          %mul3A_288 = arith.muli %scan3A_221, %mul3A_287 : i32
          %add3A_289 = arith.constant 4 : i32
          %add3A_290 = arith.addi %mul3A_288, %add3A_289 : i32
          %get3A_291 = arith.index_cast %add3A_290 : i32 to index
          %get3A_292 = arith.constant 0 : index
          %get3A_293 = tpu.vector_load %arg8[%get3A_291, %get3A_292] {strides = array<i32>} : memref<640x16xf32, #tpu.memory_space<vmem>>, vector<16xf32>,
          %get3A_294 = arith.index_cast %add3A_290 : i32 to index
          %get3A_295 = arith.constant 0 : index
          %get3A_296 = tpu.vector_load %arg9[%get3A_294, %get3A_295] {strides = array<i32>} : memref<640x16xf32, #tpu.memory_space<vmem>>, vector<16xf32>,
          %add3A_297 = arith.addf %get3A_293, %get3A_296 : vector<16xf32>
          %max3A_298 = arith.constant 0.000000e+00 : f32
          %max3A_299 = vector.broadcast %max3A_298 : f32 to vector<16xf32>
          %max3A_300 = arith.maximumf %add3A_297, %max3A_299 : vector<16xf32>
          %swap3A_301 = arith.index_cast %add3A_290 : i32 to index
          %swap3A_302 = arith.constant 0 : index
          %swap3A_303 = tpu.vector_load %arg8[%swap3A_301, %swap3A_302] {strides = array<i32>} : memref<640x16xf32, #tpu.memory_space<vmem>>, vector<16xf32>,
          tpu.vector_store %arg8[%swap3A_301, %swap3A_302], %max3A_300 {strides = array<i32>} : memref<640x16xf32, #tpu.memory_space<vmem>>, vector<16xf32>,
          %mul3A_304 = arith.constant 8 : i32
          %mul3A_305 = arith.muli %scan3A_221, %mul3A_304 : i32
          %add3A_306 = arith.constant 5 : i32
          %add3A_307 = arith.addi %mul3A_305, %add3A_306 : i32
          %get3A_308 = arith.index_cast %add3A_307 : i32 to index
          %get3A_309 = arith.constant 0 : index
          %get3A_310 = tpu.vector_load %arg8[%get3A_308, %get3A_309] {strides = array<i32>} : memref<640x16xf32, #tpu.memory_space<vmem>>, vector<16xf32>,
          %get3A_311 = arith.index_cast %add3A_307 : i32 to index
          %get3A_312 = arith.constant 0 : index
          %get3A_313 = tpu.vector_load %arg9[%get3A_311, %get3A_312] {strides = array<i32>} : memref<640x16xf32, #tpu.memory_space<vmem>>, vector<16xf32>,
          %add3A_314 = arith.addf %get3A_310, %get3A_313 : vector<16xf32>
          %max3A_315 = arith.constant 0.000000e+00 : f32
          %max3A_316 = vector.broadcast %max3A_315 : f32 to vector<16xf32>
          %max3A_317 = arith.maximumf %add3A_314, %max3A_316 : vector<16xf32>
          %swap3A_318 = arith.index_cast %add3A_307 : i32 to index
          %swap3A_319 = arith.constant 0 : index
          %swap3A_320 = tpu.vector_load %arg8[%swap3A_318, %swap3A_319] {strides = array<i32>} : memref<640x16xf32, #tpu.memory_space<vmem>>, vector<16xf32>,
          tpu.vector_store %arg8[%swap3A_318, %swap3A_319], %max3A_317 {strides = array<i32>} : memref<640x16xf32, #tpu.memory_space<vmem>>, vector<16xf32>,
          %mul3A_321 = arith.constant 8 : i32
          %mul3A_322 = arith.muli %scan3A_221, %mul3A_321 : i32
          %add3A_323 = arith.constant 6 : i32
          %add3A_324 = arith.addi %mul3A_322, %add3A_323 : i32
          %get3A_325 = arith.index_cast %add3A_324 : i32 to index
          %get3A_326 = arith.constant 0 : index
          %get3A_327 = tpu.vector_load %arg8[%get3A_325, %get3A_326] {strides = array<i32>} : memref<640x16xf32, #tpu.memory_space<vmem>>, vector<16xf32>,
          %get3A_328 = arith.index_cast %add3A_324 : i32 to index
          %get3A_329 = arith.constant 0 : index
          %get3A_330 = tpu.vector_load %arg9[%get3A_328, %get3A_329] {strides = array<i32>} : memref<640x16xf32, #tpu.memory_space<vmem>>, vector<16xf32>,
          %add3A_331 = arith.addf %get3A_327, %get3A_330 : vector<16xf32>
          %max3A_332 = arith.constant 0.000000e+00 : f32
          %max3A_333 = vector.broadcast %max3A_332 : f32 to vector<16xf32>
          %max3A_334 = arith.maximumf %add3A_331, %max3A_333 : vector<16xf32>
          %swap3A_335 = arith.index_cast %add3A_324 : i32 to index
          %swap3A_336 = arith.constant 0 : index
          %swap3A_337 = tpu.vector_load %arg8[%swap3A_335, %swap3A_336] {strides = array<i32>} : memref<640x16xf32, #tpu.memory_space<vmem>>, vector<16xf32>,
          tpu.vector_store %arg8[%swap3A_335, %swap3A_336], %max3A_334 {strides = array<i32>} : memref<640x16xf32, #tpu.memory_space<vmem>>, vector<16xf32>,
          %mul3A_338 = arith.constant 8 : i32
          %mul3A_339 = arith.muli %scan3A_221, %mul3A_338 : i32
          %add3A_340 = arith.constant 7 : i32
          %add3A_341 = arith.addi %mul3A_339, %add3A_340 : i32
          %get3A_342 = arith.index_cast %add3A_341 : i32 to index
          %get3A_343 = arith.constant 0 : index
          %get3A_344 = tpu.vector_load %arg8[%get3A_342, %get3A_343] {strides = array<i32>} : memref<640x16xf32, #tpu.memory_space<vmem>>, vector<16xf32>,
          %get3A_345 = arith.index_cast %add3A_341 : i32 to index
          %get3A_346 = arith.constant 0 : index
          %get3A_347 = tpu.vector_load %arg9[%get3A_345, %get3A_346] {strides = array<i32>} : memref<640x16xf32, #tpu.memory_space<vmem>>, vector<16xf32>,
          %add3A_348 = arith.addf %get3A_344, %get3A_347 : vector<16xf32>
          %max3A_349 = arith.constant 0.000000e+00 : f32
          %max3A_350 = vector.broadcast %max3A_349 : f32 to vector<16xf32>
          %max3A_351 = arith.maximumf %add3A_348, %max3A_350 : vector<16xf32>
          %swap3A_352 = arith.index_cast %add3A_341 : i32 to index
          %swap3A_353 = arith.constant 0 : index
          %swap3A_354 = tpu.vector_load %arg8[%swap3A_352, %swap3A_353] {strides = array<i32>} : memref<640x16xf32, #tpu.memory_space<vmem>>, vector<16xf32>,
          tpu.vector_store %arg8[%swap3A_352, %swap3A_353], %max3A_351 {strides = array<i32>} : memref<640x16xf32, #tpu.memory_space<vmem>>, vector<16xf32>,
        }
        %scan3A_215 = arith.constant 80 : i32
        %run_scoped3A_216 = arith.constant 0 : i32
        "tpu.region"() ({
          %run_scoped3A_221 = tpu.sem_alloc : memref<!tpu.dma_semaphore, #tpu.memory_space<semaphore_mem>>
          %dma_start3A_222 = arith.constant 0 : i32
          %dma_start3A_223 = arith.constant 0 : i32
          %dma_start3A_224 = tpu.memref_slice %arg8[%dma_start3A_222, %dma_start3A_223] : memref<640x16xf32, #tpu.memory_space<vmem>> -> memref<128x16xf32, #tpu.memory_space<vmem>>
          %dma_start3A_225 = arith.constant 0 : i32
          %dma_start3A_226 = tpu.memref_slice %arg7[%run_scoped3A_216, %dma_start3A_225] : memref<5x128xi32, #tpu.memory_space<vmem>> -> memref<1x128xi32, #tpu.memory_space<vmem>>
          %dma_start3A_227 = tpu.memref_squeeze %dma_start3A_226 : memref<1x128xi32, #tpu.memory_space<vmem>> -> memref<128xi32, #tpu.memory_space<vmem>>
          %dma_start3A_228 = arith.constant 0 : i32
          %dma_start3A_229 = arith.constant 0 : i32
          %dma_start3A_230 = tpu.memref_slice %arg10[%dma_start3A_228, %dma_start3A_229] : memref<50048x16xf32, #tpu.memory_space<vmem_shared>> -> memref<50048x16xf32, #tpu.memory_space<vmem_shared>>
          tpu.enqueue_indirect_dma source(%dma_start3A_224 : memref<128x16xf32, #tpu.memory_space<vmem>>) target(%dma_start3A_230 : memref<50048x16xf32, #tpu.memory_space<vmem_shared>>) offsets(%dma_start3A_227 : memref<128xi32, #tpu.memory_space<vmem>>) semaphore(%run_scoped3A_221 : memref<!tpu.dma_semaphore, #tpu.memory_space<semaphore_mem>>) {add = true}
          %dma_wait3A_231 = arith.constant 0 : i32
          %dma_wait3A_232 = arith.constant 0 : i32
          %dma_wait3A_233 = tpu.memref_slice %arg8[%dma_wait3A_231, %dma_wait3A_232] : memref<640x16xf32, #tpu.memory_space<vmem>> -> memref<128x16xf32, #tpu.memory_space<vmem>>
          %dma_wait3A_234 = arith.constant 0 : i32
          %dma_wait3A_235 = tpu.memref_slice %arg7[%run_scoped3A_216, %dma_wait3A_234] : memref<5x128xi32, #tpu.memory_space<vmem>> -> memref<1x128xi32, #tpu.memory_space<vmem>>
          %dma_wait3A_236 = tpu.memref_squeeze %dma_wait3A_235 : memref<1x128xi32, #tpu.memory_space<vmem>> -> memref<128xi32, #tpu.memory_space<vmem>>
          %dma_wait3A_237 = arith.constant 0 : i32
          %dma_wait3A_238 = arith.constant 0 : i32
          %dma_wait3A_239 = tpu.memref_slice %arg10[%dma_wait3A_237, %dma_wait3A_238] : memref<50048x16xf32, #tpu.memory_space<vmem_shared>> -> memref<50048x16xf32, #tpu.memory_space<vmem_shared>>
          tpu.wait_indirect_dma semaphore(%run_scoped3A_221 : memref<!tpu.dma_semaphore, #tpu.memory_space<semaphore_mem>>) src(%dma_wait3A_233 : memref<128x16xf32, #tpu.memory_space<vmem>>) dst(%dma_wait3A_239 : memref<50048x16xf32, #tpu.memory_space<vmem_shared>>)
          tpu.yield
        }) : () -> ()
        %run_scoped3A_217 = arith.constant 1 : i32
        "tpu.region"() ({
          %run_scoped3A_221 = tpu.sem_alloc : memref<!tpu.dma_semaphore, #tpu.memory_space<semaphore_mem>>
          %dma_start3A_222 = arith.constant 128 : i32
          %dma_start3A_223 = arith.constant 0 : i32
          %dma_start3A_224 = tpu.memref_slice %arg8[%dma_start3A_222, %dma_start3A_223] : memref<640x16xf32, #tpu.memory_space<vmem>> -> memref<128x16xf32, #tpu.memory_space<vmem>>
          %dma_start3A_225 = arith.constant 0 : i32
          %dma_start3A_226 = tpu.memref_slice %arg7[%run_scoped3A_217, %dma_start3A_225] : memref<5x128xi32, #tpu.memory_space<vmem>> -> memref<1x128xi32, #tpu.memory_space<vmem>>
          %dma_start3A_227 = tpu.memref_squeeze %dma_start3A_226 : memref<1x128xi32, #tpu.memory_space<vmem>> -> memref<128xi32, #tpu.memory_space<vmem>>
          %dma_start3A_228 = arith.constant 0 : i32
          %dma_start3A_229 = arith.constant 0 : i32
          %dma_start3A_230 = tpu.memref_slice %arg10[%dma_start3A_228, %dma_start3A_229] : memref<50048x16xf32, #tpu.memory_space<vmem_shared>> -> memref<50048x16xf32, #tpu.memory_space<vmem_shared>>
          tpu.enqueue_indirect_dma source(%dma_start3A_224 : memref<128x16xf32, #tpu.memory_space<vmem>>) target(%dma_start3A_230 : memref<50048x16xf32, #tpu.memory_space<vmem_shared>>) offsets(%dma_start3A_227 : memref<128xi32, #tpu.memory_space<vmem>>) semaphore(%run_scoped3A_221 : memref<!tpu.dma_semaphore, #tpu.memory_space<semaphore_mem>>) {add = true}
          %dma_wait3A_231 = arith.constant 128 : i32
          %dma_wait3A_232 = arith.constant 0 : i32
          %dma_wait3A_233 = tpu.memref_slice %arg8[%dma_wait3A_231, %dma_wait3A_232] : memref<640x16xf32, #tpu.memory_space<vmem>> -> memref<128x16xf32, #tpu.memory_space<vmem>>
          %dma_wait3A_234 = arith.constant 0 : i32
          %dma_wait3A_235 = tpu.memref_slice %arg7[%run_scoped3A_217, %dma_wait3A_234] : memref<5x128xi32, #tpu.memory_space<vmem>> -> memref<1x128xi32, #tpu.memory_space<vmem>>
          %dma_wait3A_236 = tpu.memref_squeeze %dma_wait3A_235 : memref<1x128xi32, #tpu.memory_space<vmem>> -> memref<128xi32, #tpu.memory_space<vmem>>
          %dma_wait3A_237 = arith.constant 0 : i32
          %dma_wait3A_238 = arith.constant 0 : i32
          %dma_wait3A_239 = tpu.memref_slice %arg10[%dma_wait3A_237, %dma_wait3A_238] : memref<50048x16xf32, #tpu.memory_space<vmem_shared>> -> memref<50048x16xf32, #tpu.memory_space<vmem_shared>>
          tpu.wait_indirect_dma semaphore(%run_scoped3A_221 : memref<!tpu.dma_semaphore, #tpu.memory_space<semaphore_mem>>) src(%dma_wait3A_233 : memref<128x16xf32, #tpu.memory_space<vmem>>) dst(%dma_wait3A_239 : memref<50048x16xf32, #tpu.memory_space<vmem_shared>>)
          tpu.yield
        }) : () -> ()
        %run_scoped3A_218 = arith.constant 2 : i32
        "tpu.region"() ({
          %run_scoped3A_221 = tpu.sem_alloc : memref<!tpu.dma_semaphore, #tpu.memory_space<semaphore_mem>>
          %dma_start3A_222 = arith.constant 256 : i32
          %dma_start3A_223 = arith.constant 0 : i32
          %dma_start3A_224 = tpu.memref_slice %arg8[%dma_start3A_222, %dma_start3A_223] : memref<640x16xf32, #tpu.memory_space<vmem>> -> memref<128x16xf32, #tpu.memory_space<vmem>>
          %dma_start3A_225 = arith.constant 0 : i32
          %dma_start3A_226 = tpu.memref_slice %arg7[%run_scoped3A_218, %dma_start3A_225] : memref<5x128xi32, #tpu.memory_space<vmem>> -> memref<1x128xi32, #tpu.memory_space<vmem>>
          %dma_start3A_227 = tpu.memref_squeeze %dma_start3A_226 : memref<1x128xi32, #tpu.memory_space<vmem>> -> memref<128xi32, #tpu.memory_space<vmem>>
          %dma_start3A_228 = arith.constant 0 : i32
          %dma_start3A_229 = arith.constant 0 : i32
          %dma_start3A_230 = tpu.memref_slice %arg10[%dma_start3A_228, %dma_start3A_229] : memref<50048x16xf32, #tpu.memory_space<vmem_shared>> -> memref<50048x16xf32, #tpu.memory_space<vmem_shared>>
          tpu.enqueue_indirect_dma source(%dma_start3A_224 : memref<128x16xf32, #tpu.memory_space<vmem>>) target(%dma_start3A_230 : memref<50048x16xf32, #tpu.memory_space<vmem_shared>>) offsets(%dma_start3A_227 : memref<128xi32, #tpu.memory_space<vmem>>) semaphore(%run_scoped3A_221 : memref<!tpu.dma_semaphore, #tpu.memory_space<semaphore_mem>>) {add = true}
          %dma_wait3A_231 = arith.constant 256 : i32
          %dma_wait3A_232 = arith.constant 0 : i32
          %dma_wait3A_233 = tpu.memref_slice %arg8[%dma_wait3A_231, %dma_wait3A_232] : memref<640x16xf32, #tpu.memory_space<vmem>> -> memref<128x16xf32, #tpu.memory_space<vmem>>
          %dma_wait3A_234 = arith.constant 0 : i32
          %dma_wait3A_235 = tpu.memref_slice %arg7[%run_scoped3A_218, %dma_wait3A_234] : memref<5x128xi32, #tpu.memory_space<vmem>> -> memref<1x128xi32, #tpu.memory_space<vmem>>
          %dma_wait3A_236 = tpu.memref_squeeze %dma_wait3A_235 : memref<1x128xi32, #tpu.memory_space<vmem>> -> memref<128xi32, #tpu.memory_space<vmem>>
          %dma_wait3A_237 = arith.constant 0 : i32
          %dma_wait3A_238 = arith.constant 0 : i32
          %dma_wait3A_239 = tpu.memref_slice %arg10[%dma_wait3A_237, %dma_wait3A_238] : memref<50048x16xf32, #tpu.memory_space<vmem_shared>> -> memref<50048x16xf32, #tpu.memory_space<vmem_shared>>
          tpu.wait_indirect_dma semaphore(%run_scoped3A_221 : memref<!tpu.dma_semaphore, #tpu.memory_space<semaphore_mem>>) src(%dma_wait3A_233 : memref<128x16xf32, #tpu.memory_space<vmem>>) dst(%dma_wait3A_239 : memref<50048x16xf32, #tpu.memory_space<vmem_shared>>)
          tpu.yield
        }) : () -> ()
        %run_scoped3A_219 = arith.constant 3 : i32
        "tpu.region"() ({
          %run_scoped3A_221 = tpu.sem_alloc : memref<!tpu.dma_semaphore, #tpu.memory_space<semaphore_mem>>
          %dma_start3A_222 = arith.constant 384 : i32
          %dma_start3A_223 = arith.constant 0 : i32
          %dma_start3A_224 = tpu.memref_slice %arg8[%dma_start3A_222, %dma_start3A_223] : memref<640x16xf32, #tpu.memory_space<vmem>> -> memref<128x16xf32, #tpu.memory_space<vmem>>
          %dma_start3A_225 = arith.constant 0 : i32
          %dma_start3A_226 = tpu.memref_slice %arg7[%run_scoped3A_219, %dma_start3A_225] : memref<5x128xi32, #tpu.memory_space<vmem>> -> memref<1x128xi32, #tpu.memory_space<vmem>>
          %dma_start3A_227 = tpu.memref_squeeze %dma_start3A_226 : memref<1x128xi32, #tpu.memory_space<vmem>> -> memref<128xi32, #tpu.memory_space<vmem>>
          %dma_start3A_228 = arith.constant 0 : i32
          %dma_start3A_229 = arith.constant 0 : i32
          %dma_start3A_230 = tpu.memref_slice %arg10[%dma_start3A_228, %dma_start3A_229] : memref<50048x16xf32, #tpu.memory_space<vmem_shared>> -> memref<50048x16xf32, #tpu.memory_space<vmem_shared>>
          tpu.enqueue_indirect_dma source(%dma_start3A_224 : memref<128x16xf32, #tpu.memory_space<vmem>>) target(%dma_start3A_230 : memref<50048x16xf32, #tpu.memory_space<vmem_shared>>) offsets(%dma_start3A_227 : memref<128xi32, #tpu.memory_space<vmem>>) semaphore(%run_scoped3A_221 : memref<!tpu.dma_semaphore, #tpu.memory_space<semaphore_mem>>) {add = true}
          %dma_wait3A_231 = arith.constant 384 : i32
          %dma_wait3A_232 = arith.constant 0 : i32
          %dma_wait3A_233 = tpu.memref_slice %arg8[%dma_wait3A_231, %dma_wait3A_232] : memref<640x16xf32, #tpu.memory_space<vmem>> -> memref<128x16xf32, #tpu.memory_space<vmem>>
          %dma_wait3A_234 = arith.constant 0 : i32
          %dma_wait3A_235 = tpu.memref_slice %arg7[%run_scoped3A_219, %dma_wait3A_234] : memref<5x128xi32, #tpu.memory_space<vmem>> -> memref<1x128xi32, #tpu.memory_space<vmem>>
          %dma_wait3A_236 = tpu.memref_squeeze %dma_wait3A_235 : memref<1x128xi32, #tpu.memory_space<vmem>> -> memref<128xi32, #tpu.memory_space<vmem>>
          %dma_wait3A_237 = arith.constant 0 : i32
          %dma_wait3A_238 = arith.constant 0 : i32
          %dma_wait3A_239 = tpu.memref_slice %arg10[%dma_wait3A_237, %dma_wait3A_238] : memref<50048x16xf32, #tpu.memory_space<vmem_shared>> -> memref<50048x16xf32, #tpu.memory_space<vmem_shared>>
          tpu.wait_indirect_dma semaphore(%run_scoped3A_221 : memref<!tpu.dma_semaphore, #tpu.memory_space<semaphore_mem>>) src(%dma_wait3A_233 : memref<128x16xf32, #tpu.memory_space<vmem>>) dst(%dma_wait3A_239 : memref<50048x16xf32, #tpu.memory_space<vmem_shared>>)
          tpu.yield
        }) : () -> ()
        %run_scoped3A_220 = arith.constant 4 : i32
        "tpu.region"() ({
          %run_scoped3A_221 = tpu.sem_alloc : memref<!tpu.dma_semaphore, #tpu.memory_space<semaphore_mem>>
          %dma_start3A_222 = arith.constant 512 : i32
          %dma_start3A_223 = arith.constant 0 : i32
          %dma_start3A_224 = tpu.memref_slice %arg8[%dma_start3A_222, %dma_start3A_223] : memref<640x16xf32, #tpu.memory_space<vmem>> -> memref<128x16xf32, #tpu.memory_space<vmem>>
          %dma_start3A_225 = arith.constant 0 : i32
          %dma_start3A_226 = tpu.memref_slice %arg7[%run_scoped3A_220, %dma_start3A_225] : memref<5x128xi32, #tpu.memory_space<vmem>> -> memref<1x128xi32, #tpu.memory_space<vmem>>
          %dma_start3A_227 = tpu.memref_squeeze %dma_start3A_226 : memref<1x128xi32, #tpu.memory_space<vmem>> -> memref<128xi32, #tpu.memory_space<vmem>>
          %dma_start3A_228 = arith.constant 0 : i32
          %dma_start3A_229 = arith.constant 0 : i32
          %dma_start3A_230 = tpu.memref_slice %arg10[%dma_start3A_228, %dma_start3A_229] : memref<50048x16xf32, #tpu.memory_space<vmem_shared>> -> memref<50048x16xf32, #tpu.memory_space<vmem_shared>>
          tpu.enqueue_indirect_dma source(%dma_start3A_224 : memref<128x16xf32, #tpu.memory_space<vmem>>) target(%dma_start3A_230 : memref<50048x16xf32, #tpu.memory_space<vmem_shared>>) offsets(%dma_start3A_227 : memref<128xi32, #tpu.memory_space<vmem>>) semaphore(%run_scoped3A_221 : memref<!tpu.dma_semaphore, #tpu.memory_space<semaphore_mem>>) {add = true}
          %dma_wait3A_231 = arith.constant 512 : i32
          %dma_wait3A_232 = arith.constant 0 : i32
          %dma_wait3A_233 = tpu.memref_slice %arg8[%dma_wait3A_231, %dma_wait3A_232] : memref<640x16xf32, #tpu.memory_space<vmem>> -> memref<128x16xf32, #tpu.memory_space<vmem>>
          %dma_wait3A_234 = arith.constant 0 : i32
          %dma_wait3A_235 = tpu.memref_slice %arg7[%run_scoped3A_220, %dma_wait3A_234] : memref<5x128xi32, #tpu.memory_space<vmem>> -> memref<1x128xi32, #tpu.memory_space<vmem>>
          %dma_wait3A_236 = tpu.memref_squeeze %dma_wait3A_235 : memref<1x128xi32, #tpu.memory_space<vmem>> -> memref<128xi32, #tpu.memory_space<vmem>>
          %dma_wait3A_237 = arith.constant 0 : i32
          %dma_wait3A_238 = arith.constant 0 : i32
          %dma_wait3A_239 = tpu.memref_slice %arg10[%dma_wait3A_237, %dma_wait3A_238] : memref<50048x16xf32, #tpu.memory_space<vmem_shared>> -> memref<50048x16xf32, #tpu.memory_space<vmem_shared>>
          tpu.wait_indirect_dma semaphore(%run_scoped3A_221 : memref<!tpu.dma_semaphore, #tpu.memory_space<semaphore_mem>>) src(%dma_wait3A_233 : memref<128x16xf32, #tpu.memory_space<vmem>>) dst(%dma_wait3A_239 : memref<50048x16xf32, #tpu.memory_space<vmem_shared>>)
          tpu.yield
        }) : () -> ()
      } else {
      }
    }
    %scan3A_23 = arith.constant 157 : i32
    %barrier3A_24 = arith.constant 0 : index
    tpu.barrier barrier_id(%barrier3A_24)
    "tpu.region"() ({
      %run_scoped3A = tpu.sem_alloc : memref<!tpu.dma_semaphore, #tpu.memory_space<semaphore_mem>>
      %dma_start3A = arith.constant 0 : i32
      %dma_start3A_25 = arith.constant 0 : i32
      %dma_start3A_26 = tpu.memref_slice %arg5[%arg0, %dma_start3A, %dma_start3A_25] : memref<2x50048x16xf32, #tpu.memory_space<hbm>> -> memref<1x50048x16xf32, #tpu.memory_space<hbm>>
      %dma_start3A_27 = tpu.memref_squeeze %dma_start3A_26 : memref<1x50048x16xf32, #tpu.memory_space<hbm>> -> memref<50048x16xf32, #tpu.memory_space<hbm>>
      %dma_start3A_28 = arith.constant 0 : i32
      %dma_start3A_29 = tpu.memref_slice %dma_start3A_27[%mul3A_7, %dma_start3A_28] : memref<50048x16xf32, #tpu.memory_space<hbm>> -> memref<3128x16xf32, #tpu.memory_space<hbm>>
      %dma_start3A_30 = arith.constant 0 : i32
      %dma_start3A_31 = tpu.memref_slice %arg10[%mul3A_7, %dma_start3A_30] : memref<50048x16xf32, #tpu.memory_space<vmem_shared>> -> memref<3128x16xf32, #tpu.memory_space<vmem_shared>>
      tpu.enqueue_dma source(%dma_start3A_31 : memref<3128x16xf32, #tpu.memory_space<vmem_shared>>) target(%dma_start3A_29 : memref<3128x16xf32, #tpu.memory_space<hbm>>) target_semaphore(%run_scoped3A : memref<!tpu.dma_semaphore, #tpu.memory_space<semaphore_mem>>)
      %dma_wait3A = arith.constant 0 : i32
      %dma_wait3A_32 = arith.constant 0 : i32
      %dma_wait3A_33 = tpu.memref_slice %arg5[%arg0, %dma_wait3A, %dma_wait3A_32] : memref<2x50048x16xf32, #tpu.memory_space<hbm>> -> memref<1x50048x16xf32, #tpu.memory_space<hbm>>
      %dma_wait3A_34 = tpu.memref_squeeze %dma_wait3A_33 : memref<1x50048x16xf32, #tpu.memory_space<hbm>> -> memref<50048x16xf32, #tpu.memory_space<hbm>>
      %dma_wait3A_35 = arith.constant 0 : i32
      %dma_wait3A_36 = tpu.memref_slice %dma_wait3A_34[%mul3A_7, %dma_wait3A_35] : memref<50048x16xf32, #tpu.memory_space<hbm>> -> memref<3128x16xf32, #tpu.memory_space<hbm>>
      %dma_wait3A_37 = arith.constant 0 : i32
      %dma_wait3A_38 = tpu.memref_slice %arg10[%mul3A_7, %dma_wait3A_37] : memref<50048x16xf32, #tpu.memory_space<vmem_shared>> -> memref<3128x16xf32, #tpu.memory_space<vmem_shared>>
      tpu.wait_dma2 semaphore(%run_scoped3A : memref<!tpu.dma_semaphore, #tpu.memory_space<semaphore_mem>>) src(%dma_wait3A_38 : memref<3128x16xf32, #tpu.memory_space<vmem_shared>>) dst(%dma_wait3A_36 : memref<3128x16xf32, #tpu.memory_space<hbm>>)
      tpu.yield
    }) : () -> ()
    return
  }
}

#map = affine_map<(d0, d1) -> (0, 0)>
#map1 = affine_map<(d0, d1) -> (0, 0, 0)>
module attributes {stable_mosaic.version = 14 : i64} {
  func.func @k(%arg0: i32, %arg1: i32, %arg2: memref<50000x16xf32, #tpu.memory_space<hbm>>, %arg3: memref<2x25000x128xi32, #tpu.memory_space<hbm>>, %arg4: memref<400000x128xf32, #tpu.memory_space<hbm>>, %arg5: memref<2x50048x16xf32, #tpu.memory_space<hbm>>, %arg6: memref<5x128xi32, #tpu.memory_space<vmem>>, %arg7: memref<5x128xi32, #tpu.memory_space<vmem>>, %arg8: memref<640x16xf32, #tpu.memory_space<vmem>>, %arg9: memref<640x16xf32, #tpu.memory_space<vmem>>, %arg10: memref<50048x16xf32, #tpu.memory_space<vmem_shared>>, %arg11: memref<!tpu.dma_semaphore, #tpu.memory_space<semaphore_mem>>) attributes {dimension_semantics = [#tpu.dimension_semantics<core_parallel>, #tpu.dimension_semantics<subcore_parallel>], iteration_bounds = array<i64: 2, 16>, scalar_prefetch = 0 : i64, scratch_operands = 6 : i64, tpu.core_type = #tpu.core_type<sc_vector_subcore>, window_params = [{transform_indices = #map}, {transform_indices = #map1}, {transform_indices = #map}, {transform_indices = #map1}]} {
    %mul3A = arith.constant 2 : i32
    %mul3A_0 = arith.muli %arg1, %mul3A : i32
    %add3A = arith.addi %mul3A_0, %arg0 : i32
    %scan3A = arith.constant 0 : i32
    %scan3A_1 = arith.constant 0 : i32
    %scan3A_2 = arith.constant 640 : i32
    %scan3A_3 = arith.addi %scan3A_1, %scan3A_2 : i32
    %scan3A_4 = arith.constant 1 : i32
    scf.for %scan3A_25 = %scan3A_1 to %scan3A_3 step %scan3A_4  : i32 {
      %broadcast_in_dim3A = arith.constant 0.000000e+00 : f32
      %broadcast_in_dim3A_26 = vector.broadcast %broadcast_in_dim3A : f32 to vector<16xf32>
      %swap3A = arith.index_cast %scan3A_25 : i32 to index
      %swap3A_27 = arith.constant 0 : index
      %swap3A_28 = tpu.vector_load %arg8[%swap3A, %swap3A_27] {strides = array<i32>} : memref<640x16xf32, #tpu.memory_space<vmem>>, vector<16xf32>,
      tpu.vector_store %arg8[%swap3A, %swap3A_27], %broadcast_in_dim3A_26 {strides = array<i32>} : memref<640x16xf32, #tpu.memory_space<vmem>>, vector<16xf32>,
    }
    %scan3A_5 = arith.constant 640 : i32
    %mul3A_6 = arith.constant 3128 : i32
    %mul3A_7 = arith.muli %arg1, %mul3A_6 : i32
    %add3A_8 = arith.constant 0 : i32
    %add3A_9 = arith.addi %mul3A_7, %add3A_8 : i32
    "tpu.region"() ({
      %run_scoped3A = tpu.sem_alloc : memref<!tpu.dma_semaphore, #tpu.memory_space<semaphore_mem>>
      %dma_start3A = arith.constant 0 : i32
      %dma_start3A_25 = tpu.memref_slice %arg10[%add3A_9, %dma_start3A] : memref<50048x16xf32, #tpu.memory_space<vmem_shared>> -> memref<640x16xf32, #tpu.memory_space<vmem_shared>>
      %dma_start3A_26 = arith.constant 0 : i32
      %dma_start3A_27 = tpu.memref_slice %arg10[%add3A_9, %dma_start3A_26] : memref<50048x16xf32, #tpu.memory_space<vmem_shared>> -> memref<640x16xf32, #tpu.memory_space<vmem_shared>>
      tpu.enqueue_dma source(%arg8 : memref<640x16xf32, #tpu.memory_space<vmem>>) target(%dma_start3A_27 : memref<640x16xf32, #tpu.memory_space<vmem_shared>>) target_semaphore(%run_scoped3A : memref<!tpu.dma_semaphore, #tpu.memory_space<semaphore_mem>>)
      %dma_wait3A = arith.constant 0 : i32
      %dma_wait3A_28 = tpu.memref_slice %arg10[%add3A_9, %dma_wait3A] : memref<50048x16xf32, #tpu.memory_space<vmem_shared>> -> memref<640x16xf32, #tpu.memory_space<vmem_shared>>
      %dma_wait3A_29 = arith.constant 0 : i32
      %dma_wait3A_30 = tpu.memref_slice %arg10[%add3A_9, %dma_wait3A_29] : memref<50048x16xf32, #tpu.memory_space<vmem_shared>> -> memref<640x16xf32, #tpu.memory_space<vmem_shared>>
      tpu.wait_dma2 semaphore(%run_scoped3A : memref<!tpu.dma_semaphore, #tpu.memory_space<semaphore_mem>>) src(%arg8 : memref<640x16xf32, #tpu.memory_space<vmem>>) dst(%dma_wait3A_30 : memref<640x16xf32, #tpu.memory_space<vmem_shared>>)
      tpu.yield
    }) : () -> ()
    %add3A_10 = arith.constant 640 : i32
    %add3A_11 = arith.addi %mul3A_7, %add3A_10 : i32
    "tpu.region"() ({
      %run_scoped3A = tpu.sem_alloc : memref<!tpu.dma_semaphore, #tpu.memory_space<semaphore_mem>>
      %dma_start3A = arith.constant 0 : i32
      %dma_start3A_25 = tpu.memref_slice %arg10[%add3A_11, %dma_start3A] : memref<50048x16xf32, #tpu.memory_space<vmem_shared>> -> memref<640x16xf32, #tpu.memory_space<vmem_shared>>
      %dma_start3A_26 = arith.constant 0 : i32
      %dma_start3A_27 = tpu.memref_slice %arg10[%add3A_11, %dma_start3A_26] : memref<50048x16xf32, #tpu.memory_space<vmem_shared>> -> memref<640x16xf32, #tpu.memory_space<vmem_shared>>
      tpu.enqueue_dma source(%arg8 : memref<640x16xf32, #tpu.memory_space<vmem>>) target(%dma_start3A_27 : memref<640x16xf32, #tpu.memory_space<vmem_shared>>) target_semaphore(%run_scoped3A : memref<!tpu.dma_semaphore, #tpu.memory_space<semaphore_mem>>)
      %dma_wait3A = arith.constant 0 : i32
      %dma_wait3A_28 = tpu.memref_slice %arg10[%add3A_11, %dma_wait3A] : memref<50048x16xf32, #tpu.memory_space<vmem_shared>> -> memref<640x16xf32, #tpu.memory_space<vmem_shared>>
      %dma_wait3A_29 = arith.constant 0 : i32
      %dma_wait3A_30 = tpu.memref_slice %arg10[%add3A_11, %dma_wait3A_29] : memref<50048x16xf32, #tpu.memory_space<vmem_shared>> -> memref<640x16xf32, #tpu.memory_space<vmem_shared>>
      tpu.wait_dma2 semaphore(%run_scoped3A : memref<!tpu.dma_semaphore, #tpu.memory_space<semaphore_mem>>) src(%arg8 : memref<640x16xf32, #tpu.memory_space<vmem>>) dst(%dma_wait3A_30 : memref<640x16xf32, #tpu.memory_space<vmem_shared>>)
      tpu.yield
    }) : () -> ()
    %add3A_12 = arith.constant 1280 : i32
    %add3A_13 = arith.addi %mul3A_7, %add3A_12 : i32
    "tpu.region"() ({
      %run_scoped3A = tpu.sem_alloc : memref<!tpu.dma_semaphore, #tpu.memory_space<semaphore_mem>>
      %dma_start3A = arith.constant 0 : i32
      %dma_start3A_25 = tpu.memref_slice %arg10[%add3A_13, %dma_start3A] : memref<50048x16xf32, #tpu.memory_space<vmem_shared>> -> memref<640x16xf32, #tpu.memory_space<vmem_shared>>
      %dma_start3A_26 = arith.constant 0 : i32
      %dma_start3A_27 = tpu.memref_slice %arg10[%add3A_13, %dma_start3A_26] : memref<50048x16xf32, #tpu.memory_space<vmem_shared>> -> memref<640x16xf32, #tpu.memory_space<vmem_shared>>
      tpu.enqueue_dma source(%arg8 : memref<640x16xf32, #tpu.memory_space<vmem>>) target(%dma_start3A_27 : memref<640x16xf32, #tpu.memory_space<vmem_shared>>) target_semaphore(%run_scoped3A : memref<!tpu.dma_semaphore, #tpu.memory_space<semaphore_mem>>)
      %dma_wait3A = arith.constant 0 : i32
      %dma_wait3A_28 = tpu.memref_slice %arg10[%add3A_13, %dma_wait3A] : memref<50048x16xf32, #tpu.memory_space<vmem_shared>> -> memref<640x16xf32, #tpu.memory_space<vmem_shared>>
      %dma_wait3A_29 = arith.constant 0 : i32
      %dma_wait3A_30 = tpu.memref_slice %arg10[%add3A_13, %dma_wait3A_29] : memref<50048x16xf32, #tpu.memory_space<vmem_shared>> -> memref<640x16xf32, #tpu.memory_space<vmem_shared>>
      tpu.wait_dma2 semaphore(%run_scoped3A : memref<!tpu.dma_semaphore, #tpu.memory_space<semaphore_mem>>) src(%arg8 : memref<640x16xf32, #tpu.memory_space<vmem>>) dst(%dma_wait3A_30 : memref<640x16xf32, #tpu.memory_space<vmem_shared>>)
      tpu.yield
    }) : () -> ()
    %add3A_14 = arith.constant 1920 : i32
    %add3A_15 = arith.addi %mul3A_7, %add3A_14 : i32
    "tpu.region"() ({
      %run_scoped3A = tpu.sem_alloc : memref<!tpu.dma_semaphore, #tpu.memory_space<semaphore_mem>>
      %dma_start3A = arith.constant 0 : i32
      %dma_start3A_25 = tpu.memref_slice %arg10[%add3A_15, %dma_start3A] : memref<50048x16xf32, #tpu.memory_space<vmem_shared>> -> memref<640x16xf32, #tpu.memory_space<vmem_shared>>
      %dma_start3A_26 = arith.constant 0 : i32
      %dma_start3A_27 = tpu.memref_slice %arg10[%add3A_15, %dma_start3A_26] : memref<50048x16xf32, #tpu.memory_space<vmem_shared>> -> memref<640x16xf32, #tpu.memory_space<vmem_shared>>
      tpu.enqueue_dma source(%arg8 : memref<640x16xf32, #tpu.memory_space<vmem>>) target(%dma_start3A_27 : memref<640x16xf32, #tpu.memory_space<vmem_shared>>) target_semaphore(%run_scoped3A : memref<!tpu.dma_semaphore, #tpu.memory_space<semaphore_mem>>)
      %dma_wait3A = arith.constant 0 : i32
      %dma_wait3A_28 = tpu.memref_slice %arg10[%add3A_15, %dma_wait3A] : memref<50048x16xf32, #tpu.memory_space<vmem_shared>> -> memref<640x16xf32, #tpu.memory_space<vmem_shared>>
      %dma_wait3A_29 = arith.constant 0 : i32
      %dma_wait3A_30 = tpu.memref_slice %arg10[%add3A_15, %dma_wait3A_29] : memref<50048x16xf32, #tpu.memory_space<vmem_shared>> -> memref<640x16xf32, #tpu.memory_space<vmem_shared>>
      tpu.wait_dma2 semaphore(%run_scoped3A : memref<!tpu.dma_semaphore, #tpu.memory_space<semaphore_mem>>) src(%arg8 : memref<640x16xf32, #tpu.memory_space<vmem>>) dst(%dma_wait3A_30 : memref<640x16xf32, #tpu.memory_space<vmem_shared>>)
      tpu.yield
    }) : () -> ()
    %add3A_16 = arith.constant 2560 : i32
    %add3A_17 = arith.addi %mul3A_7, %add3A_16 : i32
    "tpu.region"() ({
      %run_scoped3A = tpu.sem_alloc : memref<!tpu.dma_semaphore, #tpu.memory_space<semaphore_mem>>
      %dma_start3A = arith.constant 0 : i32
      %dma_start3A_25 = arith.constant 0 : i32
      %dma_start3A_26 = tpu.memref_slice %arg8[%dma_start3A, %dma_start3A_25] : memref<640x16xf32, #tpu.memory_space<vmem>> -> memref<568x16xf32, #tpu.memory_space<vmem>>
      %dma_start3A_27 = arith.constant 0 : i32
      %dma_start3A_28 = tpu.memref_slice %arg10[%add3A_17, %dma_start3A_27] : memref<50048x16xf32, #tpu.memory_space<vmem_shared>> -> memref<568x16xf32, #tpu.memory_space<vmem_shared>>
      %dma_start3A_29 = arith.constant 0 : i32
      %dma_start3A_30 = tpu.memref_slice %arg10[%add3A_17, %dma_start3A_29] : memref<50048x16xf32, #tpu.memory_space<vmem_shared>> -> memref<568x16xf32, #tpu.memory_space<vmem_shared>>
      %dma_start3A_31 = arith.constant 0 : i32
      %dma_start3A_32 = arith.constant 0 : i32
      %dma_start3A_33 = tpu.memref_slice %arg8[%dma_start3A_31, %dma_start3A_32] : memref<640x16xf32, #tpu.memory_space<vmem>> -> memref<568x16xf32, #tpu.memory_space<vmem>>
      tpu.enqueue_dma source(%dma_start3A_33 : memref<568x16xf32, #tpu.memory_space<vmem>>) target(%dma_start3A_30 : memref<568x16xf32, #tpu.memory_space<vmem_shared>>) target_semaphore(%run_scoped3A : memref<!tpu.dma_semaphore, #tpu.memory_space<semaphore_mem>>)
      %dma_wait3A = arith.constant 0 : i32
      %dma_wait3A_34 = arith.constant 0 : i32
      %dma_wait3A_35 = tpu.memref_slice %arg8[%dma_wait3A, %dma_wait3A_34] : memref<640x16xf32, #tpu.memory_space<vmem>> -> memref<568x16xf32, #tpu.memory_space<vmem>>
      %dma_wait3A_36 = arith.constant 0 : i32
      %dma_wait3A_37 = tpu.memref_slice %arg10[%add3A_17, %dma_wait3A_36] : memref<50048x16xf32, #tpu.memory_space<vmem_shared>> -> memref<568x16xf32, #tpu.memory_space<vmem_shared>>
      %dma_wait3A_38 = arith.constant 0 : i32
      %dma_wait3A_39 = tpu.memref_slice %arg10[%add3A_17, %dma_wait3A_38] : memref<50048x16xf32, #tpu.memory_space<vmem_shared>> -> memref<568x16xf32, #tpu.memory_space<vmem_shared>>
      %dma_wait3A_40 = arith.constant 0 : i32
      %dma_wait3A_41 = arith.constant 0 : i32
      %dma_wait3A_42 = tpu.memref_slice %arg8[%dma_wait3A_40, %dma_wait3A_41] : memref<640x16xf32, #tpu.memory_space<vmem>> -> memref<568x16xf32, #tpu.memory_space<vmem>>
      tpu.wait_dma2 semaphore(%run_scoped3A : memref<!tpu.dma_semaphore, #tpu.memory_space<semaphore_mem>>) src(%dma_wait3A_42 : memref<568x16xf32, #tpu.memory_space<vmem>>) dst(%dma_wait3A_39 : memref<568x16xf32, #tpu.memory_space<vmem_shared>>)
      tpu.yield
    }) : () -> ()
    %barrier3A = arith.constant 0 : index
    tpu.barrier barrier_id(%barrier3A)
    %scan3A_18 = arith.constant 0 : i32
    %scan3A_19 = arith.constant 0 : i32
    %scan3A_20 = arith.constant 157 : i32
    %scan3A_21 = arith.addi %scan3A_19, %scan3A_20 : i32
    %scan3A_22 = arith.constant 1 : i32
    scf.for %scan3A_25 = %scan3A_19 to %scan3A_21 step %scan3A_22  : i32 {
      %mul3A_26 = arith.constant 32 : i32
      %mul3A_27 = arith.muli %scan3A_25, %mul3A_26 : i32
      %add3A_28 = arith.addi %mul3A_27, %add3A : i32
      %lt3A = arith.constant 5000 : i32
      %lt3A_29 = arith.cmpi slt, %add3A_28, %lt3A : i32
      %convert_element_type3A = arith.extui %lt3A_29 : i1 to i32
      %cond3A = arith.constant 0 : i32
      %cond3A_30 = arith.cmpi ne, %convert_element_type3A, %cond3A : i32
      scf.if %cond3A_30 {
        %mul3A_31 = arith.constant 5 : i32
        %mul3A_32 = arith.muli %add3A_28, %mul3A_31 : i32
        %run_scoped3A = arith.constant 1 : i32
        "tpu.region"() ({
          %run_scoped3A_221 = tpu.sem_alloc : memref<!tpu.dma_semaphore, #tpu.memory_space<semaphore_mem>>
          %dma_start3A_222 = arith.constant 0 : i32
          %dma_start3A_223 = tpu.memref_slice %arg3[%run_scoped3A, %mul3A_32, %dma_start3A_222] : memref<2x25000x128xi32, #tpu.memory_space<hbm>> -> memref<1x5x128xi32, #tpu.memory_space<hbm>>
          %dma_start3A_224 = tpu.memref_squeeze %dma_start3A_223 : memref<1x5x128xi32, #tpu.memory_space<hbm>> -> memref<5x128xi32, #tpu.memory_space<hbm>>
          %dma_start3A_225 = arith.constant 0 : i32
          %dma_start3A_226 = tpu.memref_slice %arg3[%run_scoped3A, %mul3A_32, %dma_start3A_225] : memref<2x25000x128xi32, #tpu.memory_space<hbm>> -> memref<1x5x128xi32, #tpu.memory_space<hbm>>
          %dma_start3A_227 = tpu.memref_squeeze %dma_start3A_226 : memref<1x5x128xi32, #tpu.memory_space<hbm>> -> memref<5x128xi32, #tpu.memory_space<hbm>>
          tpu.enqueue_dma source(%dma_start3A_227 : memref<5x128xi32, #tpu.memory_space<hbm>>) target(%arg6 : memref<5x128xi32, #tpu.memory_space<vmem>>) target_semaphore(%run_scoped3A_221 : memref<!tpu.dma_semaphore, #tpu.memory_space<semaphore_mem>>)
          %dma_wait3A_228 = arith.constant 0 : i32
          %dma_wait3A_229 = tpu.memref_slice %arg3[%run_scoped3A, %mul3A_32, %dma_wait3A_228] : memref<2x25000x128xi32, #tpu.memory_space<hbm>> -> memref<1x5x128xi32, #tpu.memory_space<hbm>>
          %dma_wait3A_230 = tpu.memref_squeeze %dma_wait3A_229 : memref<1x5x128xi32, #tpu.memory_space<hbm>> -> memref<5x128xi32, #tpu.memory_space<hbm>>
          %dma_wait3A_231 = arith.constant 0 : i32
          %dma_wait3A_232 = tpu.memref_slice %arg3[%run_scoped3A, %mul3A_32, %dma_wait3A_231] : memref<2x25000x128xi32, #tpu.memory_space<hbm>> -> memref<1x5x128xi32, #tpu.memory_space<hbm>>
          %dma_wait3A_233 = tpu.memref_squeeze %dma_wait3A_232 : memref<1x5x128xi32, #tpu.memory_space<hbm>> -> memref<5x128xi32, #tpu.memory_space<hbm>>
          tpu.wait_dma2 semaphore(%run_scoped3A_221 : memref<!tpu.dma_semaphore, #tpu.memory_space<semaphore_mem>>) src(%dma_wait3A_233 : memref<5x128xi32, #tpu.memory_space<hbm>>) dst(%arg6 : memref<5x128xi32, #tpu.memory_space<vmem>>)
          tpu.yield
        }) : () -> ()
        %run_scoped3A_33 = arith.constant 0 : i32
        "tpu.region"() ({
          %run_scoped3A_221 = tpu.sem_alloc : memref<!tpu.dma_semaphore, #tpu.memory_space<semaphore_mem>>
          %dma_start3A_222 = arith.constant 0 : i32
          %dma_start3A_223 = tpu.memref_slice %arg3[%run_scoped3A_33, %mul3A_32, %dma_start3A_222] : memref<2x25000x128xi32, #tpu.memory_space<hbm>> -> memref<1x5x128xi32, #tpu.memory_space<hbm>>
          %dma_start3A_224 = tpu.memref_squeeze %dma_start3A_223 : memref<1x5x128xi32, #tpu.memory_space<hbm>> -> memref<5x128xi32, #tpu.memory_space<hbm>>
          %dma_start3A_225 = arith.constant 0 : i32
          %dma_start3A_226 = tpu.memref_slice %arg3[%run_scoped3A_33, %mul3A_32, %dma_start3A_225] : memref<2x25000x128xi32, #tpu.memory_space<hbm>> -> memref<1x5x128xi32, #tpu.memory_space<hbm>>
          %dma_start3A_227 = tpu.memref_squeeze %dma_start3A_226 : memref<1x5x128xi32, #tpu.memory_space<hbm>> -> memref<5x128xi32, #tpu.memory_space<hbm>>
          tpu.enqueue_dma source(%dma_start3A_227 : memref<5x128xi32, #tpu.memory_space<hbm>>) target(%arg7 : memref<5x128xi32, #tpu.memory_space<vmem>>) target_semaphore(%run_scoped3A_221 : memref<!tpu.dma_semaphore, #tpu.memory_space<semaphore_mem>>)
          %dma_wait3A_228 = arith.constant 0 : i32
          %dma_wait3A_229 = tpu.memref_slice %arg3[%run_scoped3A_33, %mul3A_32, %dma_wait3A_228] : memref<2x25000x128xi32, #tpu.memory_space<hbm>> -> memref<1x5x128xi32, #tpu.memory_space<hbm>>
          %dma_wait3A_230 = tpu.memref_squeeze %dma_wait3A_229 : memref<1x5x128xi32, #tpu.memory_space<hbm>> -> memref<5x128xi32, #tpu.memory_space<hbm>>
          %dma_wait3A_231 = arith.constant 0 : i32
          %dma_wait3A_232 = tpu.memref_slice %arg3[%run_scoped3A_33, %mul3A_32, %dma_wait3A_231] : memref<2x25000x128xi32, #tpu.memory_space<hbm>> -> memref<1x5x128xi32, #tpu.memory_space<hbm>>
          %dma_wait3A_233 = tpu.memref_squeeze %dma_wait3A_232 : memref<1x5x128xi32, #tpu.memory_space<hbm>> -> memref<5x128xi32, #tpu.memory_space<hbm>>
          tpu.wait_dma2 semaphore(%run_scoped3A_221 : memref<!tpu.dma_semaphore, #tpu.memory_space<semaphore_mem>>) src(%dma_wait3A_233 : memref<5x128xi32, #tpu.memory_space<hbm>>) dst(%arg7 : memref<5x128xi32, #tpu.memory_space<vmem>>)
          tpu.yield
        }) : () -> ()
        %jit3A = arith.constant 25 : i32
        %div3A = arith.divsi %add3A_28, %jit3A : i32
        %sign3A = arith.constant 0 : i32
        %sign3A_34 = arith.cmpi sgt, %add3A_28, %sign3A : i32
        %sign3A_35 = arith.extui %sign3A_34 : i1 to i32
        %sign3A_36 = arith.constant 0 : i32
        %sign3A_37 = arith.cmpi slt, %add3A_28, %sign3A_36 : i32
        %sign3A_38 = arith.extui %sign3A_37 : i1 to i32
        %sign3A_39 = arith.subi %sign3A_35, %sign3A_38 : i32
        %sign3A_40 = arith.constant 0 : i32
        %sign3A_41 = arith.cmpi sgt, %jit3A, %sign3A_40 : i32
        %sign3A_42 = arith.extui %sign3A_41 : i1 to i32
        %sign3A_43 = arith.constant 0 : i32
        %sign3A_44 = arith.cmpi slt, %jit3A, %sign3A_43 : i32
        %sign3A_45 = arith.extui %sign3A_44 : i1 to i32
        %sign3A_46 = arith.subi %sign3A_42, %sign3A_45 : i32
        %ne3A = arith.cmpi ne, %sign3A_39, %sign3A_46 : i32
        %rem3A = arith.remsi %add3A_28, %jit3A : i32
        %ne3A_47 = arith.constant 0 : i32
        %ne3A_48 = arith.cmpi ne, %rem3A, %ne3A_47 : i32
        %and3A = arith.andi %ne3A, %ne3A_48 : i1
        %sub3A = arith.constant 1 : i32
        %sub3A_49 = arith.subi %div3A, %sub3A : i32
        %select_n3A = arith.select %and3A, %sub3A_49, %div3A : i32
        %jit3A_50 = arith.constant 8 : i32
        %div3A_51 = arith.divsi %select_n3A, %jit3A_50 : i32
        %sign3A_52 = arith.constant 0 : i32
        %sign3A_53 = arith.cmpi sgt, %select_n3A, %sign3A_52 : i32
        %sign3A_54 = arith.extui %sign3A_53 : i1 to i32
        %sign3A_55 = arith.constant 0 : i32
        %sign3A_56 = arith.cmpi slt, %select_n3A, %sign3A_55 : i32
        %sign3A_57 = arith.extui %sign3A_56 : i1 to i32
        %sign3A_58 = arith.subi %sign3A_54, %sign3A_57 : i32
        %sign3A_59 = arith.constant 0 : i32
        %sign3A_60 = arith.cmpi sgt, %jit3A_50, %sign3A_59 : i32
        %sign3A_61 = arith.extui %sign3A_60 : i1 to i32
        %sign3A_62 = arith.constant 0 : i32
        %sign3A_63 = arith.cmpi slt, %jit3A_50, %sign3A_62 : i32
        %sign3A_64 = arith.extui %sign3A_63 : i1 to i32
        %sign3A_65 = arith.subi %sign3A_61, %sign3A_64 : i32
        %ne3A_66 = arith.cmpi ne, %sign3A_58, %sign3A_65 : i32
        %rem3A_67 = arith.remsi %select_n3A, %jit3A_50 : i32
        %ne3A_68 = arith.constant 0 : i32
        %ne3A_69 = arith.cmpi ne, %rem3A_67, %ne3A_68 : i32
        %and3A_70 = arith.andi %ne3A_66, %ne3A_69 : i1
        %sub3A_71 = arith.constant 1 : i32
        %sub3A_72 = arith.subi %div3A_51, %sub3A_71 : i32
        %select_n3A_73 = arith.select %and3A_70, %sub3A_72, %div3A_51 : i32
        %mul3A_74 = arith.constant 16000 : i32
        %mul3A_75 = arith.muli %select_n3A_73, %mul3A_74 : i32
        %jit3A_76 = arith.constant 25 : i32
        %eq3A = arith.constant 0 : i32
        %eq3A_77 = arith.cmpi eq, %jit3A_76, %eq3A : i32
        %jit3A_78 = arith.constant 1 : i32
        %select_n3A_79 = arith.select %eq3A_77, %jit3A_78, %jit3A_76 : i32
        %rem3A_80 = arith.remsi %add3A_28, %select_n3A_79 : i32
        %ne3A_81 = arith.constant 0 : i32
        %ne3A_82 = arith.cmpi ne, %rem3A_80, %ne3A_81 : i32
        %lt3A_83 = arith.constant 0 : i32
        %lt3A_84 = arith.cmpi slt, %rem3A_80, %lt3A_83 : i32
        %lt3A_85 = arith.constant 0 : i32
        %lt3A_86 = arith.cmpi slt, %select_n3A_79, %lt3A_85 : i32
        %ne3A_87 = arith.xori %lt3A_84, %lt3A_86 : i1
        %and3A_88 = arith.andi %ne3A_87, %ne3A_82 : i1
        %add3A_89 = arith.addi %rem3A_80, %select_n3A_79 : i32
        %select_n3A_90 = arith.select %and3A_88, %add3A_89, %rem3A_80 : i32
        %mul3A_91 = arith.constant 640 : i32
        %mul3A_92 = arith.muli %select_n3A_90, %mul3A_91 : i32
        %add3A_93 = arith.addi %mul3A_75, %mul3A_92 : i32
        %jit3A_94 = arith.constant 8 : i32
        %eq3A_95 = arith.constant 0 : i32
        %eq3A_96 = arith.cmpi eq, %jit3A_94, %eq3A_95 : i32
        %jit3A_97 = arith.constant 1 : i32
        %select_n3A_98 = arith.select %eq3A_96, %jit3A_97, %jit3A_94 : i32
        %rem3A_99 = arith.remsi %select_n3A, %select_n3A_98 : i32
        %ne3A_100 = arith.constant 0 : i32
        %ne3A_101 = arith.cmpi ne, %rem3A_99, %ne3A_100 : i32
        %lt3A_102 = arith.constant 0 : i32
        %lt3A_103 = arith.cmpi slt, %rem3A_99, %lt3A_102 : i32
        %lt3A_104 = arith.constant 0 : i32
        %lt3A_105 = arith.cmpi slt, %select_n3A_98, %lt3A_104 : i32
        %ne3A_106 = arith.xori %lt3A_103, %lt3A_105 : i1
        %and3A_107 = arith.andi %ne3A_106, %ne3A_101 : i1
        %add3A_108 = arith.addi %rem3A_99, %select_n3A_98 : i32
        %select_n3A_109 = arith.select %and3A_107, %add3A_108, %rem3A_99 : i32
        %mul3A_110 = arith.constant 16 : i32
        %mul3A_111 = arith.muli %select_n3A_109, %mul3A_110 : i32
        "tpu.region"() ({
          %run_scoped3A_221 = tpu.sem_alloc : memref<!tpu.dma_semaphore, #tpu.memory_space<semaphore_mem>>
          %dma_start3A_222 = tpu.memref_slice %arg4[%add3A_93, %mul3A_111] : memref<400000x128xf32, #tpu.memory_space<hbm>> -> memref<640x16xf32, #tpu.memory_space<hbm>>
          %dma_start3A_223 = tpu.memref_slice %arg4[%add3A_93, %mul3A_111] : memref<400000x128xf32, #tpu.memory_space<hbm>> -> memref<640x16xf32, #tpu.memory_space<hbm>>
          tpu.enqueue_dma source(%dma_start3A_223 : memref<640x16xf32, #tpu.memory_space<hbm>>) target(%arg9 : memref<640x16xf32, #tpu.memory_space<vmem>>) target_semaphore(%run_scoped3A_221 : memref<!tpu.dma_semaphore, #tpu.memory_space<semaphore_mem>>)
          %dma_wait3A_224 = tpu.memref_slice %arg4[%add3A_93, %mul3A_111] : memref<400000x128xf32, #tpu.memory_space<hbm>> -> memref<640x16xf32, #tpu.memory_space<hbm>>
          %dma_wait3A_225 = tpu.memref_slice %arg4[%add3A_93, %mul3A_111] : memref<400000x128xf32, #tpu.memory_space<hbm>> -> memref<640x16xf32, #tpu.memory_space<hbm>>
          tpu.wait_dma2 semaphore(%run_scoped3A_221 : memref<!tpu.dma_semaphore, #tpu.memory_space<semaphore_mem>>) src(%dma_wait3A_225 : memref<640x16xf32, #tpu.memory_space<hbm>>) dst(%arg9 : memref<640x16xf32, #tpu.memory_space<vmem>>)
          tpu.yield
        }) : () -> ()
        %dma_start3A = arith.constant 0 : i32
        %dma_start3A_112 = arith.constant 0 : i32
        %dma_start3A_113 = arith.constant 0 : i32
        %dma_start3A_114 = tpu.memref_slice %arg8[%dma_start3A_112, %dma_start3A_113] : memref<640x16xf32, #tpu.memory_space<vmem>> -> memref<128x16xf32, #tpu.memory_space<vmem>>
        %dma_start3A_115 = arith.constant 0 : i32
        %dma_start3A_116 = tpu.memref_slice %arg6[%dma_start3A, %dma_start3A_115] : memref<5x128xi32, #tpu.memory_space<vmem>> -> memref<1x128xi32, #tpu.memory_space<vmem>>
        %dma_start3A_117 = tpu.memref_squeeze %dma_start3A_116 : memref<1x128xi32, #tpu.memory_space<vmem>> -> memref<128xi32, #tpu.memory_space<vmem>>
        %dma_start3A_118 = arith.constant 0 : i32
        %dma_start3A_119 = arith.constant 0 : i32
        %dma_start3A_120 = tpu.memref_slice %arg2[%dma_start3A_118, %dma_start3A_119] : memref<50000x16xf32, #tpu.memory_space<hbm>> -> memref<50000x16xf32, #tpu.memory_space<hbm>>
        tpu.enqueue_indirect_dma source(%dma_start3A_120 : memref<50000x16xf32, #tpu.memory_space<hbm>>) target(%dma_start3A_114 : memref<128x16xf32, #tpu.memory_space<vmem>>) offsets(%dma_start3A_117 : memref<128xi32, #tpu.memory_space<vmem>>) semaphore(%arg11 : memref<!tpu.dma_semaphore, #tpu.memory_space<semaphore_mem>>)
        %dma_start3A_121 = arith.constant 1 : i32
        %dma_start3A_122 = arith.constant 128 : i32
        %dma_start3A_123 = arith.constant 0 : i32
        %dma_start3A_124 = tpu.memref_slice %arg8[%dma_start3A_122, %dma_start3A_123] : memref<640x16xf32, #tpu.memory_space<vmem>> -> memref<128x16xf32, #tpu.memory_space<vmem>>
        %dma_start3A_125 = arith.constant 0 : i32
        %dma_start3A_126 = tpu.memref_slice %arg6[%dma_start3A_121, %dma_start3A_125] : memref<5x128xi32, #tpu.memory_space<vmem>> -> memref<1x128xi32, #tpu.memory_space<vmem>>
        %dma_start3A_127 = tpu.memref_squeeze %dma_start3A_126 : memref<1x128xi32, #tpu.memory_space<vmem>> -> memref<128xi32, #tpu.memory_space<vmem>>
        %dma_start3A_128 = arith.constant 0 : i32
        %dma_start3A_129 = arith.constant 0 : i32
        %dma_start3A_130 = tpu.memref_slice %arg2[%dma_start3A_128, %dma_start3A_129] : memref<50000x16xf32, #tpu.memory_space<hbm>> -> memref<50000x16xf32, #tpu.memory_space<hbm>>
        tpu.enqueue_indirect_dma source(%dma_start3A_130 : memref<50000x16xf32, #tpu.memory_space<hbm>>) target(%dma_start3A_124 : memref<128x16xf32, #tpu.memory_space<vmem>>) offsets(%dma_start3A_127 : memref<128xi32, #tpu.memory_space<vmem>>) semaphore(%arg11 : memref<!tpu.dma_semaphore, #tpu.memory_space<semaphore_mem>>)
        %dma_start3A_131 = arith.constant 2 : i32
        %dma_start3A_132 = arith.constant 256 : i32
        %dma_start3A_133 = arith.constant 0 : i32
        %dma_start3A_134 = tpu.memref_slice %arg8[%dma_start3A_132, %dma_start3A_133] : memref<640x16xf32, #tpu.memory_space<vmem>> -> memref<128x16xf32, #tpu.memory_space<vmem>>
        %dma_start3A_135 = arith.constant 0 : i32
        %dma_start3A_136 = tpu.memref_slice %arg6[%dma_start3A_131, %dma_start3A_135] : memref<5x128xi32, #tpu.memory_space<vmem>> -> memref<1x128xi32, #tpu.memory_space<vmem>>
        %dma_start3A_137 = tpu.memref_squeeze %dma_start3A_136 : memref<1x128xi32, #tpu.memory_space<vmem>> -> memref<128xi32, #tpu.memory_space<vmem>>
        %dma_start3A_138 = arith.constant 0 : i32
        %dma_start3A_139 = arith.constant 0 : i32
        %dma_start3A_140 = tpu.memref_slice %arg2[%dma_start3A_138, %dma_start3A_139] : memref<50000x16xf32, #tpu.memory_space<hbm>> -> memref<50000x16xf32, #tpu.memory_space<hbm>>
        tpu.enqueue_indirect_dma source(%dma_start3A_140 : memref<50000x16xf32, #tpu.memory_space<hbm>>) target(%dma_start3A_134 : memref<128x16xf32, #tpu.memory_space<vmem>>) offsets(%dma_start3A_137 : memref<128xi32, #tpu.memory_space<vmem>>) semaphore(%arg11 : memref<!tpu.dma_semaphore, #tpu.memory_space<semaphore_mem>>)
        %dma_start3A_141 = arith.constant 3 : i32
        %dma_start3A_142 = arith.constant 384 : i32
        %dma_start3A_143 = arith.constant 0 : i32
        %dma_start3A_144 = tpu.memref_slice %arg8[%dma_start3A_142, %dma_start3A_143] : memref<640x16xf32, #tpu.memory_space<vmem>> -> memref<128x16xf32, #tpu.memory_space<vmem>>
        %dma_start3A_145 = arith.constant 0 : i32
        %dma_start3A_146 = tpu.memref_slice %arg6[%dma_start3A_141, %dma_start3A_145] : memref<5x128xi32, #tpu.memory_space<vmem>> -> memref<1x128xi32, #tpu.memory_space<vmem>>
        %dma_start3A_147 = tpu.memref_squeeze %dma_start3A_146 : memref<1x128xi32, #tpu.memory_space<vmem>> -> memref<128xi32, #tpu.memory_space<vmem>>
        %dma_start3A_148 = arith.constant 0 : i32
        %dma_start3A_149 = arith.constant 0 : i32
        %dma_start3A_150 = tpu.memref_slice %arg2[%dma_start3A_148, %dma_start3A_149] : memref<50000x16xf32, #tpu.memory_space<hbm>> -> memref<50000x16xf32, #tpu.memory_space<hbm>>
        tpu.enqueue_indirect_dma source(%dma_start3A_150 : memref<50000x16xf32, #tpu.memory_space<hbm>>) target(%dma_start3A_144 : memref<128x16xf32, #tpu.memory_space<vmem>>) offsets(%dma_start3A_147 : memref<128xi32, #tpu.memory_space<vmem>>) semaphore(%arg11 : memref<!tpu.dma_semaphore, #tpu.memory_space<semaphore_mem>>)
        %dma_start3A_151 = arith.constant 4 : i32
        %dma_start3A_152 = arith.constant 512 : i32
        %dma_start3A_153 = arith.constant 0 : i32
        %dma_start3A_154 = tpu.memref_slice %arg8[%dma_start3A_152, %dma_start3A_153] : memref<640x16xf32, #tpu.memory_space<vmem>> -> memref<128x16xf32, #tpu.memory_space<vmem>>
        %dma_start3A_155 = arith.constant 0 : i32
        %dma_start3A_156 = tpu.memref_slice %arg6[%dma_start3A_151, %dma_start3A_155] : memref<5x128xi32, #tpu.memory_space<vmem>> -> memref<1x128xi32, #tpu.memory_space<vmem>>
        %dma_start3A_157 = tpu.memref_squeeze %dma_start3A_156 : memref<1x128xi32, #tpu.memory_space<vmem>> -> memref<128xi32, #tpu.memory_space<vmem>>
        %dma_start3A_158 = arith.constant 0 : i32
        %dma_start3A_159 = arith.constant 0 : i32
        %dma_start3A_160 = tpu.memref_slice %arg2[%dma_start3A_158, %dma_start3A_159] : memref<50000x16xf32, #tpu.memory_space<hbm>> -> memref<50000x16xf32, #tpu.memory_space<hbm>>
        tpu.enqueue_indirect_dma source(%dma_start3A_160 : memref<50000x16xf32, #tpu.memory_space<hbm>>) target(%dma_start3A_154 : memref<128x16xf32, #tpu.memory_space<vmem>>) offsets(%dma_start3A_157 : memref<128xi32, #tpu.memory_space<vmem>>) semaphore(%arg11 : memref<!tpu.dma_semaphore, #tpu.memory_space<semaphore_mem>>)
        %dma_wait3A = arith.constant 0 : i32
        %dma_wait3A_161 = arith.constant 0 : i32
        %dma_wait3A_162 = arith.constant 0 : i32
        %dma_wait3A_163 = tpu.memref_slice %arg8[%dma_wait3A_161, %dma_wait3A_162] : memref<640x16xf32, #tpu.memory_space<vmem>> -> memref<128x16xf32, #tpu.memory_space<vmem>>
        %dma_wait3A_164 = arith.constant 0 : i32
        %dma_wait3A_165 = tpu.memref_slice %arg6[%dma_wait3A, %dma_wait3A_164] : memref<5x128xi32, #tpu.memory_space<vmem>> -> memref<1x128xi32, #tpu.memory_space<vmem>>
        %dma_wait3A_166 = tpu.memref_squeeze %dma_wait3A_165 : memref<1x128xi32, #tpu.memory_space<vmem>> -> memref<128xi32, #tpu.memory_space<vmem>>
        %dma_wait3A_167 = arith.constant 0 : i32
        %dma_wait3A_168 = arith.constant 0 : i32
        %dma_wait3A_169 = tpu.memref_slice %arg2[%dma_wait3A_167, %dma_wait3A_168] : memref<50000x16xf32, #tpu.memory_space<hbm>> -> memref<50000x16xf32, #tpu.memory_space<hbm>>
        tpu.wait_indirect_dma semaphore(%arg11 : memref<!tpu.dma_semaphore, #tpu.memory_space<semaphore_mem>>) src(%dma_wait3A_169 : memref<50000x16xf32, #tpu.memory_space<hbm>>) dst(%dma_wait3A_163 : memref<128x16xf32, #tpu.memory_space<vmem>>)
        %dma_wait3A_170 = arith.constant 1 : i32
        %dma_wait3A_171 = arith.constant 128 : i32
        %dma_wait3A_172 = arith.constant 0 : i32
        %dma_wait3A_173 = tpu.memref_slice %arg8[%dma_wait3A_171, %dma_wait3A_172] : memref<640x16xf32, #tpu.memory_space<vmem>> -> memref<128x16xf32, #tpu.memory_space<vmem>>
        %dma_wait3A_174 = arith.constant 0 : i32
        %dma_wait3A_175 = tpu.memref_slice %arg6[%dma_wait3A_170, %dma_wait3A_174] : memref<5x128xi32, #tpu.memory_space<vmem>> -> memref<1x128xi32, #tpu.memory_space<vmem>>
        %dma_wait3A_176 = tpu.memref_squeeze %dma_wait3A_175 : memref<1x128xi32, #tpu.memory_space<vmem>> -> memref<128xi32, #tpu.memory_space<vmem>>
        %dma_wait3A_177 = arith.constant 0 : i32
        %dma_wait3A_178 = arith.constant 0 : i32
        %dma_wait3A_179 = tpu.memref_slice %arg2[%dma_wait3A_177, %dma_wait3A_178] : memref<50000x16xf32, #tpu.memory_space<hbm>> -> memref<50000x16xf32, #tpu.memory_space<hbm>>
        tpu.wait_indirect_dma semaphore(%arg11 : memref<!tpu.dma_semaphore, #tpu.memory_space<semaphore_mem>>) src(%dma_wait3A_179 : memref<50000x16xf32, #tpu.memory_space<hbm>>) dst(%dma_wait3A_173 : memref<128x16xf32, #tpu.memory_space<vmem>>)
        %dma_wait3A_180 = arith.constant 2 : i32
        %dma_wait3A_181 = arith.constant 256 : i32
        %dma_wait3A_182 = arith.constant 0 : i32
        %dma_wait3A_183 = tpu.memref_slice %arg8[%dma_wait3A_181, %dma_wait3A_182] : memref<640x16xf32, #tpu.memory_space<vmem>> -> memref<128x16xf32, #tpu.memory_space<vmem>>
        %dma_wait3A_184 = arith.constant 0 : i32
        %dma_wait3A_185 = tpu.memref_slice %arg6[%dma_wait3A_180, %dma_wait3A_184] : memref<5x128xi32, #tpu.memory_space<vmem>> -> memref<1x128xi32, #tpu.memory_space<vmem>>
        %dma_wait3A_186 = tpu.memref_squeeze %dma_wait3A_185 : memref<1x128xi32, #tpu.memory_space<vmem>> -> memref<128xi32, #tpu.memory_space<vmem>>
        %dma_wait3A_187 = arith.constant 0 : i32
        %dma_wait3A_188 = arith.constant 0 : i32
        %dma_wait3A_189 = tpu.memref_slice %arg2[%dma_wait3A_187, %dma_wait3A_188] : memref<50000x16xf32, #tpu.memory_space<hbm>> -> memref<50000x16xf32, #tpu.memory_space<hbm>>
        tpu.wait_indirect_dma semaphore(%arg11 : memref<!tpu.dma_semaphore, #tpu.memory_space<semaphore_mem>>) src(%dma_wait3A_189 : memref<50000x16xf32, #tpu.memory_space<hbm>>) dst(%dma_wait3A_183 : memref<128x16xf32, #tpu.memory_space<vmem>>)
        %dma_wait3A_190 = arith.constant 3 : i32
        %dma_wait3A_191 = arith.constant 384 : i32
        %dma_wait3A_192 = arith.constant 0 : i32
        %dma_wait3A_193 = tpu.memref_slice %arg8[%dma_wait3A_191, %dma_wait3A_192] : memref<640x16xf32, #tpu.memory_space<vmem>> -> memref<128x16xf32, #tpu.memory_space<vmem>>
        %dma_wait3A_194 = arith.constant 0 : i32
        %dma_wait3A_195 = tpu.memref_slice %arg6[%dma_wait3A_190, %dma_wait3A_194] : memref<5x128xi32, #tpu.memory_space<vmem>> -> memref<1x128xi32, #tpu.memory_space<vmem>>
        %dma_wait3A_196 = tpu.memref_squeeze %dma_wait3A_195 : memref<1x128xi32, #tpu.memory_space<vmem>> -> memref<128xi32, #tpu.memory_space<vmem>>
        %dma_wait3A_197 = arith.constant 0 : i32
        %dma_wait3A_198 = arith.constant 0 : i32
        %dma_wait3A_199 = tpu.memref_slice %arg2[%dma_wait3A_197, %dma_wait3A_198] : memref<50000x16xf32, #tpu.memory_space<hbm>> -> memref<50000x16xf32, #tpu.memory_space<hbm>>
        tpu.wait_indirect_dma semaphore(%arg11 : memref<!tpu.dma_semaphore, #tpu.memory_space<semaphore_mem>>) src(%dma_wait3A_199 : memref<50000x16xf32, #tpu.memory_space<hbm>>) dst(%dma_wait3A_193 : memref<128x16xf32, #tpu.memory_space<vmem>>)
        %dma_wait3A_200 = arith.constant 4 : i32
        %dma_wait3A_201 = arith.constant 512 : i32
        %dma_wait3A_202 = arith.constant 0 : i32
        %dma_wait3A_203 = tpu.memref_slice %arg8[%dma_wait3A_201, %dma_wait3A_202] : memref<640x16xf32, #tpu.memory_space<vmem>> -> memref<128x16xf32, #tpu.memory_space<vmem>>
        %dma_wait3A_204 = arith.constant 0 : i32
        %dma_wait3A_205 = tpu.memref_slice %arg6[%dma_wait3A_200, %dma_wait3A_204] : memref<5x128xi32, #tpu.memory_space<vmem>> -> memref<1x128xi32, #tpu.memory_space<vmem>>
        %dma_wait3A_206 = tpu.memref_squeeze %dma_wait3A_205 : memref<1x128xi32, #tpu.memory_space<vmem>> -> memref<128xi32, #tpu.memory_space<vmem>>
        %dma_wait3A_207 = arith.constant 0 : i32
        %dma_wait3A_208 = arith.constant 0 : i32
        %dma_wait3A_209 = tpu.memref_slice %arg2[%dma_wait3A_207, %dma_wait3A_208] : memref<50000x16xf32, #tpu.memory_space<hbm>> -> memref<50000x16xf32, #tpu.memory_space<hbm>>
        tpu.wait_indirect_dma semaphore(%arg11 : memref<!tpu.dma_semaphore, #tpu.memory_space<semaphore_mem>>) src(%dma_wait3A_209 : memref<50000x16xf32, #tpu.memory_space<hbm>>) dst(%dma_wait3A_203 : memref<128x16xf32, #tpu.memory_space<vmem>>)
        %scan3A_210 = arith.constant 0 : i32
        %scan3A_211 = arith.constant 0 : i32
        %scan3A_212 = arith.constant 80 : i32
        %scan3A_213 = arith.addi %scan3A_211, %scan3A_212 : i32
        %scan3A_214 = arith.constant 1 : i32
        scf.for %scan3A_221 = %scan3A_211 to %scan3A_213 step %scan3A_214  : i32 {
          %mul3A_222 = arith.constant 8 : i32
          %mul3A_223 = arith.muli %scan3A_221, %mul3A_222 : i32
          %add3A_224 = arith.constant 0 : i32
          %add3A_225 = arith.addi %mul3A_223, %add3A_224 : i32
          %get3A = arith.index_cast %add3A_225 : i32 to index
          %get3A_226 = arith.constant 0 : index
          %get3A_227 = tpu.vector_load %arg8[%get3A, %get3A_226] {strides = array<i32>} : memref<640x16xf32, #tpu.memory_space<vmem>>, vector<16xf32>,
          %get3A_228 = arith.index_cast %add3A_225 : i32 to index
          %get3A_229 = arith.constant 0 : index
          %get3A_230 = tpu.vector_load %arg9[%get3A_228, %get3A_229] {strides = array<i32>} : memref<640x16xf32, #tpu.memory_space<vmem>>, vector<16xf32>,
          %add3A_231 = arith.addf %get3A_227, %get3A_230 : vector<16xf32>
          %max3A = arith.constant 0.000000e+00 : f32
          %max3A_232 = vector.broadcast %max3A : f32 to vector<16xf32>
          %max3A_233 = arith.maximumf %add3A_231, %max3A_232 : vector<16xf32>
          %swap3A = arith.index_cast %add3A_225 : i32 to index
          %swap3A_234 = arith.constant 0 : index
          %swap3A_235 = tpu.vector_load %arg8[%swap3A, %swap3A_234] {strides = array<i32>} : memref<640x16xf32, #tpu.memory_space<vmem>>, vector<16xf32>,
          tpu.vector_store %arg8[%swap3A, %swap3A_234], %max3A_233 {strides = array<i32>} : memref<640x16xf32, #tpu.memory_space<vmem>>, vector<16xf32>,
          %mul3A_236 = arith.constant 8 : i32
          %mul3A_237 = arith.muli %scan3A_221, %mul3A_236 : i32
          %add3A_238 = arith.constant 1 : i32
          %add3A_239 = arith.addi %mul3A_237, %add3A_238 : i32
          %get3A_240 = arith.index_cast %add3A_239 : i32 to index
          %get3A_241 = arith.constant 0 : index
          %get3A_242 = tpu.vector_load %arg8[%get3A_240, %get3A_241] {strides = array<i32>} : memref<640x16xf32, #tpu.memory_space<vmem>>, vector<16xf32>,
          %get3A_243 = arith.index_cast %add3A_239 : i32 to index
          %get3A_244 = arith.constant 0 : index
          %get3A_245 = tpu.vector_load %arg9[%get3A_243, %get3A_244] {strides = array<i32>} : memref<640x16xf32, #tpu.memory_space<vmem>>, vector<16xf32>,
          %add3A_246 = arith.addf %get3A_242, %get3A_245 : vector<16xf32>
          %max3A_247 = arith.constant 0.000000e+00 : f32
          %max3A_248 = vector.broadcast %max3A_247 : f32 to vector<16xf32>
          %max3A_249 = arith.maximumf %add3A_246, %max3A_248 : vector<16xf32>
          %swap3A_250 = arith.index_cast %add3A_239 : i32 to index
          %swap3A_251 = arith.constant 0 : index
          %swap3A_252 = tpu.vector_load %arg8[%swap3A_250, %swap3A_251] {strides = array<i32>} : memref<640x16xf32, #tpu.memory_space<vmem>>, vector<16xf32>,
          tpu.vector_store %arg8[%swap3A_250, %swap3A_251], %max3A_249 {strides = array<i32>} : memref<640x16xf32, #tpu.memory_space<vmem>>, vector<16xf32>,
          %mul3A_253 = arith.constant 8 : i32
          %mul3A_254 = arith.muli %scan3A_221, %mul3A_253 : i32
          %add3A_255 = arith.constant 2 : i32
          %add3A_256 = arith.addi %mul3A_254, %add3A_255 : i32
          %get3A_257 = arith.index_cast %add3A_256 : i32 to index
          %get3A_258 = arith.constant 0 : index
          %get3A_259 = tpu.vector_load %arg8[%get3A_257, %get3A_258] {strides = array<i32>} : memref<640x16xf32, #tpu.memory_space<vmem>>, vector<16xf32>,
          %get3A_260 = arith.index_cast %add3A_256 : i32 to index
          %get3A_261 = arith.constant 0 : index
          %get3A_262 = tpu.vector_load %arg9[%get3A_260, %get3A_261] {strides = array<i32>} : memref<640x16xf32, #tpu.memory_space<vmem>>, vector<16xf32>,
          %add3A_263 = arith.addf %get3A_259, %get3A_262 : vector<16xf32>
          %max3A_264 = arith.constant 0.000000e+00 : f32
          %max3A_265 = vector.broadcast %max3A_264 : f32 to vector<16xf32>
          %max3A_266 = arith.maximumf %add3A_263, %max3A_265 : vector<16xf32>
          %swap3A_267 = arith.index_cast %add3A_256 : i32 to index
          %swap3A_268 = arith.constant 0 : index
          %swap3A_269 = tpu.vector_load %arg8[%swap3A_267, %swap3A_268] {strides = array<i32>} : memref<640x16xf32, #tpu.memory_space<vmem>>, vector<16xf32>,
          tpu.vector_store %arg8[%swap3A_267, %swap3A_268], %max3A_266 {strides = array<i32>} : memref<640x16xf32, #tpu.memory_space<vmem>>, vector<16xf32>,
          %mul3A_270 = arith.constant 8 : i32
          %mul3A_271 = arith.muli %scan3A_221, %mul3A_270 : i32
          %add3A_272 = arith.constant 3 : i32
          %add3A_273 = arith.addi %mul3A_271, %add3A_272 : i32
          %get3A_274 = arith.index_cast %add3A_273 : i32 to index
          %get3A_275 = arith.constant 0 : index
          %get3A_276 = tpu.vector_load %arg8[%get3A_274, %get3A_275] {strides = array<i32>} : memref<640x16xf32, #tpu.memory_space<vmem>>, vector<16xf32>,
          %get3A_277 = arith.index_cast %add3A_273 : i32 to index
          %get3A_278 = arith.constant 0 : index
          %get3A_279 = tpu.vector_load %arg9[%get3A_277, %get3A_278] {strides = array<i32>} : memref<640x16xf32, #tpu.memory_space<vmem>>, vector<16xf32>,
          %add3A_280 = arith.addf %get3A_276, %get3A_279 : vector<16xf32>
          %max3A_281 = arith.constant 0.000000e+00 : f32
          %max3A_282 = vector.broadcast %max3A_281 : f32 to vector<16xf32>
          %max3A_283 = arith.maximumf %add3A_280, %max3A_282 : vector<16xf32>
          %swap3A_284 = arith.index_cast %add3A_273 : i32 to index
          %swap3A_285 = arith.constant 0 : index
          %swap3A_286 = tpu.vector_load %arg8[%swap3A_284, %swap3A_285] {strides = array<i32>} : memref<640x16xf32, #tpu.memory_space<vmem>>, vector<16xf32>,
          tpu.vector_store %arg8[%swap3A_284, %swap3A_285], %max3A_283 {strides = array<i32>} : memref<640x16xf32, #tpu.memory_space<vmem>>, vector<16xf32>,
          %mul3A_287 = arith.constant 8 : i32
          %mul3A_288 = arith.muli %scan3A_221, %mul3A_287 : i32
          %add3A_289 = arith.constant 4 : i32
          %add3A_290 = arith.addi %mul3A_288, %add3A_289 : i32
          %get3A_291 = arith.index_cast %add3A_290 : i32 to index
          %get3A_292 = arith.constant 0 : index
          %get3A_293 = tpu.vector_load %arg8[%get3A_291, %get3A_292] {strides = array<i32>} : memref<640x16xf32, #tpu.memory_space<vmem>>, vector<16xf32>,
          %get3A_294 = arith.index_cast %add3A_290 : i32 to index
          %get3A_295 = arith.constant 0 : index
          %get3A_296 = tpu.vector_load %arg9[%get3A_294, %get3A_295] {strides = array<i32>} : memref<640x16xf32, #tpu.memory_space<vmem>>, vector<16xf32>,
          %add3A_297 = arith.addf %get3A_293, %get3A_296 : vector<16xf32>
          %max3A_298 = arith.constant 0.000000e+00 : f32
          %max3A_299 = vector.broadcast %max3A_298 : f32 to vector<16xf32>
          %max3A_300 = arith.maximumf %add3A_297, %max3A_299 : vector<16xf32>
          %swap3A_301 = arith.index_cast %add3A_290 : i32 to index
          %swap3A_302 = arith.constant 0 : index
          %swap3A_303 = tpu.vector_load %arg8[%swap3A_301, %swap3A_302] {strides = array<i32>} : memref<640x16xf32, #tpu.memory_space<vmem>>, vector<16xf32>,
          tpu.vector_store %arg8[%swap3A_301, %swap3A_302], %max3A_300 {strides = array<i32>} : memref<640x16xf32, #tpu.memory_space<vmem>>, vector<16xf32>,
          %mul3A_304 = arith.constant 8 : i32
          %mul3A_305 = arith.muli %scan3A_221, %mul3A_304 : i32
          %add3A_306 = arith.constant 5 : i32
          %add3A_307 = arith.addi %mul3A_305, %add3A_306 : i32
          %get3A_308 = arith.index_cast %add3A_307 : i32 to index
          %get3A_309 = arith.constant 0 : index
          %get3A_310 = tpu.vector_load %arg8[%get3A_308, %get3A_309] {strides = array<i32>} : memref<640x16xf32, #tpu.memory_space<vmem>>, vector<16xf32>,
          %get3A_311 = arith.index_cast %add3A_307 : i32 to index
          %get3A_312 = arith.constant 0 : index
          %get3A_313 = tpu.vector_load %arg9[%get3A_311, %get3A_312] {strides = array<i32>} : memref<640x16xf32, #tpu.memory_space<vmem>>, vector<16xf32>,
          %add3A_314 = arith.addf %get3A_310, %get3A_313 : vector<16xf32>
          %max3A_315 = arith.constant 0.000000e+00 : f32
          %max3A_316 = vector.broadcast %max3A_315 : f32 to vector<16xf32>
          %max3A_317 = arith.maximumf %add3A_314, %max3A_316 : vector<16xf32>
          %swap3A_318 = arith.index_cast %add3A_307 : i32 to index
          %swap3A_319 = arith.constant 0 : index
          %swap3A_320 = tpu.vector_load %arg8[%swap3A_318, %swap3A_319] {strides = array<i32>} : memref<640x16xf32, #tpu.memory_space<vmem>>, vector<16xf32>,
          tpu.vector_store %arg8[%swap3A_318, %swap3A_319], %max3A_317 {strides = array<i32>} : memref<640x16xf32, #tpu.memory_space<vmem>>, vector<16xf32>,
          %mul3A_321 = arith.constant 8 : i32
          %mul3A_322 = arith.muli %scan3A_221, %mul3A_321 : i32
          %add3A_323 = arith.constant 6 : i32
          %add3A_324 = arith.addi %mul3A_322, %add3A_323 : i32
          %get3A_325 = arith.index_cast %add3A_324 : i32 to index
          %get3A_326 = arith.constant 0 : index
          %get3A_327 = tpu.vector_load %arg8[%get3A_325, %get3A_326] {strides = array<i32>} : memref<640x16xf32, #tpu.memory_space<vmem>>, vector<16xf32>,
          %get3A_328 = arith.index_cast %add3A_324 : i32 to index
          %get3A_329 = arith.constant 0 : index
          %get3A_330 = tpu.vector_load %arg9[%get3A_328, %get3A_329] {strides = array<i32>} : memref<640x16xf32, #tpu.memory_space<vmem>>, vector<16xf32>,
          %add3A_331 = arith.addf %get3A_327, %get3A_330 : vector<16xf32>
          %max3A_332 = arith.constant 0.000000e+00 : f32
          %max3A_333 = vector.broadcast %max3A_332 : f32 to vector<16xf32>
          %max3A_334 = arith.maximumf %add3A_331, %max3A_333 : vector<16xf32>
          %swap3A_335 = arith.index_cast %add3A_324 : i32 to index
          %swap3A_336 = arith.constant 0 : index
          %swap3A_337 = tpu.vector_load %arg8[%swap3A_335, %swap3A_336] {strides = array<i32>} : memref<640x16xf32, #tpu.memory_space<vmem>>, vector<16xf32>,
          tpu.vector_store %arg8[%swap3A_335, %swap3A_336], %max3A_334 {strides = array<i32>} : memref<640x16xf32, #tpu.memory_space<vmem>>, vector<16xf32>,
          %mul3A_338 = arith.constant 8 : i32
          %mul3A_339 = arith.muli %scan3A_221, %mul3A_338 : i32
          %add3A_340 = arith.constant 7 : i32
          %add3A_341 = arith.addi %mul3A_339, %add3A_340 : i32
          %get3A_342 = arith.index_cast %add3A_341 : i32 to index
          %get3A_343 = arith.constant 0 : index
          %get3A_344 = tpu.vector_load %arg8[%get3A_342, %get3A_343] {strides = array<i32>} : memref<640x16xf32, #tpu.memory_space<vmem>>, vector<16xf32>,
          %get3A_345 = arith.index_cast %add3A_341 : i32 to index
          %get3A_346 = arith.constant 0 : index
          %get3A_347 = tpu.vector_load %arg9[%get3A_345, %get3A_346] {strides = array<i32>} : memref<640x16xf32, #tpu.memory_space<vmem>>, vector<16xf32>,
          %add3A_348 = arith.addf %get3A_344, %get3A_347 : vector<16xf32>
          %max3A_349 = arith.constant 0.000000e+00 : f32
          %max3A_350 = vector.broadcast %max3A_349 : f32 to vector<16xf32>
          %max3A_351 = arith.maximumf %add3A_348, %max3A_350 : vector<16xf32>
          %swap3A_352 = arith.index_cast %add3A_341 : i32 to index
          %swap3A_353 = arith.constant 0 : index
          %swap3A_354 = tpu.vector_load %arg8[%swap3A_352, %swap3A_353] {strides = array<i32>} : memref<640x16xf32, #tpu.memory_space<vmem>>, vector<16xf32>,
          tpu.vector_store %arg8[%swap3A_352, %swap3A_353], %max3A_351 {strides = array<i32>} : memref<640x16xf32, #tpu.memory_space<vmem>>, vector<16xf32>,
        }
        %scan3A_215 = arith.constant 80 : i32
        %run_scoped3A_216 = arith.constant 0 : i32
        "tpu.region"() ({
          %run_scoped3A_221 = tpu.sem_alloc : memref<!tpu.dma_semaphore, #tpu.memory_space<semaphore_mem>>
          %dma_start3A_222 = arith.constant 0 : i32
          %dma_start3A_223 = arith.constant 0 : i32
          %dma_start3A_224 = tpu.memref_slice %arg8[%dma_start3A_222, %dma_start3A_223] : memref<640x16xf32, #tpu.memory_space<vmem>> -> memref<128x16xf32, #tpu.memory_space<vmem>>
          %dma_start3A_225 = arith.constant 0 : i32
          %dma_start3A_226 = tpu.memref_slice %arg7[%run_scoped3A_216, %dma_start3A_225] : memref<5x128xi32, #tpu.memory_space<vmem>> -> memref<1x128xi32, #tpu.memory_space<vmem>>
          %dma_start3A_227 = tpu.memref_squeeze %dma_start3A_226 : memref<1x128xi32, #tpu.memory_space<vmem>> -> memref<128xi32, #tpu.memory_space<vmem>>
          %dma_start3A_228 = arith.constant 0 : i32
          %dma_start3A_229 = arith.constant 0 : i32
          %dma_start3A_230 = tpu.memref_slice %arg10[%dma_start3A_228, %dma_start3A_229] : memref<50048x16xf32, #tpu.memory_space<vmem_shared>> -> memref<50048x16xf32, #tpu.memory_space<vmem_shared>>
          tpu.enqueue_indirect_dma source(%dma_start3A_224 : memref<128x16xf32, #tpu.memory_space<vmem>>) target(%dma_start3A_230 : memref<50048x16xf32, #tpu.memory_space<vmem_shared>>) offsets(%dma_start3A_227 : memref<128xi32, #tpu.memory_space<vmem>>) semaphore(%run_scoped3A_221 : memref<!tpu.dma_semaphore, #tpu.memory_space<semaphore_mem>>) {add = true}
          %dma_wait3A_231 = arith.constant 0 : i32
          %dma_wait3A_232 = arith.constant 0 : i32
          %dma_wait3A_233 = tpu.memref_slice %arg8[%dma_wait3A_231, %dma_wait3A_232] : memref<640x16xf32, #tpu.memory_space<vmem>> -> memref<128x16xf32, #tpu.memory_space<vmem>>
          %dma_wait3A_234 = arith.constant 0 : i32
          %dma_wait3A_235 = tpu.memref_slice %arg7[%run_scoped3A_216, %dma_wait3A_234] : memref<5x128xi32, #tpu.memory_space<vmem>> -> memref<1x128xi32, #tpu.memory_space<vmem>>
          %dma_wait3A_236 = tpu.memref_squeeze %dma_wait3A_235 : memref<1x128xi32, #tpu.memory_space<vmem>> -> memref<128xi32, #tpu.memory_space<vmem>>
          %dma_wait3A_237 = arith.constant 0 : i32
          %dma_wait3A_238 = arith.constant 0 : i32
          %dma_wait3A_239 = tpu.memref_slice %arg10[%dma_wait3A_237, %dma_wait3A_238] : memref<50048x16xf32, #tpu.memory_space<vmem_shared>> -> memref<50048x16xf32, #tpu.memory_space<vmem_shared>>
          tpu.wait_indirect_dma semaphore(%run_scoped3A_221 : memref<!tpu.dma_semaphore, #tpu.memory_space<semaphore_mem>>) src(%dma_wait3A_233 : memref<128x16xf32, #tpu.memory_space<vmem>>) dst(%dma_wait3A_239 : memref<50048x16xf32, #tpu.memory_space<vmem_shared>>)
          tpu.yield
        }) : () -> ()
        %run_scoped3A_217 = arith.constant 1 : i32
        "tpu.region"() ({
          %run_scoped3A_221 = tpu.sem_alloc : memref<!tpu.dma_semaphore, #tpu.memory_space<semaphore_mem>>
          %dma_start3A_222 = arith.constant 128 : i32
          %dma_start3A_223 = arith.constant 0 : i32
          %dma_start3A_224 = tpu.memref_slice %arg8[%dma_start3A_222, %dma_start3A_223] : memref<640x16xf32, #tpu.memory_space<vmem>> -> memref<128x16xf32, #tpu.memory_space<vmem>>
          %dma_start3A_225 = arith.constant 0 : i32
          %dma_start3A_226 = tpu.memref_slice %arg7[%run_scoped3A_217, %dma_start3A_225] : memref<5x128xi32, #tpu.memory_space<vmem>> -> memref<1x128xi32, #tpu.memory_space<vmem>>
          %dma_start3A_227 = tpu.memref_squeeze %dma_start3A_226 : memref<1x128xi32, #tpu.memory_space<vmem>> -> memref<128xi32, #tpu.memory_space<vmem>>
          %dma_start3A_228 = arith.constant 0 : i32
          %dma_start3A_229 = arith.constant 0 : i32
          %dma_start3A_230 = tpu.memref_slice %arg10[%dma_start3A_228, %dma_start3A_229] : memref<50048x16xf32, #tpu.memory_space<vmem_shared>> -> memref<50048x16xf32, #tpu.memory_space<vmem_shared>>
          tpu.enqueue_indirect_dma source(%dma_start3A_224 : memref<128x16xf32, #tpu.memory_space<vmem>>) target(%dma_start3A_230 : memref<50048x16xf32, #tpu.memory_space<vmem_shared>>) offsets(%dma_start3A_227 : memref<128xi32, #tpu.memory_space<vmem>>) semaphore(%run_scoped3A_221 : memref<!tpu.dma_semaphore, #tpu.memory_space<semaphore_mem>>) {add = true}
          %dma_wait3A_231 = arith.constant 128 : i32
          %dma_wait3A_232 = arith.constant 0 : i32
          %dma_wait3A_233 = tpu.memref_slice %arg8[%dma_wait3A_231, %dma_wait3A_232] : memref<640x16xf32, #tpu.memory_space<vmem>> -> memref<128x16xf32, #tpu.memory_space<vmem>>
          %dma_wait3A_234 = arith.constant 0 : i32
          %dma_wait3A_235 = tpu.memref_slice %arg7[%run_scoped3A_217, %dma_wait3A_234] : memref<5x128xi32, #tpu.memory_space<vmem>> -> memref<1x128xi32, #tpu.memory_space<vmem>>
          %dma_wait3A_236 = tpu.memref_squeeze %dma_wait3A_235 : memref<1x128xi32, #tpu.memory_space<vmem>> -> memref<128xi32, #tpu.memory_space<vmem>>
          %dma_wait3A_237 = arith.constant 0 : i32
          %dma_wait3A_238 = arith.constant 0 : i32
          %dma_wait3A_239 = tpu.memref_slice %arg10[%dma_wait3A_237, %dma_wait3A_238] : memref<50048x16xf32, #tpu.memory_space<vmem_shared>> -> memref<50048x16xf32, #tpu.memory_space<vmem_shared>>
          tpu.wait_indirect_dma semaphore(%run_scoped3A_221 : memref<!tpu.dma_semaphore, #tpu.memory_space<semaphore_mem>>) src(%dma_wait3A_233 : memref<128x16xf32, #tpu.memory_space<vmem>>) dst(%dma_wait3A_239 : memref<50048x16xf32, #tpu.memory_space<vmem_shared>>)
          tpu.yield
        }) : () -> ()
        %run_scoped3A_218 = arith.constant 2 : i32
        "tpu.region"() ({
          %run_scoped3A_221 = tpu.sem_alloc : memref<!tpu.dma_semaphore, #tpu.memory_space<semaphore_mem>>
          %dma_start3A_222 = arith.constant 256 : i32
          %dma_start3A_223 = arith.constant 0 : i32
          %dma_start3A_224 = tpu.memref_slice %arg8[%dma_start3A_222, %dma_start3A_223] : memref<640x16xf32, #tpu.memory_space<vmem>> -> memref<128x16xf32, #tpu.memory_space<vmem>>
          %dma_start3A_225 = arith.constant 0 : i32
          %dma_start3A_226 = tpu.memref_slice %arg7[%run_scoped3A_218, %dma_start3A_225] : memref<5x128xi32, #tpu.memory_space<vmem>> -> memref<1x128xi32, #tpu.memory_space<vmem>>
          %dma_start3A_227 = tpu.memref_squeeze %dma_start3A_226 : memref<1x128xi32, #tpu.memory_space<vmem>> -> memref<128xi32, #tpu.memory_space<vmem>>
          %dma_start3A_228 = arith.constant 0 : i32
          %dma_start3A_229 = arith.constant 0 : i32
          %dma_start3A_230 = tpu.memref_slice %arg10[%dma_start3A_228, %dma_start3A_229] : memref<50048x16xf32, #tpu.memory_space<vmem_shared>> -> memref<50048x16xf32, #tpu.memory_space<vmem_shared>>
          tpu.enqueue_indirect_dma source(%dma_start3A_224 : memref<128x16xf32, #tpu.memory_space<vmem>>) target(%dma_start3A_230 : memref<50048x16xf32, #tpu.memory_space<vmem_shared>>) offsets(%dma_start3A_227 : memref<128xi32, #tpu.memory_space<vmem>>) semaphore(%run_scoped3A_221 : memref<!tpu.dma_semaphore, #tpu.memory_space<semaphore_mem>>) {add = true}
          %dma_wait3A_231 = arith.constant 256 : i32
          %dma_wait3A_232 = arith.constant 0 : i32
          %dma_wait3A_233 = tpu.memref_slice %arg8[%dma_wait3A_231, %dma_wait3A_232] : memref<640x16xf32, #tpu.memory_space<vmem>> -> memref<128x16xf32, #tpu.memory_space<vmem>>
          %dma_wait3A_234 = arith.constant 0 : i32
          %dma_wait3A_235 = tpu.memref_slice %arg7[%run_scoped3A_218, %dma_wait3A_234] : memref<5x128xi32, #tpu.memory_space<vmem>> -> memref<1x128xi32, #tpu.memory_space<vmem>>
          %dma_wait3A_236 = tpu.memref_squeeze %dma_wait3A_235 : memref<1x128xi32, #tpu.memory_space<vmem>> -> memref<128xi32, #tpu.memory_space<vmem>>
          %dma_wait3A_237 = arith.constant 0 : i32
          %dma_wait3A_238 = arith.constant 0 : i32
          %dma_wait3A_239 = tpu.memref_slice %arg10[%dma_wait3A_237, %dma_wait3A_238] : memref<50048x16xf32, #tpu.memory_space<vmem_shared>> -> memref<50048x16xf32, #tpu.memory_space<vmem_shared>>
          tpu.wait_indirect_dma semaphore(%run_scoped3A_221 : memref<!tpu.dma_semaphore, #tpu.memory_space<semaphore_mem>>) src(%dma_wait3A_233 : memref<128x16xf32, #tpu.memory_space<vmem>>) dst(%dma_wait3A_239 : memref<50048x16xf32, #tpu.memory_space<vmem_shared>>)
          tpu.yield
        }) : () -> ()
        %run_scoped3A_219 = arith.constant 3 : i32
        "tpu.region"() ({
          %run_scoped3A_221 = tpu.sem_alloc : memref<!tpu.dma_semaphore, #tpu.memory_space<semaphore_mem>>
          %dma_start3A_222 = arith.constant 384 : i32
          %dma_start3A_223 = arith.constant 0 : i32
          %dma_start3A_224 = tpu.memref_slice %arg8[%dma_start3A_222, %dma_start3A_223] : memref<640x16xf32, #tpu.memory_space<vmem>> -> memref<128x16xf32, #tpu.memory_space<vmem>>
          %dma_start3A_225 = arith.constant 0 : i32
          %dma_start3A_226 = tpu.memref_slice %arg7[%run_scoped3A_219, %dma_start3A_225] : memref<5x128xi32, #tpu.memory_space<vmem>> -> memref<1x128xi32, #tpu.memory_space<vmem>>
          %dma_start3A_227 = tpu.memref_squeeze %dma_start3A_226 : memref<1x128xi32, #tpu.memory_space<vmem>> -> memref<128xi32, #tpu.memory_space<vmem>>
          %dma_start3A_228 = arith.constant 0 : i32
          %dma_start3A_229 = arith.constant 0 : i32
          %dma_start3A_230 = tpu.memref_slice %arg10[%dma_start3A_228, %dma_start3A_229] : memref<50048x16xf32, #tpu.memory_space<vmem_shared>> -> memref<50048x16xf32, #tpu.memory_space<vmem_shared>>
          tpu.enqueue_indirect_dma source(%dma_start3A_224 : memref<128x16xf32, #tpu.memory_space<vmem>>) target(%dma_start3A_230 : memref<50048x16xf32, #tpu.memory_space<vmem_shared>>) offsets(%dma_start3A_227 : memref<128xi32, #tpu.memory_space<vmem>>) semaphore(%run_scoped3A_221 : memref<!tpu.dma_semaphore, #tpu.memory_space<semaphore_mem>>) {add = true}
          %dma_wait3A_231 = arith.constant 384 : i32
          %dma_wait3A_232 = arith.constant 0 : i32
          %dma_wait3A_233 = tpu.memref_slice %arg8[%dma_wait3A_231, %dma_wait3A_232] : memref<640x16xf32, #tpu.memory_space<vmem>> -> memref<128x16xf32, #tpu.memory_space<vmem>>
          %dma_wait3A_234 = arith.constant 0 : i32
          %dma_wait3A_235 = tpu.memref_slice %arg7[%run_scoped3A_219, %dma_wait3A_234] : memref<5x128xi32, #tpu.memory_space<vmem>> -> memref<1x128xi32, #tpu.memory_space<vmem>>
          %dma_wait3A_236 = tpu.memref_squeeze %dma_wait3A_235 : memref<1x128xi32, #tpu.memory_space<vmem>> -> memref<128xi32, #tpu.memory_space<vmem>>
          %dma_wait3A_237 = arith.constant 0 : i32
          %dma_wait3A_238 = arith.constant 0 : i32
          %dma_wait3A_239 = tpu.memref_slice %arg10[%dma_wait3A_237, %dma_wait3A_238] : memref<50048x16xf32, #tpu.memory_space<vmem_shared>> -> memref<50048x16xf32, #tpu.memory_space<vmem_shared>>
          tpu.wait_indirect_dma semaphore(%run_scoped3A_221 : memref<!tpu.dma_semaphore, #tpu.memory_space<semaphore_mem>>) src(%dma_wait3A_233 : memref<128x16xf32, #tpu.memory_space<vmem>>) dst(%dma_wait3A_239 : memref<50048x16xf32, #tpu.memory_space<vmem_shared>>)
          tpu.yield
        }) : () -> ()
        %run_scoped3A_220 = arith.constant 4 : i32
        "tpu.region"() ({
          %run_scoped3A_221 = tpu.sem_alloc : memref<!tpu.dma_semaphore, #tpu.memory_space<semaphore_mem>>
          %dma_start3A_222 = arith.constant 512 : i32
          %dma_start3A_223 = arith.constant 0 : i32
          %dma_start3A_224 = tpu.memref_slice %arg8[%dma_start3A_222, %dma_start3A_223] : memref<640x16xf32, #tpu.memory_space<vmem>> -> memref<128x16xf32, #tpu.memory_space<vmem>>
          %dma_start3A_225 = arith.constant 0 : i32
          %dma_start3A_226 = tpu.memref_slice %arg7[%run_scoped3A_220, %dma_start3A_225] : memref<5x128xi32, #tpu.memory_space<vmem>> -> memref<1x128xi32, #tpu.memory_space<vmem>>
          %dma_start3A_227 = tpu.memref_squeeze %dma_start3A_226 : memref<1x128xi32, #tpu.memory_space<vmem>> -> memref<128xi32, #tpu.memory_space<vmem>>
          %dma_start3A_228 = arith.constant 0 : i32
          %dma_start3A_229 = arith.constant 0 : i32
          %dma_start3A_230 = tpu.memref_slice %arg10[%dma_start3A_228, %dma_start3A_229] : memref<50048x16xf32, #tpu.memory_space<vmem_shared>> -> memref<50048x16xf32, #tpu.memory_space<vmem_shared>>
          tpu.enqueue_indirect_dma source(%dma_start3A_224 : memref<128x16xf32, #tpu.memory_space<vmem>>) target(%dma_start3A_230 : memref<50048x16xf32, #tpu.memory_space<vmem_shared>>) offsets(%dma_start3A_227 : memref<128xi32, #tpu.memory_space<vmem>>) semaphore(%run_scoped3A_221 : memref<!tpu.dma_semaphore, #tpu.memory_space<semaphore_mem>>) {add = true}
          %dma_wait3A_231 = arith.constant 512 : i32
          %dma_wait3A_232 = arith.constant 0 : i32
          %dma_wait3A_233 = tpu.memref_slice %arg8[%dma_wait3A_231, %dma_wait3A_232] : memref<640x16xf32, #tpu.memory_space<vmem>> -> memref<128x16xf32, #tpu.memory_space<vmem>>
          %dma_wait3A_234 = arith.constant 0 : i32
          %dma_wait3A_235 = tpu.memref_slice %arg7[%run_scoped3A_220, %dma_wait3A_234] : memref<5x128xi32, #tpu.memory_space<vmem>> -> memref<1x128xi32, #tpu.memory_space<vmem>>
          %dma_wait3A_236 = tpu.memref_squeeze %dma_wait3A_235 : memref<1x128xi32, #tpu.memory_space<vmem>> -> memref<128xi32, #tpu.memory_space<vmem>>
          %dma_wait3A_237 = arith.constant 0 : i32
          %dma_wait3A_238 = arith.constant 0 : i32
          %dma_wait3A_239 = tpu.memref_slice %arg10[%dma_wait3A_237, %dma_wait3A_238] : memref<50048x16xf32, #tpu.memory_space<vmem_shared>> -> memref<50048x16xf32, #tpu.memory_space<vmem_shared>>
          tpu.wait_indirect_dma semaphore(%run_scoped3A_221 : memref<!tpu.dma_semaphore, #tpu.memory_space<semaphore_mem>>) src(%dma_wait3A_233 : memref<128x16xf32, #tpu.memory_space<vmem>>) dst(%dma_wait3A_239 : memref<50048x16xf32, #tpu.memory_space<vmem_shared>>)
          tpu.yield
        }) : () -> ()
      } else {
      }
    }
    %scan3A_23 = arith.constant 157 : i32
    %barrier3A_24 = arith.constant 0 : index
    tpu.barrier barrier_id(%barrier3A_24)
    "tpu.region"() ({
      %run_scoped3A = tpu.sem_alloc : memref<!tpu.dma_semaphore, #tpu.memory_space<semaphore_mem>>
      %dma_start3A = arith.constant 0 : i32
      %dma_start3A_25 = arith.constant 0 : i32
      %dma_start3A_26 = tpu.memref_slice %arg5[%arg0, %dma_start3A, %dma_start3A_25] : memref<2x50048x16xf32, #tpu.memory_space<hbm>> -> memref<1x50048x16xf32, #tpu.memory_space<hbm>>
      %dma_start3A_27 = tpu.memref_squeeze %dma_start3A_26 : memref<1x50048x16xf32, #tpu.memory_space<hbm>> -> memref<50048x16xf32, #tpu.memory_space<hbm>>
      %dma_start3A_28 = arith.constant 0 : i32
      %dma_start3A_29 = tpu.memref_slice %dma_start3A_27[%mul3A_7, %dma_start3A_28] : memref<50048x16xf32, #tpu.memory_space<hbm>> -> memref<3128x16xf32, #tpu.memory_space<hbm>>
      %dma_start3A_30 = arith.constant 0 : i32
      %dma_start3A_31 = tpu.memref_slice %arg10[%mul3A_7, %dma_start3A_30] : memref<50048x16xf32, #tpu.memory_space<vmem_shared>> -> memref<3128x16xf32, #tpu.memory_space<vmem_shared>>
      tpu.enqueue_dma source(%dma_start3A_31 : memref<3128x16xf32, #tpu.memory_space<vmem_shared>>) target(%dma_start3A_29 : memref<3128x16xf32, #tpu.memory_space<hbm>>) target_semaphore(%run_scoped3A : memref<!tpu.dma_semaphore, #tpu.memory_space<semaphore_mem>>)
      %dma_wait3A = arith.constant 0 : i32
      %dma_wait3A_32 = arith.constant 0 : i32
      %dma_wait3A_33 = tpu.memref_slice %arg5[%arg0, %dma_wait3A, %dma_wait3A_32] : memref<2x50048x16xf32, #tpu.memory_space<hbm>> -> memref<1x50048x16xf32, #tpu.memory_space<hbm>>
      %dma_wait3A_34 = tpu.memref_squeeze %dma_wait3A_33 : memref<1x50048x16xf32, #tpu.memory_space<hbm>> -> memref<50048x16xf32, #tpu.memory_space<hbm>>
      %dma_wait3A_35 = arith.constant 0 : i32
      %dma_wait3A_36 = tpu.memref_slice %dma_wait3A_34[%mul3A_7, %dma_wait3A_35] : memref<50048x16xf32, #tpu.memory_space<hbm>> -> memref<3128x16xf32, #tpu.memory_space<hbm>>
      %dma_wait3A_37 = arith.constant 0 : i32
      %dma_wait3A_38 = tpu.memref_slice %arg10[%mul3A_7, %dma_wait3A_37] : memref<50048x16xf32, #tpu.memory_space<vmem_shared>> -> memref<3128x16xf32, #tpu.memory_space<vmem_shared>>
      tpu.wait_dma2 semaphore(%run_scoped3A : memref<!tpu.dma_semaphore, #tpu.memory_space<semaphore_mem>>) src(%dma_wait3A_38 : memref<3128x16xf32, #tpu.memory_space<vmem_shared>>) dst(%dma_wait3A_36 : memref<3128x16xf32, #tpu.memory_space<hbm>>)
      tpu.yield
    }) : () -> ()
    return
  }
}

module attributes {stable_mosaic.version = 14 : i64} {
  func.func @_edge_pre_body(%arg0: i32, %arg1: memref<4x16000xf32, #tpu.memory_space<vmem>>, %arg2: memref<4x16xf32, #tpu.memory_space<vmem>>, %arg3: memref<1x16xf32, #tpu.memory_space<vmem>>, %arg4: memref<16x16xf32, #tpu.memory_space<vmem>>, %arg5: memref<16000x128xf32, #tpu.memory_space<vmem>>) attributes {dimension_semantics = [#tpu.dimension_semantics<arbitrary>], iteration_bounds = array<i64: 200>, scalar_prefetch = 0 : i64, scratch_operands = 0 : i64, tpu.core_type = #tpu.core_type<tc>, window_params = [{transform_indices = @transform_0, window_bounds = array<i64: 4, 16000>}, {pipeline_mode = #tpu.pipeline_mode<synchronous>, transform_indices = @transform_1, window_bounds = array<i64: 4, 16>}, {pipeline_mode = #tpu.pipeline_mode<synchronous>, transform_indices = @transform_2, window_bounds = array<i64: 1, 16>}, {pipeline_mode = #tpu.pipeline_mode<synchronous>, transform_indices = @transform_3, window_bounds = array<i64: 16, 16>}, {transform_indices = @transform_4, window_bounds = array<i64: 16000, 128>}]} {
    %get3A = arith.constant 0 : index
    %get3A_0 = arith.constant 0 : index
    %get3A_1 = vector.load %arg1[%get3A, %get3A_0] : memref<4x16000xf32, #tpu.memory_space<vmem>>, vector<4x16000xf32>
    %get3A_2 = arith.constant 0 : index
    %get3A_3 = arith.constant 0 : index
    %get3A_4 = vector.load %arg2[%get3A_2, %get3A_3] : memref<4x16xf32, #tpu.memory_space<vmem>>, vector<4x16xf32>
    %dot_general3A = arith.constant dense<0.000000e+00> : vector<16000x16xf32>
    %dot_general3A_5 = tpu.matmul %get3A_1, %get3A_4, %dot_general3A {dimension_numbers = #tpu.dot_dimension_numbers<[0], [0], [1], [1], [0, 1, 1, 1], [], []>, transpose_lhs_hint = false} : vector<4x16000xf32>, vector<4x16xf32>, vector<16000x16xf32> -> vector<16000x16xf32>
    %get3A_6 = arith.constant 0 : index
    %get3A_7 = arith.constant 0 : index
    %get3A_8 = vector.load %arg3[%get3A_6, %get3A_7] : memref<1x16xf32, #tpu.memory_space<vmem>>, vector<1x16xf32>
    %add3A = vector.broadcast %get3A_8 : vector<1x16xf32> to vector<16000x16xf32>
    %add3A_9 = arith.addf %dot_general3A_5, %add3A : vector<16000x16xf32>
    %max3A = arith.constant 0.000000e+00 : f32
    %max3A_10 = vector.broadcast %max3A : f32 to vector<16000x16xf32>
    %max3A_11 = arith.maximumf %add3A_9, %max3A_10 : vector<16000x16xf32>
    %get3A_12 = arith.constant 0 : index
    %get3A_13 = arith.constant 0 : index
    %get3A_14 = vector.load %arg4[%get3A_12, %get3A_13] : memref<16x16xf32, #tpu.memory_space<vmem>>, vector<16x16xf32>
    %dot_general3A_15 = arith.constant dense<0.000000e+00> : vector<16000x16xf32>
    %dot_general3A_16 = tpu.matmul %max3A_11, %get3A_14, %dot_general3A_15 {dimension_numbers = #tpu.dot_dimension_numbers<[1], [0], [0], [1], [0, 0, 1, 1], [], []>, transpose_lhs_hint = false} : vector<16000x16xf32>, vector<16x16xf32>, vector<16000x16xf32> -> vector<16000x16xf32>
    %jit3A = arith.constant 8 : i32
    %eq3A = arith.constant 0 : i32
    %eq3A_17 = arith.cmpi eq, %jit3A, %eq3A : i32
    %jit3A_18 = arith.constant 1 : i32
    %select_n3A = arith.select %eq3A_17, %jit3A_18, %jit3A : i32
    %rem3A = arith.remsi %arg0, %select_n3A : i32
    %ne3A = arith.constant 0 : i32
    %ne3A_19 = arith.cmpi ne, %rem3A, %ne3A : i32
    %lt3A = arith.constant 0 : i32
    %lt3A_20 = arith.cmpi slt, %rem3A, %lt3A : i32
    %lt3A_21 = arith.constant 0 : i32
    %lt3A_22 = arith.cmpi slt, %select_n3A, %lt3A_21 : i32
    %ne3A_23 = arith.xori %lt3A_20, %lt3A_22 : i1
    %and3A = arith.andi %ne3A_23, %ne3A_19 : i1
    %add3A_24 = arith.addi %rem3A, %select_n3A : i32
    %select_n3A_25 = arith.select %and3A, %add3A_24, %rem3A : i32
    %eq3A_26 = arith.constant 0 : i32
    %eq3A_27 = arith.cmpi eq, %select_n3A_25, %eq3A_26 : i32
    %convert_element_type3A = arith.extui %eq3A_27 : i1 to i32
    %cond3A = arith.constant 0 : i32
    %cond3A_28 = arith.cmpi ne, %convert_element_type3A, %cond3A : i32
    scf.if %cond3A_28 {
      %swap3A = arith.constant 0 : index
      %swap3A_176 = arith.constant 0 : index
      %swap3A_177 = vector.load %arg5[%swap3A, %swap3A_176] : memref<16000x128xf32, #tpu.memory_space<vmem>>, vector<16000x16xf32>
      tpu.vector_store %arg5[%swap3A, %swap3A_176], %dot_general3A_16 {strides = array<i32>} : memref<16000x128xf32, #tpu.memory_space<vmem>>, vector<16000x16xf32>,
    } else {
    }
    %jit3A_29 = arith.constant 8 : i32
    %eq3A_30 = arith.constant 0 : i32
    %eq3A_31 = arith.cmpi eq, %jit3A_29, %eq3A_30 : i32
    %jit3A_32 = arith.constant 1 : i32
    %select_n3A_33 = arith.select %eq3A_31, %jit3A_32, %jit3A_29 : i32
    %rem3A_34 = arith.remsi %arg0, %select_n3A_33 : i32
    %ne3A_35 = arith.constant 0 : i32
    %ne3A_36 = arith.cmpi ne, %rem3A_34, %ne3A_35 : i32
    %lt3A_37 = arith.constant 0 : i32
    %lt3A_38 = arith.cmpi slt, %rem3A_34, %lt3A_37 : i32
    %lt3A_39 = arith.constant 0 : i32
    %lt3A_40 = arith.cmpi slt, %select_n3A_33, %lt3A_39 : i32
    %ne3A_41 = arith.xori %lt3A_38, %lt3A_40 : i1
    %and3A_42 = arith.andi %ne3A_41, %ne3A_36 : i1
    %add3A_43 = arith.addi %rem3A_34, %select_n3A_33 : i32
    %select_n3A_44 = arith.select %and3A_42, %add3A_43, %rem3A_34 : i32
    %eq3A_45 = arith.constant 1 : i32
    %eq3A_46 = arith.cmpi eq, %select_n3A_44, %eq3A_45 : i32
    %convert_element_type3A_47 = arith.extui %eq3A_46 : i1 to i32
    %cond3A_48 = arith.constant 0 : i32
    %cond3A_49 = arith.cmpi ne, %convert_element_type3A_47, %cond3A_48 : i32
    scf.if %cond3A_49 {
      %swap3A = arith.constant 0 : index
      %swap3A_176 = arith.constant 16 : index
      %swap3A_177 = vector.load %arg5[%swap3A, %swap3A_176] : memref<16000x128xf32, #tpu.memory_space<vmem>>, vector<16000x16xf32>
      tpu.vector_store %arg5[%swap3A, %swap3A_176], %dot_general3A_16 {strides = array<i32>} : memref<16000x128xf32, #tpu.memory_space<vmem>>, vector<16000x16xf32>,
    } else {
    }
    %jit3A_50 = arith.constant 8 : i32
    %eq3A_51 = arith.constant 0 : i32
    %eq3A_52 = arith.cmpi eq, %jit3A_50, %eq3A_51 : i32
    %jit3A_53 = arith.constant 1 : i32
    %select_n3A_54 = arith.select %eq3A_52, %jit3A_53, %jit3A_50 : i32
    %rem3A_55 = arith.remsi %arg0, %select_n3A_54 : i32
    %ne3A_56 = arith.constant 0 : i32
    %ne3A_57 = arith.cmpi ne, %rem3A_55, %ne3A_56 : i32
    %lt3A_58 = arith.constant 0 : i32
    %lt3A_59 = arith.cmpi slt, %rem3A_55, %lt3A_58 : i32
    %lt3A_60 = arith.constant 0 : i32
    %lt3A_61 = arith.cmpi slt, %select_n3A_54, %lt3A_60 : i32
    %ne3A_62 = arith.xori %lt3A_59, %lt3A_61 : i1
    %and3A_63 = arith.andi %ne3A_62, %ne3A_57 : i1
    %add3A_64 = arith.addi %rem3A_55, %select_n3A_54 : i32
    %select_n3A_65 = arith.select %and3A_63, %add3A_64, %rem3A_55 : i32
    %eq3A_66 = arith.constant 2 : i32
    %eq3A_67 = arith.cmpi eq, %select_n3A_65, %eq3A_66 : i32
    %convert_element_type3A_68 = arith.extui %eq3A_67 : i1 to i32
    %cond3A_69 = arith.constant 0 : i32
    %cond3A_70 = arith.cmpi ne, %convert_element_type3A_68, %cond3A_69 : i32
    scf.if %cond3A_70 {
      %swap3A = arith.constant 0 : index
      %swap3A_176 = arith.constant 32 : index
      %swap3A_177 = vector.load %arg5[%swap3A, %swap3A_176] : memref<16000x128xf32, #tpu.memory_space<vmem>>, vector<16000x16xf32>
      tpu.vector_store %arg5[%swap3A, %swap3A_176], %dot_general3A_16 {strides = array<i32>} : memref<16000x128xf32, #tpu.memory_space<vmem>>, vector<16000x16xf32>,
    } else {
    }
    %jit3A_71 = arith.constant 8 : i32
    %eq3A_72 = arith.constant 0 : i32
    %eq3A_73 = arith.cmpi eq, %jit3A_71, %eq3A_72 : i32
    %jit3A_74 = arith.constant 1 : i32
    %select_n3A_75 = arith.select %eq3A_73, %jit3A_74, %jit3A_71 : i32
    %rem3A_76 = arith.remsi %arg0, %select_n3A_75 : i32
    %ne3A_77 = arith.constant 0 : i32
    %ne3A_78 = arith.cmpi ne, %rem3A_76, %ne3A_77 : i32
    %lt3A_79 = arith.constant 0 : i32
    %lt3A_80 = arith.cmpi slt, %rem3A_76, %lt3A_79 : i32
    %lt3A_81 = arith.constant 0 : i32
    %lt3A_82 = arith.cmpi slt, %select_n3A_75, %lt3A_81 : i32
    %ne3A_83 = arith.xori %lt3A_80, %lt3A_82 : i1
    %and3A_84 = arith.andi %ne3A_83, %ne3A_78 : i1
    %add3A_85 = arith.addi %rem3A_76, %select_n3A_75 : i32
    %select_n3A_86 = arith.select %and3A_84, %add3A_85, %rem3A_76 : i32
    %eq3A_87 = arith.constant 3 : i32
    %eq3A_88 = arith.cmpi eq, %select_n3A_86, %eq3A_87 : i32
    %convert_element_type3A_89 = arith.extui %eq3A_88 : i1 to i32
    %cond3A_90 = arith.constant 0 : i32
    %cond3A_91 = arith.cmpi ne, %convert_element_type3A_89, %cond3A_90 : i32
    scf.if %cond3A_91 {
      %swap3A = arith.constant 0 : index
      %swap3A_176 = arith.constant 48 : index
      %swap3A_177 = vector.load %arg5[%swap3A, %swap3A_176] : memref<16000x128xf32, #tpu.memory_space<vmem>>, vector<16000x16xf32>
      tpu.vector_store %arg5[%swap3A, %swap3A_176], %dot_general3A_16 {strides = array<i32>} : memref<16000x128xf32, #tpu.memory_space<vmem>>, vector<16000x16xf32>,
    } else {
    }
    %jit3A_92 = arith.constant 8 : i32
    %eq3A_93 = arith.constant 0 : i32
    %eq3A_94 = arith.cmpi eq, %jit3A_92, %eq3A_93 : i32
    %jit3A_95 = arith.constant 1 : i32
    %select_n3A_96 = arith.select %eq3A_94, %jit3A_95, %jit3A_92 : i32
    %rem3A_97 = arith.remsi %arg0, %select_n3A_96 : i32
    %ne3A_98 = arith.constant 0 : i32
    %ne3A_99 = arith.cmpi ne, %rem3A_97, %ne3A_98 : i32
    %lt3A_100 = arith.constant 0 : i32
    %lt3A_101 = arith.cmpi slt, %rem3A_97, %lt3A_100 : i32
    %lt3A_102 = arith.constant 0 : i32
    %lt3A_103 = arith.cmpi slt, %select_n3A_96, %lt3A_102 : i32
    %ne3A_104 = arith.xori %lt3A_101, %lt3A_103 : i1
    %and3A_105 = arith.andi %ne3A_104, %ne3A_99 : i1
    %add3A_106 = arith.addi %rem3A_97, %select_n3A_96 : i32
    %select_n3A_107 = arith.select %and3A_105, %add3A_106, %rem3A_97 : i32
    %eq3A_108 = arith.constant 4 : i32
    %eq3A_109 = arith.cmpi eq, %select_n3A_107, %eq3A_108 : i32
    %convert_element_type3A_110 = arith.extui %eq3A_109 : i1 to i32
    %cond3A_111 = arith.constant 0 : i32
    %cond3A_112 = arith.cmpi ne, %convert_element_type3A_110, %cond3A_111 : i32
    scf.if %cond3A_112 {
      %swap3A = arith.constant 0 : index
      %swap3A_176 = arith.constant 64 : index
      %swap3A_177 = vector.load %arg5[%swap3A, %swap3A_176] : memref<16000x128xf32, #tpu.memory_space<vmem>>, vector<16000x16xf32>
      tpu.vector_store %arg5[%swap3A, %swap3A_176], %dot_general3A_16 {strides = array<i32>} : memref<16000x128xf32, #tpu.memory_space<vmem>>, vector<16000x16xf32>,
    } else {
    }
    %jit3A_113 = arith.constant 8 : i32
    %eq3A_114 = arith.constant 0 : i32
    %eq3A_115 = arith.cmpi eq, %jit3A_113, %eq3A_114 : i32
    %jit3A_116 = arith.constant 1 : i32
    %select_n3A_117 = arith.select %eq3A_115, %jit3A_116, %jit3A_113 : i32
    %rem3A_118 = arith.remsi %arg0, %select_n3A_117 : i32
    %ne3A_119 = arith.constant 0 : i32
    %ne3A_120 = arith.cmpi ne, %rem3A_118, %ne3A_119 : i32
    %lt3A_121 = arith.constant 0 : i32
    %lt3A_122 = arith.cmpi slt, %rem3A_118, %lt3A_121 : i32
    %lt3A_123 = arith.constant 0 : i32
    %lt3A_124 = arith.cmpi slt, %select_n3A_117, %lt3A_123 : i32
    %ne3A_125 = arith.xori %lt3A_122, %lt3A_124 : i1
    %and3A_126 = arith.andi %ne3A_125, %ne3A_120 : i1
    %add3A_127 = arith.addi %rem3A_118, %select_n3A_117 : i32
    %select_n3A_128 = arith.select %and3A_126, %add3A_127, %rem3A_118 : i32
    %eq3A_129 = arith.constant 5 : i32
    %eq3A_130 = arith.cmpi eq, %select_n3A_128, %eq3A_129 : i32
    %convert_element_type3A_131 = arith.extui %eq3A_130 : i1 to i32
    %cond3A_132 = arith.constant 0 : i32
    %cond3A_133 = arith.cmpi ne, %convert_element_type3A_131, %cond3A_132 : i32
    scf.if %cond3A_133 {
      %swap3A = arith.constant 0 : index
      %swap3A_176 = arith.constant 80 : index
      %swap3A_177 = vector.load %arg5[%swap3A, %swap3A_176] : memref<16000x128xf32, #tpu.memory_space<vmem>>, vector<16000x16xf32>
      tpu.vector_store %arg5[%swap3A, %swap3A_176], %dot_general3A_16 {strides = array<i32>} : memref<16000x128xf32, #tpu.memory_space<vmem>>, vector<16000x16xf32>,
    } else {
    }
    %jit3A_134 = arith.constant 8 : i32
    %eq3A_135 = arith.constant 0 : i32
    %eq3A_136 = arith.cmpi eq, %jit3A_134, %eq3A_135 : i32
    %jit3A_137 = arith.constant 1 : i32
    %select_n3A_138 = arith.select %eq3A_136, %jit3A_137, %jit3A_134 : i32
    %rem3A_139 = arith.remsi %arg0, %select_n3A_138 : i32
    %ne3A_140 = arith.constant 0 : i32
    %ne3A_141 = arith.cmpi ne, %rem3A_139, %ne3A_140 : i32
    %lt3A_142 = arith.constant 0 : i32
    %lt3A_143 = arith.cmpi slt, %rem3A_139, %lt3A_142 : i32
    %lt3A_144 = arith.constant 0 : i32
    %lt3A_145 = arith.cmpi slt, %select_n3A_138, %lt3A_144 : i32
    %ne3A_146 = arith.xori %lt3A_143, %lt3A_145 : i1
    %and3A_147 = arith.andi %ne3A_146, %ne3A_141 : i1
    %add3A_148 = arith.addi %rem3A_139, %select_n3A_138 : i32
    %select_n3A_149 = arith.select %and3A_147, %add3A_148, %rem3A_139 : i32
    %eq3A_150 = arith.constant 6 : i32
    %eq3A_151 = arith.cmpi eq, %select_n3A_149, %eq3A_150 : i32
    %convert_element_type3A_152 = arith.extui %eq3A_151 : i1 to i32
    %cond3A_153 = arith.constant 0 : i32
    %cond3A_154 = arith.cmpi ne, %convert_element_type3A_152, %cond3A_153 : i32
    scf.if %cond3A_154 {
      %swap3A = arith.constant 0 : index
      %swap3A_176 = arith.constant 96 : index
      %swap3A_177 = vector.load %arg5[%swap3A, %swap3A_176] : memref<16000x128xf32, #tpu.memory_space<vmem>>, vector<16000x16xf32>
      tpu.vector_store %arg5[%swap3A, %swap3A_176], %dot_general3A_16 {strides = array<i32>} : memref<16000x128xf32, #tpu.memory_space<vmem>>, vector<16000x16xf32>,
    } else {
    }
    %jit3A_155 = arith.constant 8 : i32
    %eq3A_156 = arith.constant 0 : i32
    %eq3A_157 = arith.cmpi eq, %jit3A_155, %eq3A_156 : i32
    %jit3A_158 = arith.constant 1 : i32
    %select_n3A_159 = arith.select %eq3A_157, %jit3A_158, %jit3A_155 : i32
    %rem3A_160 = arith.remsi %arg0, %select_n3A_159 : i32
    %ne3A_161 = arith.constant 0 : i32
    %ne3A_162 = arith.cmpi ne, %rem3A_160, %ne3A_161 : i32
    %lt3A_163 = arith.constant 0 : i32
    %lt3A_164 = arith.cmpi slt, %rem3A_160, %lt3A_163 : i32
    %lt3A_165 = arith.constant 0 : i32
    %lt3A_166 = arith.cmpi slt, %select_n3A_159, %lt3A_165 : i32
    %ne3A_167 = arith.xori %lt3A_164, %lt3A_166 : i1
    %and3A_168 = arith.andi %ne3A_167, %ne3A_162 : i1
    %add3A_169 = arith.addi %rem3A_160, %select_n3A_159 : i32
    %select_n3A_170 = arith.select %and3A_168, %add3A_169, %rem3A_160 : i32
    %eq3A_171 = arith.constant 7 : i32
    %eq3A_172 = arith.cmpi eq, %select_n3A_170, %eq3A_171 : i32
    %convert_element_type3A_173 = arith.extui %eq3A_172 : i1 to i32
    %cond3A_174 = arith.constant 0 : i32
    %cond3A_175 = arith.cmpi ne, %convert_element_type3A_173, %cond3A_174 : i32
    scf.if %cond3A_175 {
      %swap3A = arith.constant 0 : index
      %swap3A_176 = arith.constant 112 : index
      %swap3A_177 = vector.load %arg5[%swap3A, %swap3A_176] : memref<16000x128xf32, #tpu.memory_space<vmem>>, vector<16000x16xf32>
      tpu.vector_store %arg5[%swap3A, %swap3A_176], %dot_general3A_16 {strides = array<i32>} : memref<16000x128xf32, #tpu.memory_space<vmem>>, vector<16000x16xf32>,
    } else {
    }
    return
  }
  func.func @transform_0(%arg0: i32) -> (i32, i32) {
    %c0_i32 = arith.constant 0 : i32
    %c0_i32_0 = arith.constant 0 : i32
    return %c0_i32, %arg0 : i32, i32
  }
  func.func @transform_1(%arg0: i32) -> (i32, i32) {
    %c0_i32 = arith.constant 0 : i32
    %c0_i32_0 = arith.constant 0 : i32
    %c0_i32_1 = arith.constant 0 : i32
    return %c0_i32, %c0_i32_0 : i32, i32
  }
  func.func @transform_2(%arg0: i32) -> (i32, i32) {
    %c0_i32 = arith.constant 0 : i32
    %c0_i32_0 = arith.constant 0 : i32
    %c0_i32_1 = arith.constant 0 : i32
    return %c0_i32, %c0_i32_0 : i32, i32
  }
  func.func @transform_3(%arg0: i32) -> (i32, i32) {
    %c0_i32 = arith.constant 0 : i32
    %c0_i32_0 = arith.constant 0 : i32
    %c0_i32_1 = arith.constant 0 : i32
    return %c0_i32, %c0_i32_0 : i32, i32
  }
  func.func @transform_4(%arg0: i32) -> (i32, i32) {
    %jit3A = arith.constant 8 : i32
    %div3A = arith.divsi %arg0, %jit3A : i32
    %sign3A = arith.constant 0 : i32
    %sign3A_0 = arith.cmpi sgt, %arg0, %sign3A : i32
    %sign3A_1 = arith.extui %sign3A_0 : i1 to i32
    %sign3A_2 = arith.constant 0 : i32
    %sign3A_3 = arith.cmpi slt, %arg0, %sign3A_2 : i32
    %sign3A_4 = arith.extui %sign3A_3 : i1 to i32
    %sign3A_5 = arith.subi %sign3A_1, %sign3A_4 : i32
    %sign3A_6 = arith.constant 0 : i32
    %sign3A_7 = arith.cmpi sgt, %jit3A, %sign3A_6 : i32
    %sign3A_8 = arith.extui %sign3A_7 : i1 to i32
    %sign3A_9 = arith.constant 0 : i32
    %sign3A_10 = arith.cmpi slt, %jit3A, %sign3A_9 : i32
    %sign3A_11 = arith.extui %sign3A_10 : i1 to i32
    %sign3A_12 = arith.subi %sign3A_8, %sign3A_11 : i32
    %ne3A = arith.cmpi ne, %sign3A_5, %sign3A_12 : i32
    %rem3A = arith.remsi %arg0, %jit3A : i32
    %ne3A_13 = arith.constant 0 : i32
    %ne3A_14 = arith.cmpi ne, %rem3A, %ne3A_13 : i32
    %and3A = arith.andi %ne3A, %ne3A_14 : i1
    %sub3A = arith.constant 1 : i32
    %sub3A_15 = arith.subi %div3A, %sub3A : i32
    %select_n3A = arith.select %and3A, %sub3A_15, %div3A : i32
    %c0_i32 = arith.constant 0 : i32
    %c0_i32_16 = arith.constant 0 : i32
    return %select_n3A, %c0_i32 : i32, i32
  }
}

module attributes {stable_mosaic.version = 14 : i64} {
  func.func @_node_pre_body(%arg0: memref<6250x32xf32, #tpu.memory_space<vmem>>, %arg1: memref<6250x48xf32, #tpu.memory_space<vmem>>, %arg2: memref<32x128xf32, #tpu.memory_space<vmem>>, %arg3: memref<1x128xf32, #tpu.memory_space<vmem>>, %arg4: memref<48x128xf32, #tpu.memory_space<vmem>>, %arg5: memref<1x128xf32, #tpu.memory_space<vmem>>, %arg6: memref<128x128xf32, #tpu.memory_space<vmem>>, %arg7: memref<128x128xf32, #tpu.memory_space<vmem>>, %arg8: memref<128x128xf32, #tpu.memory_space<vmem>>, %arg9: memref<6250x128xf32, #tpu.memory_space<vmem>>, %arg10: memref<6250x128xf32, #tpu.memory_space<vmem>>, %arg11: memref<6250x128xf32, #tpu.memory_space<vmem>>) attributes {dimension_semantics = [], scalar_prefetch = 0 : i64, scratch_operands = 0 : i64, tpu.core_type = #tpu.core_type<tc>} {
    %get3A = arith.constant 0 : index
    %get3A_0 = arith.constant 0 : index
    %get3A_1 = vector.load %arg0[%get3A, %get3A_0] : memref<6250x32xf32, #tpu.memory_space<vmem>>, vector<6250x32xf32>
    %get3A_2 = arith.constant 0 : index
    %get3A_3 = arith.constant 0 : index
    %get3A_4 = vector.load %arg2[%get3A_2, %get3A_3] : memref<32x128xf32, #tpu.memory_space<vmem>>, vector<32x128xf32>
    %dot_general3A = arith.constant dense<0.000000e+00> : vector<6250x128xf32>
    %dot_general3A_5 = tpu.matmul %get3A_1, %get3A_4, %dot_general3A {dimension_numbers = #tpu.dot_dimension_numbers<[1], [0], [0], [1], [0, 0, 1, 1], [], []>, transpose_lhs_hint = false} : vector<6250x32xf32>, vector<32x128xf32>, vector<6250x128xf32> -> vector<6250x128xf32>
    %get3A_6 = arith.constant 0 : index
    %get3A_7 = arith.constant 0 : index
    %get3A_8 = vector.load %arg3[%get3A_6, %get3A_7] : memref<1x128xf32, #tpu.memory_space<vmem>>, vector<1x128xf32>
    %add3A = vector.broadcast %get3A_8 : vector<1x128xf32> to vector<6250x128xf32>
    %add3A_9 = arith.addf %dot_general3A_5, %add3A : vector<6250x128xf32>
    %max3A = arith.constant 0.000000e+00 : f32
    %max3A_10 = vector.broadcast %max3A : f32 to vector<6250x128xf32>
    %max3A_11 = arith.maximumf %add3A_9, %max3A_10 : vector<6250x128xf32>
    %get3A_12 = arith.constant 0 : index
    %get3A_13 = arith.constant 0 : index
    %get3A_14 = vector.load %arg1[%get3A_12, %get3A_13] : memref<6250x48xf32, #tpu.memory_space<vmem>>, vector<6250x48xf32>
    %get3A_15 = arith.constant 0 : index
    %get3A_16 = arith.constant 0 : index
    %get3A_17 = vector.load %arg4[%get3A_15, %get3A_16] : memref<48x128xf32, #tpu.memory_space<vmem>>, vector<48x128xf32>
    %dot_general3A_18 = arith.constant dense<0.000000e+00> : vector<6250x128xf32>
    %dot_general3A_19 = tpu.matmul %get3A_14, %get3A_17, %dot_general3A_18 {dimension_numbers = #tpu.dot_dimension_numbers<[1], [0], [0], [1], [0, 0, 1, 1], [], []>, transpose_lhs_hint = false} : vector<6250x48xf32>, vector<48x128xf32>, vector<6250x128xf32> -> vector<6250x128xf32>
    %get3A_20 = arith.constant 0 : index
    %get3A_21 = arith.constant 0 : index
    %get3A_22 = vector.load %arg5[%get3A_20, %get3A_21] : memref<1x128xf32, #tpu.memory_space<vmem>>, vector<1x128xf32>
    %add3A_23 = vector.broadcast %get3A_22 : vector<1x128xf32> to vector<6250x128xf32>
    %add3A_24 = arith.addf %dot_general3A_19, %add3A_23 : vector<6250x128xf32>
    %max3A_25 = arith.constant 0.000000e+00 : f32
    %max3A_26 = vector.broadcast %max3A_25 : f32 to vector<6250x128xf32>
    %max3A_27 = arith.maximumf %add3A_24, %max3A_26 : vector<6250x128xf32>
    %get3A_28 = arith.constant 0 : index
    %get3A_29 = arith.constant 0 : index
    %get3A_30 = vector.load %arg6[%get3A_28, %get3A_29] : memref<128x128xf32, #tpu.memory_space<vmem>>, vector<128x128xf32>
    %dot_general3A_31 = arith.constant dense<0.000000e+00> : vector<6250x128xf32>
    %dot_general3A_32 = tpu.matmul %max3A_11, %get3A_30, %dot_general3A_31 {dimension_numbers = #tpu.dot_dimension_numbers<[1], [0], [0], [1], [0, 0, 1, 1], [], []>, transpose_lhs_hint = false} : vector<6250x128xf32>, vector<128x128xf32>, vector<6250x128xf32> -> vector<6250x128xf32>
    %swap3A = arith.constant 0 : index
    %swap3A_33 = arith.constant 0 : index
    %swap3A_34 = vector.load %arg9[%swap3A, %swap3A_33] : memref<6250x128xf32, #tpu.memory_space<vmem>>, vector<6250x128xf32>
    tpu.vector_store %arg9[%swap3A, %swap3A_33], %dot_general3A_32 {strides = array<i32>} : memref<6250x128xf32, #tpu.memory_space<vmem>>, vector<6250x128xf32>,
    %get3A_35 = arith.constant 0 : index
    %get3A_36 = arith.constant 0 : index
    %get3A_37 = vector.load %arg7[%get3A_35, %get3A_36] : memref<128x128xf32, #tpu.memory_space<vmem>>, vector<128x128xf32>
    %dot_general3A_38 = arith.constant dense<0.000000e+00> : vector<6250x128xf32>
    %dot_general3A_39 = tpu.matmul %max3A_27, %get3A_37, %dot_general3A_38 {dimension_numbers = #tpu.dot_dimension_numbers<[1], [0], [0], [1], [0, 0, 1, 1], [], []>, transpose_lhs_hint = false} : vector<6250x128xf32>, vector<128x128xf32>, vector<6250x128xf32> -> vector<6250x128xf32>
    %swap3A_40 = arith.constant 0 : index
    %swap3A_41 = arith.constant 0 : index
    %swap3A_42 = vector.load %arg10[%swap3A_40, %swap3A_41] : memref<6250x128xf32, #tpu.memory_space<vmem>>, vector<6250x128xf32>
    tpu.vector_store %arg10[%swap3A_40, %swap3A_41], %dot_general3A_39 {strides = array<i32>} : memref<6250x128xf32, #tpu.memory_space<vmem>>, vector<6250x128xf32>,
    %get3A_43 = arith.constant 0 : index
    %get3A_44 = arith.constant 0 : index
    %get3A_45 = vector.load %arg8[%get3A_43, %get3A_44] : memref<128x128xf32, #tpu.memory_space<vmem>>, vector<128x128xf32>
    %dot_general3A_46 = arith.constant dense<0.000000e+00> : vector<6250x128xf32>
    %dot_general3A_47 = tpu.matmul %max3A_27, %get3A_45, %dot_general3A_46 {dimension_numbers = #tpu.dot_dimension_numbers<[1], [0], [0], [1], [0, 0, 1, 1], [], []>, transpose_lhs_hint = false} : vector<6250x128xf32>, vector<128x128xf32>, vector<6250x128xf32> -> vector<6250x128xf32>
    %swap3A_48 = arith.constant 0 : index
    %swap3A_49 = arith.constant 0 : index
    %swap3A_50 = vector.load %arg11[%swap3A_48, %swap3A_49] : memref<6250x128xf32, #tpu.memory_space<vmem>>, vector<6250x128xf32>
    tpu.vector_store %arg11[%swap3A_48, %swap3A_49], %dot_general3A_47 {strides = array<i32>} : memref<6250x128xf32, #tpu.memory_space<vmem>>, vector<6250x128xf32>,
    return
  }
}

module attributes {stable_mosaic.version = 14 : i64} {
  func.func @_combine_c_body(%arg0: memref<6250x128xf32, #tpu.memory_space<vmem>>, %arg1: memref<2x6256x128xf32, #tpu.memory_space<vmem>>, %arg2: memref<1x128xf32, #tpu.memory_space<vmem>>, %arg3: memref<128x128xf32, #tpu.memory_space<vmem>>, %arg4: memref<6250x128xf32, #tpu.memory_space<vmem>>, %arg5: memref<1x128xf32, #tpu.memory_space<vmem>>) attributes {dimension_semantics = [], scalar_prefetch = 0 : i64, scratch_operands = 0 : i64, tpu.core_type = #tpu.core_type<tc>} {
    %get3A = arith.constant 0 : index
    %get3A_0 = arith.constant 0 : index
    %get3A_1 = vector.load %arg0[%get3A, %get3A_0] : memref<6250x128xf32, #tpu.memory_space<vmem>>, vector<6250x128xf32>
    %get3A_2 = arith.constant 0 : index
    %get3A_3 = arith.constant 0 : index
    %get3A_4 = arith.constant 0 : index
    %get3A_5 = vector.load %arg1[%get3A_2, %get3A_3, %get3A_4] : memref<2x6256x128xf32, #tpu.memory_space<vmem>>, vector<1x6250x128xf32>
    %get3A_6 = vector.shape_cast %get3A_5 : vector<1x6250x128xf32> to vector<6250x128xf32>
    %add3A = arith.addf %get3A_1, %get3A_6 : vector<6250x128xf32>
    %get3A_7 = arith.constant 1 : index
    %get3A_8 = arith.constant 0 : index
    %get3A_9 = arith.constant 0 : index
    %get3A_10 = vector.load %arg1[%get3A_7, %get3A_8, %get3A_9] : memref<2x6256x128xf32, #tpu.memory_space<vmem>>, vector<1x6250x128xf32>
    %get3A_11 = vector.shape_cast %get3A_10 : vector<1x6250x128xf32> to vector<6250x128xf32>
    %add3A_12 = arith.addf %add3A, %get3A_11 : vector<6250x128xf32>
    %get3A_13 = arith.constant 0 : index
    %get3A_14 = arith.constant 0 : index
    %get3A_15 = vector.load %arg2[%get3A_13, %get3A_14] : memref<1x128xf32, #tpu.memory_space<vmem>>, vector<1x128xf32>
    %add3A_16 = vector.broadcast %get3A_15 : vector<1x128xf32> to vector<6250x128xf32>
    %add3A_17 = arith.addf %add3A_12, %add3A_16 : vector<6250x128xf32>
    %max3A = arith.constant 0.000000e+00 : f32
    %max3A_18 = vector.broadcast %max3A : f32 to vector<6250x128xf32>
    %max3A_19 = arith.maximumf %add3A_17, %max3A_18 : vector<6250x128xf32>
    %get3A_20 = arith.constant 0 : index
    %get3A_21 = arith.constant 0 : index
    %get3A_22 = vector.load %arg3[%get3A_20, %get3A_21] : memref<128x128xf32, #tpu.memory_space<vmem>>, vector<128x128xf32>
    %dot_general3A = arith.constant dense<0.000000e+00> : vector<6250x128xf32>
    %dot_general3A_23 = tpu.matmul %max3A_19, %get3A_22, %dot_general3A {dimension_numbers = #tpu.dot_dimension_numbers<[1], [0], [0], [1], [0, 0, 1, 1], [], []>, transpose_lhs_hint = false} : vector<6250x128xf32>, vector<128x128xf32>, vector<6250x128xf32> -> vector<6250x128xf32>
    %swap3A = arith.constant 0 : index
    %swap3A_24 = arith.constant 0 : index
    %swap3A_25 = vector.load %arg4[%swap3A, %swap3A_24] : memref<6250x128xf32, #tpu.memory_space<vmem>>, vector<6250x128xf32>
    tpu.vector_store %arg4[%swap3A, %swap3A_24], %dot_general3A_23 {strides = array<i32>} : memref<6250x128xf32, #tpu.memory_space<vmem>>, vector<6250x128xf32>,
    %reduce_sum3A = arith.constant dense<0.000000e+00> : vector<128xf32>
    %reduce_sum3A_26 = vector.multi_reduction <add>, %max3A_19, %reduce_sum3A [0] : vector<6250x128xf32> to vector<128xf32>
    %broadcast_in_dim3A = vector.shape_cast %reduce_sum3A_26 : vector<128xf32> to vector<1x128xf32>
    %swap3A_27 = arith.constant 0 : index
    %swap3A_28 = arith.constant 0 : index
    %swap3A_29 = vector.load %arg5[%swap3A_27, %swap3A_28] : memref<1x128xf32, #tpu.memory_space<vmem>>, vector<1x128xf32>
    tpu.vector_store %arg5[%swap3A_27, %swap3A_28], %broadcast_in_dim3A {strides = array<i32>} : memref<1x128xf32, #tpu.memory_space<vmem>>, vector<1x128xf32>,
    return
  }
}

module attributes {stable_mosaic.version = 14 : i64} {
  func.func @_combine_v_body(%arg0: memref<6250x128xf32, #tpu.memory_space<vmem>>, %arg1: memref<2x6256x128xf32, #tpu.memory_space<vmem>>, %arg2: memref<1x128xf32, #tpu.memory_space<vmem>>, %arg3: memref<1x128xf32, #tpu.memory_space<vmem>>) attributes {dimension_semantics = [], scalar_prefetch = 0 : i64, scratch_operands = 0 : i64, tpu.core_type = #tpu.core_type<tc>} {
    %get3A = arith.constant 0 : index
    %get3A_0 = arith.constant 0 : index
    %get3A_1 = vector.load %arg0[%get3A, %get3A_0] : memref<6250x128xf32, #tpu.memory_space<vmem>>, vector<6250x128xf32>
    %get3A_2 = arith.constant 0 : index
    %get3A_3 = arith.constant 0 : index
    %get3A_4 = arith.constant 0 : index
    %get3A_5 = vector.load %arg1[%get3A_2, %get3A_3, %get3A_4] : memref<2x6256x128xf32, #tpu.memory_space<vmem>>, vector<1x6250x128xf32>
    %get3A_6 = vector.shape_cast %get3A_5 : vector<1x6250x128xf32> to vector<6250x128xf32>
    %add3A = arith.addf %get3A_1, %get3A_6 : vector<6250x128xf32>
    %get3A_7 = arith.constant 1 : index
    %get3A_8 = arith.constant 0 : index
    %get3A_9 = arith.constant 0 : index
    %get3A_10 = vector.load %arg1[%get3A_7, %get3A_8, %get3A_9] : memref<2x6256x128xf32, #tpu.memory_space<vmem>>, vector<1x6250x128xf32>
    %get3A_11 = vector.shape_cast %get3A_10 : vector<1x6250x128xf32> to vector<6250x128xf32>
    %add3A_12 = arith.addf %add3A, %get3A_11 : vector<6250x128xf32>
    %get3A_13 = arith.constant 0 : index
    %get3A_14 = arith.constant 0 : index
    %get3A_15 = vector.load %arg2[%get3A_13, %get3A_14] : memref<1x128xf32, #tpu.memory_space<vmem>>, vector<1x128xf32>
    %add3A_16 = vector.broadcast %get3A_15 : vector<1x128xf32> to vector<6250x128xf32>
    %add3A_17 = arith.addf %add3A_12, %add3A_16 : vector<6250x128xf32>
    %max3A = arith.constant 0.000000e+00 : f32
    %max3A_18 = vector.broadcast %max3A : f32 to vector<6250x128xf32>
    %max3A_19 = arith.maximumf %add3A_17, %max3A_18 : vector<6250x128xf32>
    %reduce_sum3A = arith.constant dense<0.000000e+00> : vector<128xf32>
    %reduce_sum3A_20 = vector.multi_reduction <add>, %max3A_19, %reduce_sum3A [0] : vector<6250x128xf32> to vector<128xf32>
    %broadcast_in_dim3A = vector.shape_cast %reduce_sum3A_20 : vector<128xf32> to vector<1x128xf32>
    %swap3A = arith.constant 0 : index
    %swap3A_21 = arith.constant 0 : index
    %swap3A_22 = vector.load %arg3[%swap3A, %swap3A_21] : memref<1x128xf32, #tpu.memory_space<vmem>>, vector<1x128xf32>
    tpu.vector_store %arg3[%swap3A, %swap3A_21], %broadcast_in_dim3A {strides = array<i32>} : memref<1x128xf32, #tpu.memory_space<vmem>>, vector<1x128xf32>,
    return
  }
}

</mosaic_0001>

<sc_bundles>
// kernel: kernel.12.cloned.1.call-start
scs
__scs_entry_jumppad:
0x0: {  	(pc) =	sbr.rel $0x88, $3  }
0x1: {  	(tag) =	ssettag $0x0;
	lr =	simm.s32 $0x1  }
0x2: {  	[smem:$0x3F8D] =	sst lr;
	_ =	strace $0xD0000000  }
0x3: {  	_ = 	snop  }
0x4: {  	_ = 	snop  }
0x5: {  	_ = 	snop  }
0x6: {  	_ = 	snop  }
0x7: {  	_ = 	snop  }
__scs_overlays_trampoline_lowered:
0x8: {  	[smem:$0x3F9C] =	sst s0  }
0x9: {  	[smem:$0x3F9D] =	sst s1  }
0xa: {  	[smem:$0x3F9E] =	sst s2  }
0xb: {  	[smem:$0x3F9F] =	sst s3  }
0xc: {  	[smem:$0x3FA0] =	sst s4  }
0xd: {  	[smem:$0x3FA1] =	sst s5  }
0xe: {  	[smem:$0x3FA2] =	sst s6  }
0xf: {  	[smem:$0x3FA3] =	sst s7  }
0x10: {  	[smem:$0x3FA4] =	sst s8  }
0x11: {  	[smem:$0x3FA5] =	sst s9;
	s0 =	simm.s32 @!p0 $0x0  }
0x12: {  	s1 =	sld [smem:$0x3F8B];
	s0 =	simm.s32 @p0 $0x1  }
0x13: {  	[smem:$0x3FA6] =	sst s0;
	s0 =	simm.s32 @!p1 $0x0  }
0x14: {  	s2 =	sld [smem:$0x3F8A];
	s0 =	simm.s32 @p1 $0x1  }
0x15: {  	[smem:$0x3FA7] =	sst s0;
	s0 =	simm.s32 @!p2 $0x0  }
0x16: {  	s3 =	sld [smem:$0x3FDB];
	s0 =	simm.s32 @p2 $0x1  }
0x17: {  	s4 =	simm.s32 $0x1BF5;
	[smem:$0x3FA9] =	sst s0  }
0x18: {  	s0 =	sld [smem:$0x3F8C];
	_ =	swait.ge [sflag:s4], $0x0  }
0x19: {  	s7 =	sld [smem:$0x3F8D]  }
0x1a: {  	s8 =	sadd.s32 $0xFFFFE003, lr  }
0x1b: {  	s9 =	sadd.s32 $0xFFFFFEF7, lr;
	s5 =	simm.s32 $0xFFFFFFFF;
	p2 =	slt.u32 s8, $0xFFFFF086  }
0x1c: {  	p1 =	slt.u32 s9, $0xF7A;
	s5 =	simm.s32 @!p2 $0x0  }
0x1d: {  	s5 =	simm.s32 @p1 $0x1;
	p0 =	seq.s32 s7, s2  }
0x1e: {  	s7 =	smul.u32 @!p0 $0xF7A, s2;
	p2 =	seq.s32 @!p0 s5, $0x0  }
0x1f: {  	s9 =	smul.u32 $0xF7A, s1;
	s8 =	simm.s32 @!p0 $0x1BF5;
	p2 =	por !p2, p0  }
0x20: {  	[sflag:s8] =	ssyncset.s32 @!p0 $0xFFFFF086;
	s6 =	sadd.s32 @!p0 s3, s7;
	s7 =	simm.s32 @!p0 $0x108  }
0x21: {  	s3 =	sadd.s32 s3, s9;
	s6 =	sadd.s32 @!p0 $0x88, s6;
	s7 =	simm.s32 @p2 $0x1082  }
0x22: {  	[simem:s7], [sflag:s8] =	dma.local @!p0 [hbm:s6], $0xF7A  }
0x23: {  	s9 =	sor.u32 $0xD0000000, s2;
	s6 =	simm.s32 $0x108;
	_ =	swait.ge @!p0 [sflag:s8], $0x0  }
0x24: {  	s3 =	sadd.s32 $0x88, s3;
	s6 =	simm.s32 @!p1 $0x1082;
	[sflag:s4] =	ssyncset.s32 $0xFFFFF086  }
0x25: {  	[simem:s6], [sflag:s4] =	dma.local [hbm:s3], $0xF7A  }
0x26: {  	[smem:$0x3F8D] =	sst s1;
	(tag) =	ssettag s2;
	_ =	strace s9  }
0x27: {  	s1 =	sld [smem:$0x3F9D]  }
0x28: {  	s2 =	sld [smem:$0x3F9E]  }
0x29: {  	s4 =	sld [smem:$0x3FA0]  }
0x2a: {  	p0 =	seq.s32 s5, $0x0;
	s5 =	sld [smem:$0x3FA1]  }
0x2b: {  	s6 =	sld [smem:$0x3FA2]  }
0x2c: {  	s7 =	sld [smem:$0x3FA3]  }
0x2d: {  	s3 =	simm.s32 $0x108;
	s8 =	sld [smem:$0x3FA4]  }
0x2e: {  	s3 =	simm.s32 @!p0 $0x1082;
	s9 =	sld [smem:$0x3FA5]  }
0x2f: {  	lr =	sadd.s32 s0, s3;
	s0 =	sld [smem:$0x3F9C]  }
0x30: {  	s3 =	sld [smem:$0x3F9F]  }
0x31: {  	[smem:$0x3FA8] =	sst s10  }
0x32: {  	s10 =	sld [smem:$0x3FA6];
	_ =	sdelay $0x3  }
0x33: {  	p0 =	seq.s32 s10, $0x1;
	s10 =	sld [smem:$0x3FA8];
	_ =	sdelay $0x3  }
0x34: {  	[smem:$0x3FA8] =	sst s10  }
0x35: {  	s10 =	sld [smem:$0x3FA7];
	_ =	sdelay $0x3  }
0x36: {  	p1 =	seq.s32 s10, $0x1;
	s10 =	sld [smem:$0x3FA8];
	_ =	sdelay $0x3  }
0x37: {  	[smem:$0x3FA8] =	sst s10  }
0x38: {  	s10 =	sld [smem:$0x3FA9]  }
0x39: {  	_ = 	snop;
	(pc) =	sbr.ind lr, $3  }
0x3a: {  	_ = 	snop  }
0x3b: {  	_ = 	snop  }
0x3c: {  	p2 =	seq.s32 s10, $0x1;
	s10 =	sld [smem:$0x3FA8]  }
0x3d: {  	_ =	shalt  }
0x3e: {  	_ =	shalt  }
0x3f: {  	_ =	shalt  }
0x40: {  	_ =	shalt  }
0x41: {  	_ =	shalt  }
0x42: {  	_ =	shalt  }
0x43: {  	_ =	shalt  }
0x44: {  	_ =	shalt  }
0x45: {  	_ =	shalt  }
0x46: {  	_ =	shalt  }
0x47: {  	_ =	shalt  }
0x48: {  	_ =	shalt  }
0x49: {  	_ =	shalt  }
0x4a: {  	_ =	shalt  }
0x4b: {  	_ =	shalt  }
0x4c: {  	_ =	shalt  }
0x4d: {  	_ =	shalt  }
0x4e: {  	_ =	shalt  }
0x4f: {  	_ =	shalt  }
0x50: {  	_ =	shalt  }
0x51: {  	_ =	shalt  }
0x52: {  	_ =	shalt  }
0x53: {  	_ =	shalt  }
0x54: {  	_ =	shalt  }
0x55: {  	_ =	shalt  }
0x56: {  	_ =	shalt  }
0x57: {  	_ =	shalt  }
0x58: {  	_ =	shalt  }
0x59: {  	_ =	shalt  }
0x5a: {  	_ =	shalt  }
0x5b: {  	_ =	shalt  }
0x5c: {  	_ =	shalt  }
0x5d: {  	_ =	shalt  }
0x5e: {  	_ =	shalt  }
0x5f: {  	_ =	shalt  }
0x60: {  	_ =	shalt  }
0x61: {  	_ =	shalt  }
0x62: {  	_ =	shalt  }
0x63: {  	_ =	shalt  }
0x64: {  	_ =	shalt  }
0x65: {  	_ =	shalt  }
0x66: {  	_ =	shalt  }
0x67: {  	_ =	shalt  }
0x68: {  	_ =	shalt  }
0x69: {  	_ =	shalt  }
0x6a: {  	_ =	shalt  }
0x6b: {  	_ =	shalt  }
0x6c: {  	_ =	shalt  }
0x6d: {  	_ =	shalt  }
0x6e: {  	_ =	shalt  }
0x6f: {  	_ =	shalt  }
0x70: {  	_ =	shalt  }
0x71: {  	_ =	shalt  }
0x72: {  	_ =	shalt  }
0x73: {  	_ =	shalt  }
0x74: {  	_ =	shalt  }
0x75: {  	_ =	shalt  }
0x76: {  	_ =	shalt  }
0x77: {  	_ =	shalt  }
0x78: {  	_ =	shalt  }
0x79: {  	_ =	shalt  }
0x7a: {  	_ =	shalt  }
0x7b: {  	_ =	shalt  }
0x7c: {  	_ =	shalt  }
0x7d: {  	_ =	shalt  }
0x7e: {  	_ =	shalt  }
0x7f: {  	_ =	shalt  }
0x80: {  	_ =	shalt  }
0x81: {  	_ =	shalt  }
0x82: {  	_ =	shalt  }
0x83: {  	_ =	shalt  }
0x84: {  	_ =	shalt  }
0x85: {  	_ =	shalt  }
0x86: {  	_ =	shalt  }
0x87: {  	_ =	shalt  }
.Lfunc_end0:
.L_simem_size_0:
called_computation.1_lowered:
.L_overlay_start_0:
0x88: {  	s2 =	sld [smem:$0x3FD9]  }
0x89: {  	s3 =	sld [smem:$0x3FFE];
	_ =	sdelay $0x1  }
0x8a: {  	s1 =	srdreg.scid  }
0x8b: {  	s0 =	sand.u32 $0x1, s1  }
0x8c: {  	s16 =	sshll.u32 s0, $0xA;
	s2 =	sadd.s32 s3, s2  }
0x8d: {  	s2 =	sadd.s32 s2, s16  }
0x8e: {  	[smem:$0x3FB4] =	sst s2  }
0x8f: {  	_ = 	snop  }
0x90: {  	(tm) =	ssettm $0x1  }
0x91: {  	s17 =	sld [smem:$0x3FFB];
	_ =	sdelay $0x3  }
0x92: {  	_ =	strace s17  }
0x93: {  	s2 =	sld [smem:$0x3FFC];
	_ =	sdelay $0x3  }
0x94: {  	_ =	strace s2  }
0x95: {  	s2 =	sld [smem:$0x3FFD];
	_ =	sdelay $0x3  }
0x96: {  	_ =	strace s2  }
0x97: {  	_ =	strace $0x8FFFFFFF  }
0x98: {  	s18 =	sld [smem:$0x3FDB];
	_ =	sdelay $0x1  }
0x99: {  	s19 =	simm.s32 $_scs_section_size  }
0x9a: {  	s4 =	simm.s32 $_size__tile_overlayer_lowered;
	s5 =	simm.s32 $_tile_overlayer_lowered  }
0x9b: {  	s22 =	simm.s32 $0x1BFF;
	s21 =	sshll.u32 s5, $0x1;
	s2 =	sadd.s32 s19, s18  }
0x9c: {  	s6 =	simm.s32 $0x0;
	s20 =	sshll.u32 s4, $0x1;
	s4 =	sadd.s32 s21, s2  }
0x9d: {  	[timem:s6], [sflag:s22] =	dma.local [hbm:s4], s20  }
0x9e: {  	_ =	swait.ge [sflag:s22], s20  }
0x9f: {  	s3 =	ssub.s32 $0x0, s20;
	[sflag:s22] =	ssyncset.done $0x0  }
0xa0: {  	[sflag:s22] =	ssyncadd.s32 s3;
	_ =	sdelay $0x1  }
0xa1: {  	s23 =	simm.s32 $0x1B8B  }
0xa2: {  	_ =	swait.ge [sflag:s23], $0x1  }
0xa3: {  	[sflag:s23] =	ssyncset.done $0x0  }
0xa4: {  	s25 =	simm.s32 $0x1B8E;
	s24 =	sld [smem:$0x3FFE];
	[sflag:s23] =	ssyncadd.s32 $0xFFFFFFFF  }
0xa5: {  	s26 =	simm.s32 $execute0_lowered;
	[smem:$0x3FD2] =	sst s25  }
0xa6: {  	s4 =	sshll.u32 s26, $0x1;
	_ =	strace $0x80000049;
	[dreg:$0x1] =	wrdreg $0xFFFFFFFF  }
0xa7: {  	s28 =	simm.s32 $_size_execute0_lowered;
	s2 =	sadd.s32 s2, s4;
	[dreg:$0x0] =	wrdreg $0x0  }
0xa8: {  	s4 =	sshll.u32 s28, $0x1;
	[dreg:$0x2] =	wrdreg s2  }
0xa9: {  	[dreg:$0x3] =	wrdreg s4  }
0xaa: {  	[dreg:$0x4] =	wrdreg $0xC0  }
0xab: {  	_ =	task [dreg:s6], $0x5FFFF  }
0xac: {  	[dreg:$0x1] =	wrdreg $0xFFFFFFFF  }
0xad: {  	[dreg:$0x0] =	wrdreg $0x60  }
0xae: {  	[dreg:$0x2] =	wrdreg s24  }
0xaf: {  	[dreg:$0x3] =	wrdreg $0x55000  }
0xb0: {  	[dreg:$0x4] =	wrdreg $0x9  }
0xb1: {  	_ =	task.clear_ibuf [dreg:s6], $0x5FFFF;
	_ =	strace $0x90000049  }
0xb2: {  	s29 =	simm.s32 $0x9;
	_ =	strace $0x8000004B  }
0xb3: {  	_ =	swait.ge [sflag:s29], $0x1  }
0xb4: {  	[sflag:s29] =	ssyncadd.s32 $0xFFFFFFFF  }
0xb5: {  	_ =	strace $0x9000004B  }
0xb6: {  	_ =	sfence  }
0xb7: {  	s30 =	sld [smem:$0x0];
	_ =	sdelay $0x2  }
0xb8: {  	s31 =	sshll.u32 s1, $0xD;
	s1 =	sshrl.u32 s1, $0x2  }
0xb9: {  	s3 =	sand.u32 $0x4000, s31;
	s1 =	sadd.s32 s1, s30  }
0xba: {  	s0 =	sor.u32 s3, s0;
	s1 =	sshll.u32 s1, $0x11  }
0xbb: {  	s0 =	sor.u32 s1, s0  }
0xbc: {  	s0 =	sadd.s32 $0x8F2B, s0  }
0xbd: {  	[sflag:s0] =	ssyncadd.remote.s32 $0x1  }
0xbe: {  	_ =	sfence.sel $0xFFFF  }
0xbf: {  	[dreg:$0x0] =	wrdreg $0xFFFFFFFF;
	(pc) =	sbr.abs _section_cstart, $3  }
0xc0: {  	[dreg:$0x1] =	wrdreg $0xFFFFFFFF  }
0xc1: {  	_ =	task.clear_ibuf [dreg:s6], $0x2FFFF;
	_ =	strace $0x9FFFFFFF  }
0xc2: {  	(tm) =	ssettm $0x7FFFFFFF  }
0xc3: {  	_ =	shalt  }
tec
execute0_lowered:
.L_overlay_start_1:
0x0: {  	(tag) =	ssettag $0x1  }
0x1: {  	s0 =	rddreg [dreg:$0x0]  }
0x2: {  	s1 =	rddreg [dreg:$0x1];
	s2 =	simm.s32 $0x0;
	s3 =	srdreg.scid  }
0x3: {  	s12 =	stileid.u32;
	s15 =	simm.s32 $0x500;
	s16 =	simm.s32 $0x2  }
0x4: {  	s17 =	simm.s32 $0x3;
	s18 =	simm.s32 $0x280;
	s28 =	simm.s32 $0x180  }
0x5: {  	s29 =	simm.s32 $0x1D00;
	s30 =	simm.s32 $0x200;
	s31 =	simm.s32 $0x2500  }
0x6: {  	[smem:$0x7FF] =	sst s2;
	s4 =	sand.u32 $0x1, s3;
	s5 =	sadd.s32 $0x715400, s0  }
0x7: {  	s6 =	sadd.s32 $0x6600, s0;
	s9 =	smul.u32 $0x30E00, s12;
	s7 =	sadd.s32 $0x75EA00, s0  }
0x8: {  	s11 =	smul.u32 $0xC380, s12;
	_ =	strace $0x8000004A;
	s8 =	ssub.s32 $0x2, s4  }
0x9: {  	s3 =	smul.u32 $0x18700, s4;
	s10 =	sshrl.u32 s8, $0x1;
	s20 =	sshrl.u32 s9, $0x2  }
0xa: {  	s21 =	sadd.s32 s11, s1;
	s26 =	sshrl.u32 s11, $0x3;
	s11 =	simm.s32 $0x480  }
0xb: {  	s0 =	sadd.s32 s3, s0;
	s19 =	ssub.s32 s8, s10;
	s10 =	sadd.s32 s20, s1  }
0xc: {  	s8 =	sshll.u32 s12, $0x1;
	[dreg:$0x4] =	wrdreg s21;
	s22 =	sadd.s32 $0x2800, s10  }
0xd: {  	s21 =	simm.s32 $0x80;
	s23 =	sadd.s32 $0x5000, s10;
	[dreg:$0x5] =	wrdreg s22  }
0xe: {  	s24 =	sadd.s32 $0x7800, s10;
	s25 =	sadd.s32 $0xA000, s10;
	[dreg:$0x6] =	wrdreg s23  }
.Ltmp0:
0xf: {  	s0 =	sadd.s32 $0x72DC00, s0;
	[dreg:$0x7] =	wrdreg s24;
	(pc) =	sbr.rel .LBB2_1-.Ltmp0, $4  }
0x10: {  	s3 =	smax.u32 s19, $0x1;
	s19 =	simm.s32 $0x1;
	[dreg:$0x8] =	wrdreg s25  }
0x11: {  	s10 =	simm.s32 $0x400;
	[dreg:$0x9] =	wrdreg s3;
	s23 =	simm.s32 $0xD00  }
0x12: {  	s0 =	sadd.s32 s26, s0;
	s25 =	simm.s32 $0x100;
	s26 =	simm.s32 $0x1500  }
0x13: {  	v0 =	vimm.f32 $0.0e+00;
	s3 =	simm.s32 $0x380;
	[dreg:$0xa] =	wrdreg s0;
	s0 =	simm.s32 $0x300  }
.LBB2_9:
0x14: {  	s2 =	stileid.u32;
	[bflag:$0x0] =	sbarrier.arrive $0xFFFF  }
0x15: {  	s2 =	sshll.u32 s2, $0x6;
	s9 =	rddreg [dreg:$0x4]  }
0x16: {  	s12 =	rddreg [dreg:$0xa];
	s2 =	sor.u32 $0x1C02, s2;
	s9 =	sshrl.u32 s9, $0x3  }
0x17: {  	[hbm:s12], [sflag:s2] =	dma.local [spmem:s9], $0x1870  }
0x18: {  	_ =	swait.ge [sflag:s16], $0x1870  }
0x19: {  	s22 =	rddreg [dreg:$0x3]  }
0x1a: {  	s24 =	rddreg [dreg:$0x9];
	s2 =	sadd.s32 $0x1, s22  }
0x1b: {  	p0 =	sne.s32 s2, s24  }
.Ltmp1:
0x1c: {  	_ = 	snop;
	(pc) =	sbr.rel @!p0 .LBB2_10-.Ltmp1, $3  }
0x1d: {  	_ =	sdelay $0x1  }
0x1e: {  	[sflag:s16] =	ssyncset.done $0x0  }
0x1f: {  	[sflag:s16] =	ssyncadd.s32 $0xFFFFE790  }
.LBB2_1:
0x20: {  	s12 =	simm.s32 $0x40;
	s13 =	simm.s32 $0x0  }
.LBB2_2:
0x21: {  	p0 =	sne.s32 s12, $0x9FC0;
	[tilespmem:s13+$0x500] =	vst v0;
	s13 =	smov.u32 s12;
	s12 =	sadd.s32 $0x40, s12  }
.Ltmp2:
0x22: {  	(pc) =	sbr.rel @p0 .LBB2_2-.Ltmp2, $2  }
0x23: {  	_ =	sdelay $0x2  }
0x24: {  	s13 =	sshra.s32 s13, $0x2  }
0x25: {  	[dreg:$0x3] =	wrdreg s2  }
0x26: {  	[tilespmem:s13+$0x500] =	vst v0;
	s13 =	rddreg [dreg:$0x4]  }
0x27: {  	[spmem:s13] =	stream.linear.scatter [tilespmem:s15], [sflag:$0x2], $0x2800, $0x38;
	[tilespmem:$0x11880] =	vst v63  }
0x28: {  	_ =	swait.ge [sflag:s16], $0x2800  }
0x29: {  	[sflag:s16] =	ssyncset.done $0x0  }
0x2a: {  	s14 =	rddreg [dreg:$0x5];
	[sflag:s16] =	ssyncadd.s32 $0xFFFFD800  }
0x2b: {  	[spmem:s14] =	stream.linear.scatter [tilespmem:s15], [sflag:$0x2], $0x2800, $0x38;
	[tilespmem:$0x11880] =	vst v63  }
0x2c: {  	_ =	swait.ge [sflag:s16], $0x2800  }
0x2d: {  	[sflag:s16] =	ssyncset.done $0x0  }
0x2e: {  	s20 =	rddreg [dreg:$0x6];
	[sflag:s16] =	ssyncadd.s32 $0xFFFFD800  }
0x2f: {  	[spmem:s20] =	stream.linear.scatter [tilespmem:s15], [sflag:$0x2], $0x2800, $0x38;
	[tilespmem:$0x11880] =	vst v63  }
0x30: {  	_ =	swait.ge [sflag:s16], $0x2800  }
0x31: {  	[sflag:s16] =	ssyncset.done $0x0  }
0x32: {  	s22 =	rddreg [dreg:$0x7];
	[sflag:s16] =	ssyncadd.s32 $0xFFFFD800  }
0x33: {  	[spmem:s22] =	stream.linear.scatter [tilespmem:s15], [sflag:$0x2], $0x2800, $0x38;
	[tilespmem:$0x11880] =	vst v63  }
0x34: {  	_ =	swait.ge [sflag:s16], $0x2800  }
0x35: {  	[sflag:s16] =	ssyncset.done $0x0  }
0x36: {  	s24 =	rddreg [dreg:$0x8];
	[sflag:s16] =	ssyncadd.s32 $0xFFFFD800  }
0x37: {  	[spmem:s24] =	stream.linear.scatter [tilespmem:s15], [sflag:$0x2], $0x2380, $0x38;
	[tilespmem:$0x11880] =	vst v63  }
.Ltmp3:
0x38: {  	_ =	swait.ge [sflag:s16], $0x2380;
	(pc) =	sbr.rel .LBB2_4-.Ltmp3, $4  }
0x39: {  	[sflag:s16] =	ssyncset.done $0x0  }
0x3a: {  	[sflag:s16] =	ssyncadd.s32 $0xFFFFDC80  }
0x3b: {  	[bflag:$0x0] =	sbarrier.arrive $0xFFFF  }
0x3c: {  	s12 =	simm.s32 $0x0  }
.LBB2_8:
0x3d: {  	s12 =	sadd.s32 $0x1, s12  }
0x3e: {  	p0 =	sne.s32 s12, $0x9D  }
.Ltmp4:
0x3f: {  	_ = 	snop;
	(pc) =	sbr.rel @!p0 .LBB2_9-.Ltmp4, $1  }
0x40: {  	_ =	sdelay $0x3  }
.LBB2_4:
0x41: {  	s13 =	sshll.u32 s12, $0x5  }
0x42: {  	s13 =	sor.u32 s8, s13  }
0x43: {  	p0 =	sgt.u32 s13, $0x1387  }
.Ltmp5:
0x44: {  	_ = 	snop;
	(pc) =	sbr.rel @p0 .LBB2_8-.Ltmp5, $1  }
0x45: {  	_ =	sdelay $0x3  }
0x46: {  	s14 =	sor.u32 s4, s13  }
0x47: {  	s24 =	smul.u32 $0x280, s14  }
0x48: {  	s2 =	smulhi.u32 $0x51EB851F, s14  }
0x49: {  	s9 =	simm.s32 $0x0  }
0x4a: {  	s13 =	sand.u32 $0xFFF8, s13;
	s24 =	sshrl.u32 s24, $0x3;
	s20 =	sshrl.u32 s2, $0x3  }
0x4b: {  	s13 =	sshrl.u32 s13, $0x3;
	s24 =	sadd.s32 s6, s24;
	s22 =	sand.u32 $0x7, s20  }
0x4c: {  	[tilespmem:s9], [sflag:$0x3] =	stream.linear.gather [hbm4b:s24+s9], $0x280, $0x38;
	[tilespmem:$0x11880] =	vst v63  }
0x4d: {  	p0 =	slt.u32 s14, $0x19;
	s13 =	smul.u32 $0x147B, s13;
	p1 =	sne.s32 s22, $0x0  }
0x4e: {  	s20 =	smul.u32 $0x19, s20;
	p0 =	por !p0, !p1  }
0x4f: {  	s13 =	sshrl.u32 s13, $0x11;
	s22 =	simm.s32 $0x1;
	p0 =	por !p0, !p0  }
0x50: {  	_ =	swait.ge [sflag:s17], $0x280;
	s14 =	ssub.s32 s14, s20;
	s22 =	simm.s32 @!p0 $0x0  }
0x51: {  	[sflag:s17] =	ssyncset.done $0x0;
	s14 =	smul.u32 $0x280, s14;
	s13 =	ssub.s32 s13, s22  }
0x52: {  	s24 =	sadd.s32 $0x61A80, s24;
	[sflag:s17] =	ssyncadd.s32 $0xFFFFFD80;
	s13 =	smul.u32 $0x3E80, s13  }
0x53: {  	[tilespmem:s18], [sflag:$0x3] =	stream.linear.gather [hbm4b:s24+s9], $0x280, $0x38;
	[tilespmem:$0x11880] =	vst v63  }
0x54: {  	s2 =	sshll.u32 s2, $0x1;
	s13 =	sadd.s32 s14, s13  }
0x55: {  	s2 =	sand.u32 $0x70, s2;
	s13 =	sshll.u32 s13, $0x7  }
0x56: {  	_ =	swait.ge [sflag:s17], $0x280;
	s2 =	sor.u32 s2, s13  }
0x57: {  	s22 =	simm.s32 $0x10;
	[sflag:s17] =	ssyncset.done $0x0;
	s2 =	sshrl.u32 s2, $0x3  }
0x58: {  	s24 =	simm.s32 $0x2D00;
	[sflag:s17] =	ssyncadd.s32 $0xFFFFFD80;
	s2 =	sadd.s32 s7, s2  }
0x59: {  	[tilespmem:s24], [sflag:$0x3] =	stream.strided.gather [hbm4b:s2+s22], $0x2800, s21, s22, $0x38;
	[tilespmem:$0x11880] =	vst v63  }
0x5a: {  	_ =	swait.ge [sflag:s17], $0x2800  }
0x5b: {  	[sflag:s17] =	ssyncset.done $0x0  }
0x5c: {  	[sflag:s17] =	ssyncadd.s32 $0xFFFFD800  }
0x5d: {  	[tilespmem:s15], [sflag:$0x1] =	stream.indirect.gather [hbm4b:s5+s21], $0x10, s9, s21, $0xb8;
	[tilespmem:$0x11880] =	vst v63  }
0x5e: {  	_ = 	snop  }
0x5f: {  	[tilespmem:s23], [sflag:$0x1] =	stream.indirect.gather [hbm4b:s5+s21], $0x10, s21, s21, $0xb8;
	[tilespmem:$0x11880] =	vst v63  }
0x60: {  	_ = 	snop  }
0x61: {  	[tilespmem:s26], [sflag:$0x1] =	stream.indirect.gather [hbm4b:s5+s21], $0x10, s25, s21, $0xb8;
	[tilespmem:$0x11880] =	vst v63  }
0x62: {  	_ = 	snop  }
0x63: {  	[tilespmem:s29], [sflag:$0x1] =	stream.indirect.gather [hbm4b:s5+s21], $0x10, s28, s21, $0xb8;
	[tilespmem:$0x11880] =	vst v63  }
0x64: {  	_ = 	snop  }
0x65: {  	[tilespmem:s31], [sflag:$0x1] =	stream.indirect.gather [hbm4b:s5+s21], $0x10, s30, s21, $0xb8;
	[tilespmem:$0x11880] =	vst v63  }
0x66: {  	_ =	swait.ge [sflag:s19], $0x800  }
0x67: {  	[sflag:s19] =	ssyncset.done $0x0  }
0x68: {  	[sflag:s19] =	ssyncadd.s32 $0xFFFFF800  }
0x69: {  	_ =	swait.ge [sflag:s19], $0x800  }
0x6a: {  	[sflag:s19] =	ssyncset.done $0x0  }
0x6b: {  	[sflag:s19] =	ssyncadd.s32 $0xFFFFF800  }
0x6c: {  	_ =	swait.ge [sflag:s19], $0x800  }
0x6d: {  	[sflag:s19] =	ssyncset.done $0x0  }
0x6e: {  	[sflag:s19] =	ssyncadd.s32 $0xFFFFF800  }
0x6f: {  	_ =	swait.ge [sflag:s19], $0x800  }
0x70: {  	[sflag:s19] =	ssyncset.done $0x0  }
0x71: {  	[sflag:s19] =	ssyncadd.s32 $0xFFFFF800  }
0x72: {  	_ =	swait.ge [sflag:s19], $0x800  }
0x73: {  	[sflag:s19] =	ssyncset.done $0x0  }
0x74: {  	s13 =	simm.s32 $0x0;
	[sflag:s19] =	ssyncadd.s32 $0xFFFFF800  }
0x75: {  	v7 =	vld [tilespmem:s13+$0x2D00]  }
0x76: {  	v12 =	vld [tilespmem:s13+$0x2D10]  }
0x77: {  	v6 =	vld [tilespmem:s13+$0x2D20]  }
0x78: {  	v5 =	vld [tilespmem:s13+$0x2D30]  }
0x79: {  	v4 =	vld [tilespmem:s13+$0x2D40]  }
0x7a: {  	v3 =	vld [tilespmem:s13+$0x2D50]  }
0x7b: {  	v2 =	vld [tilespmem:s13+$0x2D60]  }
0x7c: {  	v1 =	vld [tilespmem:s13+$0x2D70]  }
0x7d: {  	v13 =	vld [tilespmem:s13+$0x500]  }
0x7e: {  	v14 =	vld [tilespmem:s13+$0x510]  }
0x7f: {  	v11 =	vld [tilespmem:s13+$0x520]  }
0x80: {  	v10 =	vld [tilespmem:s13+$0x530]  }
0x81: {  	v9 =	vld [tilespmem:s13+$0x540]  }
0x82: {  	v8 =	vld [tilespmem:s13+$0x550];
	v13 =	vadd.f32 v7, v13  }
0x83: {  	s14 =	simm.s32 $0x200;
	v12 =	vadd.f32 v12, v14;
	v7 =	vld [tilespmem:s13+$0x560]  }
.LBB2_6:
0x84: {  	s2 =	sshra.s32 s14, $0x2;
	p0 =	sne.s32 s14, $0x9E00;
	v13 =	vmax.f32 v13, $0.0e+00;
	v6 =	vadd.f32 v6, v11;
	v11 =	vld [tilespmem:s13+$0x570]  }
0x85: {  	v14 =	vld [tilespmem:s2+$0x2D00];
	[tilespmem:s13+$0x500] =	vst v13;
	v12 =	vmax.f32 v12, $0.0e+00;
	v5 =	vadd.f32 v5, v10  }
0x86: {  	v15 =	vld [tilespmem:s2+$0x2D10];
	[tilespmem:s13+$0x510] =	vst v12;
	v10 =	vmax.f32 v6, $0.0e+00;
	v4 =	vadd.f32 v4, v9  }
0x87: {  	v6 =	vld [tilespmem:s2+$0x2D20];
	[tilespmem:s13+$0x520] =	vst v10;
	v9 =	vmax.f32 v5, $0.0e+00;
	v3 =	vadd.f32 v3, v8  }
0x88: {  	v5 =	vld [tilespmem:s2+$0x2D30];
	[tilespmem:s13+$0x530] =	vst v9;
	v8 =	vmax.f32 v4, $0.0e+00;
	v2 =	vadd.f32 v2, v7  }
0x89: {  	v4 =	vld [tilespmem:s2+$0x2D40];
	[tilespmem:s13+$0x540] =	vst v8;
	v7 =	vmax.f32 v3, $0.0e+00;
	v1 =	vadd.f32 v1, v11  }
0x8a: {  	v3 =	vld [tilespmem:s2+$0x2D50];
	[tilespmem:s13+$0x550] =	vst v7;
	v7 =	vmax.f32 v2, $0.0e+00  }
0x8b: {  	v2 =	vld [tilespmem:s2+$0x2D60];
	[tilespmem:s13+$0x560] =	vst v7;
	v7 =	vmax.f32 v1, $0.0e+00  }
0x8c: {  	v1 =	vld [tilespmem:s2+$0x2D70];
	[tilespmem:s13+$0x570] =	vst v7;
	s13 =	smov.u32 s2  }
0x8d: {  	v7 =	vld [tilespmem:s13+$0x500]  }
0x8e: {  	v12 =	vld [tilespmem:s13+$0x510]  }
.Ltmp6:
0x8f: {  	v11 =	vld [tilespmem:s13+$0x520];
	(pc) =	sbr.rel @p0 .LBB2_6-.Ltmp6, $4  }
0x90: {  	v10 =	vld [tilespmem:s13+$0x530]  }
0x91: {  	v9 =	vld [tilespmem:s13+$0x540]  }
0x92: {  	v13 =	vadd.f32 v14, v7;
	v8 =	vld [tilespmem:s13+$0x550]  }
0x93: {  	s14 =	sadd.s32 $0x200, s14;
	v12 =	vadd.f32 v15, v12;
	v7 =	vld [tilespmem:s13+$0x560]  }
0x94: {  	v13 =	vmax.f32 v13, $0.0e+00;
	v6 =	vadd.f32 v6, v11;
	v63 =	vld [tilespmem:s13+$0x570]  }
0x95: {  	[tilespmem:s13+$0x500] =	vst v13;
	v12 =	vmax.f32 v12, $0.0e+00;
	v5 =	vadd.f32 v5, v10  }
0x96: {  	[tilespmem:s13+$0x510] =	vst v12;
	v6 =	vmax.f32 v6, $0.0e+00;
	v4 =	vadd.f32 v4, v9  }
0x97: {  	[tilespmem:s13+$0x520] =	vst v6;
	v5 =	vmax.f32 v5, $0.0e+00;
	v3 =	vadd.f32 v3, v8  }
0x98: {  	[tilespmem:s13+$0x530] =	vst v5;
	v4 =	vmax.f32 v4, $0.0e+00;
	v2 =	vadd.f32 v2, v7  }
0x99: {  	[tilespmem:s13+$0x540] =	vst v4;
	v3 =	vmax.f32 v3, $0.0e+00;
	v1 =	vadd.f32 v1, v63  }
0x9a: {  	[tilespmem:s13+$0x550] =	vst v3;
	v2 =	vmax.f32 v2, $0.0e+00  }
0x9b: {  	[tilespmem:s13+$0x560] =	vst v2;
	v1 =	vmax.f32 v1, $0.0e+00  }
0x9c: {  	[tilespmem:s13+$0x570] =	vst v1  }
0x9d: {  	[spmem:s1] =	stream.indirect.scatter.add.f32 [tilespmem:s15], [sflag:$0x3], $0x10, s18, s21, $0xb8;
	[tilespmem:$0x11880] =	vst v63  }
0x9e: {  	_ =	swait.ge [sflag:s17], $0x800  }
0x9f: {  	[sflag:s17] =	ssyncset.done $0x0  }
0xa0: {  	[sflag:s17] =	ssyncadd.s32 $0xFFFFF800  }
0xa1: {  	[spmem:s1] =	stream.indirect.scatter.add.f32 [tilespmem:s23], [sflag:$0x3], $0x10, s0, s21, $0xb8;
	[tilespmem:$0x11880] =	vst v63  }
0xa2: {  	_ =	swait.ge [sflag:s17], $0x800  }
0xa3: {  	[sflag:s17] =	ssyncset.done $0x0  }
0xa4: {  	[sflag:s17] =	ssyncadd.s32 $0xFFFFF800  }
0xa5: {  	[spmem:s1] =	stream.indirect.scatter.add.f32 [tilespmem:s26], [sflag:$0x3], $0x10, s3, s21, $0xb8;
	[tilespmem:$0x11880] =	vst v63  }
0xa6: {  	_ =	swait.ge [sflag:s17], $0x800  }
0xa7: {  	[sflag:s17] =	ssyncset.done $0x0  }
0xa8: {  	[sflag:s17] =	ssyncadd.s32 $0xFFFFF800  }
0xa9: {  	[spmem:s1] =	stream.indirect.scatter.add.f32 [tilespmem:s29], [sflag:$0x3], $0x10, s10, s21, $0xb8;
	[tilespmem:$0x11880] =	vst v63  }
0xaa: {  	_ =	swait.ge [sflag:s17], $0x800  }
0xab: {  	[sflag:s17] =	ssyncset.done $0x0  }
.Ltmp7:
0xac: {  	[sflag:s17] =	ssyncadd.s32 $0xFFFFF800;
	(pc) =	sbr.rel .LBB2_8-.Ltmp7, $4  }
0xad: {  	[spmem:s1] =	stream.indirect.scatter.add.f32 [tilespmem:s31], [sflag:$0x2], $0x10, s11, s21, $0xb8;
	[tilespmem:$0x11880] =	vst v63  }
0xae: {  	_ =	swait.ge [sflag:s16], $0x800  }
0xaf: {  	[sflag:s16] =	ssyncset.done $0x0  }
0xb0: {  	[sflag:s16] =	ssyncadd.s32 $0xFFFFF800  }
.LBB2_10:
0xb1: {  	_ =	sfence.sel $0x180000  }
0xb2: {  	[bflag:$0x0] =	sbarrier.arrive $0xFFFF  }
0xb3: {  	_ =	strace $0x9000004A  }
0xb4: {  	s0 =	stileid.u32;
	[bflag:$0x2] =	sbarrier.arrive $0xFFFF  }
0xb5: {  	p0 =	sne.s32 s0, $0x0;
	s0 =	rddreg [dreg:$0x2]  }
0xb6: {  	s0 =	sadd.s32 @!p0 $0x100000, s0  }
0xb7: {  	[sflag:s0] =	ssyncadd.tile.s32 @!p0 $0x1;
	_ =	shalt  }
.Lfunc_end2:
_tile_overlayer_lowered:
.L_overlay_start_2:
0xb8: {  	(tag) =	ssettag $0x2  }
0xb9: {  	s0 =	rddreg [dreg:$0x0];
	s2 =	stileid.u32  }
0xba: {  	s1 =	rddreg [dreg:$0x1];
	p0 =	sne.s32 s2, $0x0  }
0xbb: {  	s3 =	rddreg [dreg:$0x2];
	[bflag:$0x3] =	sbarrier.arrive $0xFFFF;
	s2 =	simm.s32 @!p0 $0x1C02  }
0xbc: {  	[timem:s3], [sflag:s2] =	dma.local @!p0 [hbm:s0], s1  }
0xbd: {  	s0 =	simm.s32 @!p0 $0x2  }
0xbe: {  	_ =	swait.ge @!p0 [sflag:s0], s1  }
0xbf: {  	s1 =	ssub.s32 @!p0 $0x0, s1;
	[sflag:s0] =	ssyncset.done @!p0 $0x0  }
0xc0: {  	[sflag:s0] =	ssyncadd.s32 @!p0 s1  }
0xc1: {  	[bflag:$0x3] =	sbarrier.arrive $0xFFFF  }
0xc2: {  	_ =	shalt  }

// kernel: kernel.9.cloned.1.call-start
scs
__scs_entry_jumppad:
0x0: {  	(pc) =	sbr.rel $0x88, $3  }
0x1: {  	(tag) =	ssettag $0x0;
	lr =	simm.s32 $0x1  }
0x2: {  	[smem:$0x3F8D] =	sst lr;
	_ =	strace $0xD0000000  }
0x3: {  	_ = 	snop  }
0x4: {  	_ = 	snop  }
0x5: {  	_ = 	snop  }
0x6: {  	_ = 	snop  }
0x7: {  	_ = 	snop  }
__scs_overlays_trampoline_lowered:
0x8: {  	[smem:$0x3F9C] =	sst s0  }
0x9: {  	[smem:$0x3F9D] =	sst s1  }
0xa: {  	[smem:$0x3F9E] =	sst s2  }
0xb: {  	[smem:$0x3F9F] =	sst s3  }
0xc: {  	[smem:$0x3FA0] =	sst s4  }
0xd: {  	[smem:$0x3FA1] =	sst s5  }
0xe: {  	[smem:$0x3FA2] =	sst s6  }
0xf: {  	[smem:$0x3FA3] =	sst s7  }
0x10: {  	[smem:$0x3FA4] =	sst s8  }
0x11: {  	[smem:$0x3FA5] =	sst s9;
	s0 =	simm.s32 @!p0 $0x0  }
0x12: {  	s1 =	sld [smem:$0x3F8B];
	s0 =	simm.s32 @p0 $0x1  }
0x13: {  	[smem:$0x3FA6] =	sst s0;
	s0 =	simm.s32 @!p1 $0x0  }
0x14: {  	s2 =	sld [smem:$0x3F8A];
	s0 =	simm.s32 @p1 $0x1  }
0x15: {  	[smem:$0x3FA7] =	sst s0;
	s0 =	simm.s32 @!p2 $0x0  }
0x16: {  	s3 =	sld [smem:$0x3FDB];
	s0 =	simm.s32 @p2 $0x1  }
0x17: {  	s4 =	simm.s32 $0x1BF5;
	[smem:$0x3FA9] =	sst s0  }
0x18: {  	s0 =	sld [smem:$0x3F8C];
	_ =	swait.ge [sflag:s4], $0x0  }
0x19: {  	s7 =	sld [smem:$0x3F8D]  }
0x1a: {  	s8 =	sadd.s32 $0xFFFFE003, lr  }
0x1b: {  	s9 =	sadd.s32 $0xFFFFFEF7, lr;
	s5 =	simm.s32 $0xFFFFFFFF;
	p2 =	slt.u32 s8, $0xFFFFF086  }
0x1c: {  	p1 =	slt.u32 s9, $0xF7A;
	s5 =	simm.s32 @!p2 $0x0  }
0x1d: {  	s5 =	simm.s32 @p1 $0x1;
	p0 =	seq.s32 s7, s2  }
0x1e: {  	s7 =	smul.u32 @!p0 $0xF7A, s2;
	p2 =	seq.s32 @!p0 s5, $0x0  }
0x1f: {  	s9 =	smul.u32 $0xF7A, s1;
	s8 =	simm.s32 @!p0 $0x1BF5;
	p2 =	por !p2, p0  }
0x20: {  	[sflag:s8] =	ssyncset.s32 @!p0 $0xFFFFF086;
	s6 =	sadd.s32 @!p0 s3, s7;
	s7 =	simm.s32 @!p0 $0x108  }
0x21: {  	s3 =	sadd.s32 s3, s9;
	s6 =	sadd.s32 @!p0 $0x88, s6;
	s7 =	simm.s32 @p2 $0x1082  }
0x22: {  	[simem:s7], [sflag:s8] =	dma.local @!p0 [hbm:s6], $0xF7A  }
0x23: {  	s9 =	sor.u32 $0xD0000000, s2;
	s6 =	simm.s32 $0x108;
	_ =	swait.ge @!p0 [sflag:s8], $0x0  }
0x24: {  	s3 =	sadd.s32 $0x88, s3;
	s6 =	simm.s32 @!p1 $0x1082;
	[sflag:s4] =	ssyncset.s32 $0xFFFFF086  }
0x25: {  	[simem:s6], [sflag:s4] =	dma.local [hbm:s3], $0xF7A  }
0x26: {  	[smem:$0x3F8D] =	sst s1;
	(tag) =	ssettag s2;
	_ =	strace s9  }
0x27: {  	s1 =	sld [smem:$0x3F9D]  }
0x28: {  	s2 =	sld [smem:$0x3F9E]  }
0x29: {  	s4 =	sld [smem:$0x3FA0]  }
0x2a: {  	p0 =	seq.s32 s5, $0x0;
	s5 =	sld [smem:$0x3FA1]  }
0x2b: {  	s6 =	sld [smem:$0x3FA2]  }
0x2c: {  	s7 =	sld [smem:$0x3FA3]  }
0x2d: {  	s3 =	simm.s32 $0x108;
	s8 =	sld [smem:$0x3FA4]  }
0x2e: {  	s3 =	simm.s32 @!p0 $0x1082;
	s9 =	sld [smem:$0x3FA5]  }
0x2f: {  	lr =	sadd.s32 s0, s3;
	s0 =	sld [smem:$0x3F9C]  }
0x30: {  	s3 =	sld [smem:$0x3F9F]  }
0x31: {  	[smem:$0x3FA8] =	sst s10  }
0x32: {  	s10 =	sld [smem:$0x3FA6];
	_ =	sdelay $0x3  }
0x33: {  	p0 =	seq.s32 s10, $0x1;
	s10 =	sld [smem:$0x3FA8];
	_ =	sdelay $0x3  }
0x34: {  	[smem:$0x3FA8] =	sst s10  }
0x35: {  	s10 =	sld [smem:$0x3FA7];
	_ =	sdelay $0x3  }
0x36: {  	p1 =	seq.s32 s10, $0x1;
	s10 =	sld [smem:$0x3FA8];
	_ =	sdelay $0x3  }
0x37: {  	[smem:$0x3FA8] =	sst s10  }
0x38: {  	s10 =	sld [smem:$0x3FA9]  }
0x39: {  	_ = 	snop;
	(pc) =	sbr.ind lr, $3  }
0x3a: {  	_ = 	snop  }
0x3b: {  	_ = 	snop  }
0x3c: {  	p2 =	seq.s32 s10, $0x1;
	s10 =	sld [smem:$0x3FA8]  }
0x3d: {  	_ =	shalt  }
0x3e: {  	_ =	shalt  }
0x3f: {  	_ =	shalt  }
0x40: {  	_ =	shalt  }
0x41: {  	_ =	shalt  }
0x42: {  	_ =	shalt  }
0x43: {  	_ =	shalt  }
0x44: {  	_ =	shalt  }
0x45: {  	_ =	shalt  }
0x46: {  	_ =	shalt  }
0x47: {  	_ =	shalt  }
0x48: {  	_ =	shalt  }
0x49: {  	_ =	shalt  }
0x4a: {  	_ =	shalt  }
0x4b: {  	_ =	shalt  }
0x4c: {  	_ =	shalt  }
0x4d: {  	_ =	shalt  }
0x4e: {  	_ =	shalt  }
0x4f: {  	_ =	shalt  }
0x50: {  	_ =	shalt  }
0x51: {  	_ =	shalt  }
0x52: {  	_ =	shalt  }
0x53: {  	_ =	shalt  }
0x54: {  	_ =	shalt  }
0x55: {  	_ =	shalt  }
0x56: {  	_ =	shalt  }
0x57: {  	_ =	shalt  }
0x58: {  	_ =	shalt  }
0x59: {  	_ =	shalt  }
0x5a: {  	_ =	shalt  }
0x5b: {  	_ =	shalt  }
0x5c: {  	_ =	shalt  }
0x5d: {  	_ =	shalt  }
0x5e: {  	_ =	shalt  }
0x5f: {  	_ =	shalt  }
0x60: {  	_ =	shalt  }
0x61: {  	_ =	shalt  }
0x62: {  	_ =	shalt  }
0x63: {  	_ =	shalt  }
0x64: {  	_ =	shalt  }
0x65: {  	_ =	shalt  }
0x66: {  	_ =	shalt  }
0x67: {  	_ =	shalt  }
0x68: {  	_ =	shalt  }
0x69: {  	_ =	shalt  }
0x6a: {  	_ =	shalt  }
0x6b: {  	_ =	shalt  }
0x6c: {  	_ =	shalt  }
0x6d: {  	_ =	shalt  }
0x6e: {  	_ =	shalt  }
0x6f: {  	_ =	shalt  }
0x70: {  	_ =	shalt  }
0x71: {  	_ =	shalt  }
0x72: {  	_ =	shalt  }
0x73: {  	_ =	shalt  }
0x74: {  	_ =	shalt  }
0x75: {  	_ =	shalt  }
0x76: {  	_ =	shalt  }
0x77: {  	_ =	shalt  }
0x78: {  	_ =	shalt  }
0x79: {  	_ =	shalt  }
0x7a: {  	_ =	shalt  }
0x7b: {  	_ =	shalt  }
0x7c: {  	_ =	shalt  }
0x7d: {  	_ =	shalt  }
0x7e: {  	_ =	shalt  }
0x7f: {  	_ =	shalt  }
0x80: {  	_ =	shalt  }
0x81: {  	_ =	shalt  }
0x82: {  	_ =	shalt  }
0x83: {  	_ =	shalt  }
0x84: {  	_ =	shalt  }
0x85: {  	_ =	shalt  }
0x86: {  	_ =	shalt  }
0x87: {  	_ =	shalt  }
.Lfunc_end0:
.L_simem_size_0:
called_computation_lowered:
.L_overlay_start_0:
0x88: {  	s2 =	sld [smem:$0x3FD9]  }
0x89: {  	s3 =	sld [smem:$0x3FFE];
	_ =	sdelay $0x1  }
0x8a: {  	s1 =	srdreg.scid  }
0x8b: {  	s0 =	sand.u32 $0x1, s1  }
0x8c: {  	s16 =	sshll.u32 s0, $0xA;
	s2 =	sadd.s32 s3, s2  }
0x8d: {  	s2 =	sadd.s32 s2, s16  }
0x8e: {  	[smem:$0x3FB4] =	sst s2  }
0x8f: {  	_ = 	snop  }
0x90: {  	(tm) =	ssettm $0x1  }
0x91: {  	s17 =	sld [smem:$0x3FFB];
	_ =	sdelay $0x3  }
0x92: {  	_ =	strace s17  }
0x93: {  	s2 =	sld [smem:$0x3FFC];
	_ =	sdelay $0x3  }
0x94: {  	_ =	strace s2  }
0x95: {  	s2 =	sld [smem:$0x3FFD];
	_ =	sdelay $0x3  }
0x96: {  	_ =	strace s2  }
0x97: {  	_ =	strace $0x8FFFFFFF  }
0x98: {  	s18 =	sld [smem:$0x3FDB];
	_ =	sdelay $0x1  }
0x99: {  	s19 =	simm.s32 $_scs_section_size  }
0x9a: {  	s4 =	simm.s32 $_size__tile_overlayer_lowered;
	s5 =	simm.s32 $_tile_overlayer_lowered  }
0x9b: {  	s22 =	simm.s32 $0x1BFF;
	s21 =	sshll.u32 s5, $0x1;
	s2 =	sadd.s32 s19, s18  }
0x9c: {  	s6 =	simm.s32 $0x0;
	s20 =	sshll.u32 s4, $0x1;
	s4 =	sadd.s32 s21, s2  }
0x9d: {  	[timem:s6], [sflag:s22] =	dma.local [hbm:s4], s20  }
0x9e: {  	_ =	swait.ge [sflag:s22], s20  }
0x9f: {  	s3 =	ssub.s32 $0x0, s20;
	[sflag:s22] =	ssyncset.done $0x0  }
0xa0: {  	[sflag:s22] =	ssyncadd.s32 s3;
	_ =	sdelay $0x1  }
0xa1: {  	s23 =	simm.s32 $0x1B8B  }
0xa2: {  	_ =	swait.ge [sflag:s23], $0x1  }
0xa3: {  	[sflag:s23] =	ssyncset.done $0x0  }
0xa4: {  	s25 =	simm.s32 $0x1B8E;
	s24 =	sld [smem:$0x3FFE];
	[sflag:s23] =	ssyncadd.s32 $0xFFFFFFFF  }
0xa5: {  	s26 =	simm.s32 $execute0_lowered;
	[smem:$0x3FD2] =	sst s25  }
0xa6: {  	s4 =	sshll.u32 s26, $0x1;
	_ =	strace $0x80000046;
	[dreg:$0x1] =	wrdreg $0xFFFFFFFF  }
0xa7: {  	s28 =	simm.s32 $_size_execute0_lowered;
	s2 =	sadd.s32 s2, s4;
	[dreg:$0x0] =	wrdreg $0x0  }
0xa8: {  	s4 =	sshll.u32 s28, $0x1;
	[dreg:$0x2] =	wrdreg s2  }
0xa9: {  	[dreg:$0x3] =	wrdreg s4  }
0xaa: {  	[dreg:$0x4] =	wrdreg $0xC0  }
0xab: {  	_ =	task [dreg:s6], $0x5FFFF  }
0xac: {  	[dreg:$0x1] =	wrdreg $0xFFFFFFFF  }
0xad: {  	[dreg:$0x0] =	wrdreg $0x60  }
0xae: {  	[dreg:$0x2] =	wrdreg s24  }
0xaf: {  	[dreg:$0x3] =	wrdreg $0x55000  }
0xb0: {  	[dreg:$0x4] =	wrdreg $0x9  }
0xb1: {  	_ =	task.clear_ibuf [dreg:s6], $0x5FFFF;
	_ =	strace $0x90000046  }
0xb2: {  	s29 =	simm.s32 $0x9;
	_ =	strace $0x80000048  }
0xb3: {  	_ =	swait.ge [sflag:s29], $0x1  }
0xb4: {  	[sflag:s29] =	ssyncadd.s32 $0xFFFFFFFF  }
0xb5: {  	_ =	strace $0x90000048  }
0xb6: {  	_ =	sfence  }
0xb7: {  	s30 =	sld [smem:$0x0];
	_ =	sdelay $0x2  }
0xb8: {  	s31 =	sshll.u32 s1, $0xD;
	s1 =	sshrl.u32 s1, $0x2  }
0xb9: {  	s3 =	sand.u32 $0x4000, s31;
	s1 =	sadd.s32 s1, s30  }
0xba: {  	s0 =	sor.u32 s3, s0;
	s1 =	sshll.u32 s1, $0x11  }
0xbb: {  	s0 =	sor.u32 s1, s0  }
0xbc: {  	s0 =	sadd.s32 $0x8F2B, s0  }
0xbd: {  	[sflag:s0] =	ssyncadd.remote.s32 $0x1  }
0xbe: {  	_ =	sfence.sel $0xFFFF  }
0xbf: {  	[dreg:$0x0] =	wrdreg $0xFFFFFFFF;
	(pc) =	sbr.abs _section_cstart, $3  }
0xc0: {  	[dreg:$0x1] =	wrdreg $0xFFFFFFFF  }
0xc1: {  	_ =	task.clear_ibuf [dreg:s6], $0x2FFFF;
	_ =	strace $0x9FFFFFFF  }
0xc2: {  	(tm) =	ssettm $0x7FFFFFFF  }
0xc3: {  	_ =	shalt  }
tec
execute0_lowered:
.L_overlay_start_1:
0x0: {  	(tag) =	ssettag $0x1  }
0x1: {  	s0 =	rddreg [dreg:$0x0]  }
0x2: {  	s1 =	rddreg [dreg:$0x1];
	s2 =	simm.s32 $0x0;
	s3 =	srdreg.scid  }
0x3: {  	s12 =	stileid.u32;
	s15 =	simm.s32 $0x500;
	s16 =	simm.s32 $0x2  }
0x4: {  	s17 =	simm.s32 $0x3;
	s18 =	simm.s32 $0x280;
	s28 =	simm.s32 $0x180  }
0x5: {  	s29 =	simm.s32 $0x1D00;
	s30 =	simm.s32 $0x200;
	s31 =	simm.s32 $0x2500  }
0x6: {  	[smem:$0x7FF] =	sst s2;
	s4 =	sand.u32 $0x1, s3;
	s5 =	sadd.s32 $0x6E4400, s0  }
0x7: {  	s6 =	sadd.s32 $0x6600, s0;
	s9 =	smul.u32 $0x30E00, s12;
	s7 =	sadd.s32 $0xC9C00, s0  }
0x8: {  	s11 =	smul.u32 $0xC380, s12;
	_ =	strace $0x80000047;
	s8 =	ssub.s32 $0x2, s4  }
0x9: {  	s3 =	smul.u32 $0x18700, s4;
	s10 =	sshrl.u32 s8, $0x1;
	s20 =	sshrl.u32 s9, $0x2  }
0xa: {  	s21 =	sadd.s32 s11, s1;
	s26 =	sshrl.u32 s11, $0x3;
	s11 =	simm.s32 $0x480  }
0xb: {  	s0 =	sadd.s32 s3, s0;
	s19 =	ssub.s32 s8, s10;
	s10 =	sadd.s32 s20, s1  }
0xc: {  	s8 =	sshll.u32 s12, $0x1;
	[dreg:$0x4] =	wrdreg s21;
	s22 =	sadd.s32 $0x2800, s10  }
0xd: {  	s21 =	simm.s32 $0x80;
	s23 =	sadd.s32 $0x5000, s10;
	[dreg:$0x5] =	wrdreg s22  }
0xe: {  	s24 =	sadd.s32 $0x7800, s10;
	s25 =	sadd.s32 $0xA000, s10;
	[dreg:$0x6] =	wrdreg s23  }
.Ltmp0:
0xf: {  	s0 =	sadd.s32 $0x72DC00, s0;
	[dreg:$0x7] =	wrdreg s24;
	(pc) =	sbr.rel .LBB2_1-.Ltmp0, $4  }
0x10: {  	s3 =	smax.u32 s19, $0x1;
	s19 =	simm.s32 $0x1;
	[dreg:$0x8] =	wrdreg s25  }
0x11: {  	s10 =	simm.s32 $0x400;
	[dreg:$0x9] =	wrdreg s3;
	s23 =	simm.s32 $0xD00  }
0x12: {  	s0 =	sadd.s32 s26, s0;
	s25 =	simm.s32 $0x100;
	s26 =	simm.s32 $0x1500  }
0x13: {  	v0 =	vimm.f32 $0.0e+00;
	s3 =	simm.s32 $0x380;
	[dreg:$0xa] =	wrdreg s0;
	s0 =	simm.s32 $0x300  }
.LBB2_9:
0x14: {  	s2 =	stileid.u32;
	[bflag:$0x0] =	sbarrier.arrive $0xFFFF  }
0x15: {  	s2 =	sshll.u32 s2, $0x6;
	s9 =	rddreg [dreg:$0x4]  }
0x16: {  	s12 =	rddreg [dreg:$0xa];
	s2 =	sor.u32 $0x1C02, s2;
	s9 =	sshrl.u32 s9, $0x3  }
0x17: {  	[hbm:s12], [sflag:s2] =	dma.local [spmem:s9], $0x1870  }
0x18: {  	_ =	swait.ge [sflag:s16], $0x1870  }
0x19: {  	s22 =	rddreg [dreg:$0x3]  }
0x1a: {  	s24 =	rddreg [dreg:$0x9];
	s2 =	sadd.s32 $0x1, s22  }
0x1b: {  	p0 =	sne.s32 s2, s24  }
.Ltmp1:
0x1c: {  	_ = 	snop;
	(pc) =	sbr.rel @!p0 .LBB2_10-.Ltmp1, $3  }
0x1d: {  	_ =	sdelay $0x1  }
0x1e: {  	[sflag:s16] =	ssyncset.done $0x0  }
0x1f: {  	[sflag:s16] =	ssyncadd.s32 $0xFFFFE790  }
.LBB2_1:
0x20: {  	s12 =	simm.s32 $0x40;
	s13 =	simm.s32 $0x0  }
.LBB2_2:
0x21: {  	p0 =	sne.s32 s12, $0x9FC0;
	[tilespmem:s13+$0x500] =	vst v0;
	s13 =	smov.u32 s12;
	s12 =	sadd.s32 $0x40, s12  }
.Ltmp2:
0x22: {  	(pc) =	sbr.rel @p0 .LBB2_2-.Ltmp2, $2  }
0x23: {  	_ =	sdelay $0x2  }
0x24: {  	s13 =	sshra.s32 s13, $0x2  }
0x25: {  	[dreg:$0x3] =	wrdreg s2  }
0x26: {  	[tilespmem:s13+$0x500] =	vst v0;
	s13 =	rddreg [dreg:$0x4]  }
0x27: {  	[spmem:s13] =	stream.linear.scatter [tilespmem:s15], [sflag:$0x2], $0x2800, $0x38;
	[tilespmem:$0x11880] =	vst v63  }
0x28: {  	_ =	swait.ge [sflag:s16], $0x2800  }
0x29: {  	[sflag:s16] =	ssyncset.done $0x0  }
0x2a: {  	s14 =	rddreg [dreg:$0x5];
	[sflag:s16] =	ssyncadd.s32 $0xFFFFD800  }
0x2b: {  	[spmem:s14] =	stream.linear.scatter [tilespmem:s15], [sflag:$0x2], $0x2800, $0x38;
	[tilespmem:$0x11880] =	vst v63  }
0x2c: {  	_ =	swait.ge [sflag:s16], $0x2800  }
0x2d: {  	[sflag:s16] =	ssyncset.done $0x0  }
0x2e: {  	s20 =	rddreg [dreg:$0x6];
	[sflag:s16] =	ssyncadd.s32 $0xFFFFD800  }
0x2f: {  	[spmem:s20] =	stream.linear.scatter [tilespmem:s15], [sflag:$0x2], $0x2800, $0x38;
	[tilespmem:$0x11880] =	vst v63  }
0x30: {  	_ =	swait.ge [sflag:s16], $0x2800  }
0x31: {  	[sflag:s16] =	ssyncset.done $0x0  }
0x32: {  	s22 =	rddreg [dreg:$0x7];
	[sflag:s16] =	ssyncadd.s32 $0xFFFFD800  }
0x33: {  	[spmem:s22] =	stream.linear.scatter [tilespmem:s15], [sflag:$0x2], $0x2800, $0x38;
	[tilespmem:$0x11880] =	vst v63  }
0x34: {  	_ =	swait.ge [sflag:s16], $0x2800  }
0x35: {  	[sflag:s16] =	ssyncset.done $0x0  }
0x36: {  	s24 =	rddreg [dreg:$0x8];
	[sflag:s16] =	ssyncadd.s32 $0xFFFFD800  }
0x37: {  	[spmem:s24] =	stream.linear.scatter [tilespmem:s15], [sflag:$0x2], $0x2380, $0x38;
	[tilespmem:$0x11880] =	vst v63  }
.Ltmp3:
0x38: {  	_ =	swait.ge [sflag:s16], $0x2380;
	(pc) =	sbr.rel .LBB2_4-.Ltmp3, $4  }
0x39: {  	[sflag:s16] =	ssyncset.done $0x0  }
0x3a: {  	[sflag:s16] =	ssyncadd.s32 $0xFFFFDC80  }
0x3b: {  	[bflag:$0x0] =	sbarrier.arrive $0xFFFF  }
0x3c: {  	s12 =	simm.s32 $0x0  }
.LBB2_8:
0x3d: {  	s12 =	sadd.s32 $0x1, s12  }
0x3e: {  	p0 =	sne.s32 s12, $0x9D  }
.Ltmp4:
0x3f: {  	_ = 	snop;
	(pc) =	sbr.rel @!p0 .LBB2_9-.Ltmp4, $1  }
0x40: {  	_ =	sdelay $0x3  }
.LBB2_4:
0x41: {  	s13 =	sshll.u32 s12, $0x5  }
0x42: {  	s13 =	sor.u32 s8, s13  }
0x43: {  	p0 =	sgt.u32 s13, $0x1387  }
.Ltmp5:
0x44: {  	_ = 	snop;
	(pc) =	sbr.rel @p0 .LBB2_8-.Ltmp5, $1  }
0x45: {  	_ =	sdelay $0x3  }
0x46: {  	s14 =	sor.u32 s4, s13  }
0x47: {  	s24 =	smul.u32 $0x280, s14;
	_ =	sdelay $0x1  }
0x48: {  	s24 =	sshrl.u32 s24, $0x3  }
0x49: {  	s24 =	sadd.s32 s6, s24  }
0x4a: {  	s2 =	simm.s32 $0x0;
	s20 =	smulhi.u32 $0x51EB851F, s14;
	s9 =	sadd.s32 $0x61A80, s24  }
0x4b: {  	[tilespmem:s2], [sflag:$0x3] =	stream.linear.gather [hbm4b:s9+s2], $0x280, $0x38;
	[tilespmem:$0x11880] =	vst v63  }
0x4c: {  	s13 =	sand.u32 $0xFFF8, s13;
	s9 =	sshrl.u32 s20, $0x3  }
0x4d: {  	s13 =	sshrl.u32 s13, $0x3;
	s22 =	sand.u32 $0x7, s9  }
0x4e: {  	p0 =	slt.u32 s14, $0x19;
	s13 =	smul.u32 $0x147B, s13;
	p1 =	sne.s32 s22, $0x0  }
0x4f: {  	s9 =	smul.u32 $0x19, s9;
	p0 =	por !p0, !p1  }
0x50: {  	s13 =	sshrl.u32 s13, $0x11;
	s22 =	simm.s32 $0x1;
	p0 =	por !p0, !p0  }
0x51: {  	_ =	swait.ge [sflag:s17], $0x280;
	s9 =	ssub.s32 s14, s9;
	s22 =	simm.s32 @!p0 $0x0  }
0x52: {  	[sflag:s17] =	ssyncset.done $0x0;
	s9 =	smul.u32 $0x280, s9;
	s13 =	ssub.s32 s13, s22  }
0x53: {  	[sflag:s17] =	ssyncadd.s32 $0xFFFFFD80;
	s13 =	smul.u32 $0x3E80, s13  }
0x54: {  	[tilespmem:s18], [sflag:$0x3] =	stream.linear.gather [hbm4b:s24+s2], $0x280, $0x38;
	[tilespmem:$0x11880] =	vst v63  }
0x55: {  	s20 =	sshll.u32 s20, $0x1;
	s9 =	sadd.s32 s9, s13  }
0x56: {  	s13 =	sand.u32 $0x70, s20;
	s9 =	sshll.u32 s9, $0x7  }
0x57: {  	_ =	swait.ge [sflag:s17], $0x280;
	s9 =	sor.u32 s13, s9  }
0x58: {  	s24 =	simm.s32 $0x2D00;
	[sflag:s17] =	ssyncset.done $0x0;
	s9 =	sshrl.u32 s9, $0x3  }
0x59: {  	s22 =	simm.s32 $0x10;
	[sflag:s17] =	ssyncadd.s32 $0xFFFFFD80;
	s9 =	sadd.s32 s7, s9  }
0x5a: {  	[tilespmem:s24], [sflag:$0x3] =	stream.strided.gather [hbm4b:s9+s22], $0x2800, s21, s22, $0x38;
	[tilespmem:$0x11880] =	vst v63  }
0x5b: {  	_ =	swait.ge [sflag:s17], $0x2800  }
0x5c: {  	[sflag:s17] =	ssyncset.done $0x0  }
0x5d: {  	[sflag:s17] =	ssyncadd.s32 $0xFFFFD800  }
0x5e: {  	[tilespmem:s15], [sflag:$0x1] =	stream.indirect.gather [hbm4b:s5+s21], $0x10, s2, s21, $0xb8;
	[tilespmem:$0x11880] =	vst v63  }
0x5f: {  	_ = 	snop  }
0x60: {  	[tilespmem:s23], [sflag:$0x1] =	stream.indirect.gather [hbm4b:s5+s21], $0x10, s21, s21, $0xb8;
	[tilespmem:$0x11880] =	vst v63  }
0x61: {  	_ = 	snop  }
0x62: {  	[tilespmem:s26], [sflag:$0x1] =	stream.indirect.gather [hbm4b:s5+s21], $0x10, s25, s21, $0xb8;
	[tilespmem:$0x11880] =	vst v63  }
0x63: {  	_ = 	snop  }
0x64: {  	[tilespmem:s29], [sflag:$0x1] =	stream.indirect.gather [hbm4b:s5+s21], $0x10, s28, s21, $0xb8;
	[tilespmem:$0x11880] =	vst v63  }
0x65: {  	_ = 	snop  }
0x66: {  	[tilespmem:s31], [sflag:$0x1] =	stream.indirect.gather [hbm4b:s5+s21], $0x10, s30, s21, $0xb8;
	[tilespmem:$0x11880] =	vst v63  }
0x67: {  	_ =	swait.ge [sflag:s19], $0x800  }
0x68: {  	[sflag:s19] =	ssyncset.done $0x0  }
0x69: {  	[sflag:s19] =	ssyncadd.s32 $0xFFFFF800  }
0x6a: {  	_ =	swait.ge [sflag:s19], $0x800  }
0x6b: {  	[sflag:s19] =	ssyncset.done $0x0  }
0x6c: {  	[sflag:s19] =	ssyncadd.s32 $0xFFFFF800  }
0x6d: {  	_ =	swait.ge [sflag:s19], $0x800  }
0x6e: {  	[sflag:s19] =	ssyncset.done $0x0  }
0x6f: {  	[sflag:s19] =	ssyncadd.s32 $0xFFFFF800  }
0x70: {  	_ =	swait.ge [sflag:s19], $0x800  }
0x71: {  	[sflag:s19] =	ssyncset.done $0x0  }
0x72: {  	[sflag:s19] =	ssyncadd.s32 $0xFFFFF800  }
0x73: {  	_ =	swait.ge [sflag:s19], $0x800  }
0x74: {  	[sflag:s19] =	ssyncset.done $0x0  }
0x75: {  	s13 =	simm.s32 $0x0;
	[sflag:s19] =	ssyncadd.s32 $0xFFFFF800  }
0x76: {  	v7 =	vld [tilespmem:s13+$0x2D00]  }
0x77: {  	v12 =	vld [tilespmem:s13+$0x2D10]  }
0x78: {  	v6 =	vld [tilespmem:s13+$0x2D20]  }
0x79: {  	v5 =	vld [tilespmem:s13+$0x2D30]  }
0x7a: {  	v4 =	vld [tilespmem:s13+$0x2D40]  }
0x7b: {  	v3 =	vld [tilespmem:s13+$0x2D50]  }
0x7c: {  	v2 =	vld [tilespmem:s13+$0x2D60]  }
0x7d: {  	v1 =	vld [tilespmem:s13+$0x2D70]  }
0x7e: {  	v13 =	vld [tilespmem:s13+$0x500]  }
0x7f: {  	v14 =	vld [tilespmem:s13+$0x510]  }
0x80: {  	v11 =	vld [tilespmem:s13+$0x520]  }
0x81: {  	v10 =	vld [tilespmem:s13+$0x530]  }
0x82: {  	v9 =	vld [tilespmem:s13+$0x540]  }
0x83: {  	v8 =	vld [tilespmem:s13+$0x550];
	v13 =	vadd.f32 v7, v13  }
0x84: {  	s14 =	simm.s32 $0x200;
	v12 =	vadd.f32 v12, v14;
	v7 =	vld [tilespmem:s13+$0x560]  }
.LBB2_6:
0x85: {  	s2 =	sshra.s32 s14, $0x2;
	p0 =	sne.s32 s14, $0x9E00;
	v13 =	vmax.f32 v13, $0.0e+00;
	v6 =	vadd.f32 v6, v11;
	v11 =	vld [tilespmem:s13+$0x570]  }
0x86: {  	v14 =	vld [tilespmem:s2+$0x2D00];
	[tilespmem:s13+$0x500] =	vst v13;
	v12 =	vmax.f32 v12, $0.0e+00;
	v5 =	vadd.f32 v5, v10  }
0x87: {  	v15 =	vld [tilespmem:s2+$0x2D10];
	[tilespmem:s13+$0x510] =	vst v12;
	v10 =	vmax.f32 v6, $0.0e+00;
	v4 =	vadd.f32 v4, v9  }
0x88: {  	v6 =	vld [tilespmem:s2+$0x2D20];
	[tilespmem:s13+$0x520] =	vst v10;
	v9 =	vmax.f32 v5, $0.0e+00;
	v3 =	vadd.f32 v3, v8  }
0x89: {  	v5 =	vld [tilespmem:s2+$0x2D30];
	[tilespmem:s13+$0x530] =	vst v9;
	v8 =	vmax.f32 v4, $0.0e+00;
	v2 =	vadd.f32 v2, v7  }
0x8a: {  	v4 =	vld [tilespmem:s2+$0x2D40];
	[tilespmem:s13+$0x540] =	vst v8;
	v7 =	vmax.f32 v3, $0.0e+00;
	v1 =	vadd.f32 v1, v11  }
0x8b: {  	v3 =	vld [tilespmem:s2+$0x2D50];
	[tilespmem:s13+$0x550] =	vst v7;
	v7 =	vmax.f32 v2, $0.0e+00  }
0x8c: {  	v2 =	vld [tilespmem:s2+$0x2D60];
	[tilespmem:s13+$0x560] =	vst v7;
	v7 =	vmax.f32 v1, $0.0e+00  }
0x8d: {  	v1 =	vld [tilespmem:s2+$0x2D70];
	[tilespmem:s13+$0x570] =	vst v7;
	s13 =	smov.u32 s2  }
0x8e: {  	v7 =	vld [tilespmem:s13+$0x500]  }
0x8f: {  	v12 =	vld [tilespmem:s13+$0x510]  }
.Ltmp6:
0x90: {  	v11 =	vld [tilespmem:s13+$0x520];
	(pc) =	sbr.rel @p0 .LBB2_6-.Ltmp6, $4  }
0x91: {  	v10 =	vld [tilespmem:s13+$0x530]  }
0x92: {  	v9 =	vld [tilespmem:s13+$0x540]  }
0x93: {  	v13 =	vadd.f32 v14, v7;
	v8 =	vld [tilespmem:s13+$0x550]  }
0x94: {  	s14 =	sadd.s32 $0x200, s14;
	v12 =	vadd.f32 v15, v12;
	v7 =	vld [tilespmem:s13+$0x560]  }
0x95: {  	v13 =	vmax.f32 v13, $0.0e+00;
	v6 =	vadd.f32 v6, v11;
	v63 =	vld [tilespmem:s13+$0x570]  }
0x96: {  	[tilespmem:s13+$0x500] =	vst v13;
	v12 =	vmax.f32 v12, $0.0e+00;
	v5 =	vadd.f32 v5, v10  }
0x97: {  	[tilespmem:s13+$0x510] =	vst v12;
	v6 =	vmax.f32 v6, $0.0e+00;
	v4 =	vadd.f32 v4, v9  }
0x98: {  	[tilespmem:s13+$0x520] =	vst v6;
	v5 =	vmax.f32 v5, $0.0e+00;
	v3 =	vadd.f32 v3, v8  }
0x99: {  	[tilespmem:s13+$0x530] =	vst v5;
	v4 =	vmax.f32 v4, $0.0e+00;
	v2 =	vadd.f32 v2, v7  }
0x9a: {  	[tilespmem:s13+$0x540] =	vst v4;
	v3 =	vmax.f32 v3, $0.0e+00;
	v1 =	vadd.f32 v1, v63  }
0x9b: {  	[tilespmem:s13+$0x550] =	vst v3;
	v2 =	vmax.f32 v2, $0.0e+00  }
0x9c: {  	[tilespmem:s13+$0x560] =	vst v2;
	v1 =	vmax.f32 v1, $0.0e+00  }
0x9d: {  	[tilespmem:s13+$0x570] =	vst v1  }
0x9e: {  	[spmem:s1] =	stream.indirect.scatter.add.f32 [tilespmem:s15], [sflag:$0x3], $0x10, s18, s21, $0xb8;
	[tilespmem:$0x11880] =	vst v63  }
0x9f: {  	_ =	swait.ge [sflag:s17], $0x800  }
0xa0: {  	[sflag:s17] =	ssyncset.done $0x0  }
0xa1: {  	[sflag:s17] =	ssyncadd.s32 $0xFFFFF800  }
0xa2: {  	[spmem:s1] =	stream.indirect.scatter.add.f32 [tilespmem:s23], [sflag:$0x3], $0x10, s0, s21, $0xb8;
	[tilespmem:$0x11880] =	vst v63  }
0xa3: {  	_ =	swait.ge [sflag:s17], $0x800  }
0xa4: {  	[sflag:s17] =	ssyncset.done $0x0  }
0xa5: {  	[sflag:s17] =	ssyncadd.s32 $0xFFFFF800  }
0xa6: {  	[spmem:s1] =	stream.indirect.scatter.add.f32 [tilespmem:s26], [sflag:$0x3], $0x10, s3, s21, $0xb8;
	[tilespmem:$0x11880] =	vst v63  }
0xa7: {  	_ =	swait.ge [sflag:s17], $0x800  }
0xa8: {  	[sflag:s17] =	ssyncset.done $0x0  }
0xa9: {  	[sflag:s17] =	ssyncadd.s32 $0xFFFFF800  }
0xaa: {  	[spmem:s1] =	stream.indirect.scatter.add.f32 [tilespmem:s29], [sflag:$0x3], $0x10, s10, s21, $0xb8;
	[tilespmem:$0x11880] =	vst v63  }
0xab: {  	_ =	swait.ge [sflag:s17], $0x800  }
0xac: {  	[sflag:s17] =	ssyncset.done $0x0  }
.Ltmp7:
0xad: {  	[sflag:s17] =	ssyncadd.s32 $0xFFFFF800;
	(pc) =	sbr.rel .LBB2_8-.Ltmp7, $4  }
0xae: {  	[spmem:s1] =	stream.indirect.scatter.add.f32 [tilespmem:s31], [sflag:$0x2], $0x10, s11, s21, $0xb8;
	[tilespmem:$0x11880] =	vst v63  }
0xaf: {  	_ =	swait.ge [sflag:s16], $0x800  }
0xb0: {  	[sflag:s16] =	ssyncset.done $0x0  }
0xb1: {  	[sflag:s16] =	ssyncadd.s32 $0xFFFFF800  }
.LBB2_10:
0xb2: {  	_ =	sfence.sel $0x180000  }
0xb3: {  	[bflag:$0x0] =	sbarrier.arrive $0xFFFF  }
0xb4: {  	_ =	strace $0x90000047  }
0xb5: {  	s0 =	stileid.u32;
	[bflag:$0x2] =	sbarrier.arrive $0xFFFF  }
0xb6: {  	p0 =	sne.s32 s0, $0x0;
	s0 =	rddreg [dreg:$0x2]  }
0xb7: {  	s0 =	sadd.s32 @!p0 $0x100000, s0  }
0xb8: {  	[sflag:s0] =	ssyncadd.tile.s32 @!p0 $0x1;
	_ =	shalt  }
.Lfunc_end2:
_tile_overlayer_lowered:
.L_overlay_start_2:
0xb9: {  	(tag) =	ssettag $0x2  }
0xba: {  	s0 =	rddreg [dreg:$0x0];
	s2 =	stileid.u32  }
0xbb: {  	s1 =	rddreg [dreg:$0x1];
	p0 =	sne.s32 s2, $0x0  }
0xbc: {  	s3 =	rddreg [dreg:$0x2];
	[bflag:$0x3] =	sbarrier.arrive $0xFFFF;
	s2 =	simm.s32 @!p0 $0x1C02  }
0xbd: {  	[timem:s3], [sflag:s2] =	dma.local @!p0 [hbm:s0], s1  }
0xbe: {  	s0 =	simm.s32 @!p0 $0x2  }
0xbf: {  	_ =	swait.ge @!p0 [sflag:s0], s1  }
0xc0: {  	s1 =	ssub.s32 @!p0 $0x0, s1;
	[sflag:s0] =	ssyncset.done @!p0 $0x0  }
0xc1: {  	[sflag:s0] =	ssyncadd.s32 @!p0 s1  }
0xc2: {  	[bflag:$0x3] =	sbarrier.arrive $0xFFFF  }
0xc3: {  	_ =	shalt  }

</sc_bundles>
